<compile_context>
chip_gen: v7x
topology: tpu7x:2x2x1
jax: 0.10.2.dev20260603
libtpu: 0.0.44.dev20260713+nightly
codegen_flags: <defaults>
</compile_context>

<pallas_src>
import functools

import jax
import jax.numpy as jnp
from jax import lax
from jax.experimental import pallas as pl
from jax.experimental.pallas import tpu as pltpu
from jax.experimental.pallas import tpu_sc as plsc

L = 16
NC, NS = 2, 16
NW = NC * NS
BATCH, CH, H, W = 16, 3, 512, 512
PLANE = H * W
TOTAL = BATCH * PLANE

SC_IMAGES = 5
TC_IMAGES = BATCH - SC_IMAGES
ROWS_PER_TILE = SC_IMAGES * H // NW
CHUNK_ROWS = 16
NCHUNKS = ROWS_PER_TILE // CHUNK_ROWS
VPR = W // L

TSIZE = 4096
TSCALE = 128.0
TOFF = TSIZE // 2

_C0 = 1.1447097560463857e-05
_C1 = 0.9991664010110767
_C2 = -0.48969909032090764
_C3 = 0.2838231830655365
_C4 = -0.12995719765851482
_C5 = 0.029808765243560027

_D0 = 0.0005721672283739068
_D1 = 0.9812560175991418
_D2 = -0.394195610913949
_D3 = 0.10584377187810114

_mesh = plsc.VectorSubcoreMesh(core_axis_name="c", subcore_axis_name="s")


@functools.partial(
    pl.kernel,
    mesh=_mesh,
    out_type=jax.ShapeDtypeStruct((NW, 4 * L), jnp.float32),
    scratch_types=[
        pltpu.VMEM((CHUNK_ROWS, W), jnp.float32),
        pltpu.VMEM((CHUNK_ROWS, W), jnp.float32),
        pltpu.VMEM((CHUNK_ROWS, W), jnp.float32),
        pltpu.VMEM((CHUNK_ROWS, W), jnp.float32),
        pltpu.VMEM((TSIZE,), jnp.float32),
        pltpu.VMEM((4 * L,), jnp.float32),
        pltpu.SemaphoreType.DMA,
        pltpu.SemaphoreType.DMA,
        pltpu.SemaphoreType.DMA,
        pltpu.SemaphoreType.DMA,
    ],
    compiler_params=pltpu.CompilerParams(needs_layout_passes=False),
)
def _sc_partials(p_hbm, g_hbm, out_hbm, pb0, pb1, gb0, gb1, tab, accv,
                 sp0, sp1, sg0, sg1):
    cid = lax.axis_index("c")
    sid = lax.axis_index("s")
    wid = sid * NC + cid
    grow0 = wid * ROWS_PER_TILE
    zero = jnp.zeros((L,), jnp.float32)
    lane = lax.iota(jnp.int32, L)

    def build(i, _):
        kf = (lane + i * L).astype(jnp.float32)
        q = (kf - float(TOFF)) * (1.0 / TSCALE)
        m = jnp.maximum(q, 0.0)
        u = jnp.exp(-jnp.abs(q))
        t = _C5 * u + _C4
        t = t * u + _C3
        t = t * u + _C2
        t = t * u + _C1
        t = t * u + _C0
        tcol = pl.multiple_of(i * L, L)
        tab[pl.ds(tcol, L)] = m + t
        return 0

    lax.fori_loop(0, TSIZE // L, build, 0)

    def start(ci, pb, gb, sp, sg):
        gr = grow0 + ci * CHUNK_ROWS
        img = lax.div(gr, H)
        r0 = lax.rem(gr, H)
        hp = pltpu.async_copy(
            p_hbm.at[img, 0, pl.ds(r0, CHUNK_ROWS), :], pb, sp)
        hg = pltpu.async_copy(
            g_hbm.at[img, 0, pl.ds(r0, CHUNK_ROWS), :], gb, sg)
        return hp, hg

    UNROLL = 8
    GRPS = W // (UNROLL * L)

    def consume(pb, gb, acc):
        def grp_body(i, carry):
            aA0, aB0, aC0, aG0, aA1, aB1, aC1, aG1 = carry
            r = lax.shift_right_logical(i, 2)
            c0 = pl.multiple_of(
                lax.shift_left(lax.bitwise_and(i, GRPS - 1), 7), UNROLL * L)
            for j in range(UNROLL):
                p = pb[r, pl.ds(c0 + j * L, L)]
                g = gb[r, pl.ds(c0 + j * L, L)]
                idxf = p * TSCALE + (TOFF + 0.5)
                idxf = jnp.minimum(jnp.maximum(idxf, 0.0), TSIZE - 1.0)
                idx = idxf.astype(jnp.int32)
                v = plsc.load_gather(tab, [idx])
                if j % 2 == 0:
                    aA0 = aA0 + v
                    aB0 = aB0 + g * v
                    aC0 = aC0 + g * p
                    aG0 = aG0 + g
                else:
                    aA1 = aA1 + v
                    aB1 = aB1 + g * v
                    aC1 = aC1 + g * p
                    aG1 = aG1 + g
            return (aA0, aB0, aC0, aG0, aA1, aB1, aC1, aG1)

        return lax.fori_loop(0, CHUNK_ROWS * GRPS, grp_body, acc)

    acc = (zero,) * 8
    h = start(0, pb0, gb0, sp0, sg0)
    for ci in range(NCHUNKS):
        even = (ci % 2 == 0)
        pb, gb = (pb0, gb0) if even else (pb1, gb1)
        h[0].wait()
        h[1].wait()
        if ci + 1 < NCHUNKS:
            nxt = ((pb1, gb1, sp1, sg1) if even else (pb0, gb0, sp0, sg0))
            h = start(ci + 1, *nxt)
        acc = consume(pb, gb, acc)

    accv[pl.ds(0 * L, L)] = acc[0] + acc[4]
    accv[pl.ds(1 * L, L)] = acc[1] + acc[5]
    accv[pl.ds(2 * L, L)] = acc[2] + acc[6]
    accv[pl.ds(3 * L, L)] = acc[3] + acc[7]
    pltpu.sync_copy(accv, out_hbm.at[wid])


def _tc_body(p_ref, g_ref, out_ref):
    p = p_ref[0, 0]
    g = g_ref[0, 0]
    m = jnp.maximum(p, 0.0)
    u = jnp.exp(-jnp.abs(p))
    t = _D3 * u + _D2
    t = t * u + _D1
    t = t * u + _D0
    v = m + t
    out_ref[0, 0, 0] = jnp.sum(v)
    out_ref[0, 0, 1] = jnp.sum(g * v)
    out_ref[0, 0, 2] = jnp.sum(g * p)
    out_ref[0, 0, 3] = jnp.sum(g)


_tc_partials = pl.pallas_call(
    _tc_body,
    grid=(TC_IMAGES,),
    in_specs=[
        pl.BlockSpec((1, 1, H, W), lambda i: (i + SC_IMAGES, 0, 0, 0)),
        pl.BlockSpec((1, 1, H, W), lambda i: (i + SC_IMAGES, 0, 0, 0)),
    ],
    out_specs=pl.BlockSpec((1, 1, 4), lambda i: (i, 0, 0),
                           memory_space=pltpu.SMEM),
    out_shape=jax.ShapeDtypeStruct((TC_IMAGES, 1, 4), jnp.float32),
)


def kernel(predict, ground):
    sc = _sc_partials(predict, ground)
    tc = _tc_partials(predict, ground)
    s = (sc.reshape(NW, 4, L).sum(axis=(0, 2))
         + tc.sum(axis=(0, 1)))
    a, b, c, g1 = s[0], s[1], s[2], s[3]
    n = jnp.float32(TOTAL)
    loss1 = (b - c) / jnp.maximum(g1, 1.0)
    loss0 = (a - b) / jnp.maximum(n - g1, 1.0)
    return loss1 + 0.5 * loss0

# --- scband reference (transcript-rebuilt; emitter-appended) ---
"""Pipeline reference for scband-cross-entropy-loss-31636729102738 (READ-ONLY COPY).

The authoritative reference and input builder live on the scoring server;
editing this copy changes nothing except your own understanding.
"""

import jax, jax.numpy as jnp
import numpy as np


def setup_inputs(seed: int = 0) -> dict:
    key = jax.random.key(seed)
    k1, k2 = jax.random.split(key)
    predict = jax.random.normal(k1, (16, 3, 512, 512), dtype=jnp.float32)
    ground = jax.random.randint(k2, (16, 3, 512, 512), 0, 2).astype(jnp.float32)
    return {"predict": predict, "ground": ground}


def reference(predict, ground):
    # predict = predict[:, 0, :, :]; ground = ground[:, 0, :, :]
    p = predict[:, 0, :, :]
    g = ground[:, 0, :, :]
    # sigmoid then BCELoss (mean reduction) over the ground==1 subset and the
    # ground==0 subset. Boolean masking with dynamic shapes is replaced by the
    # mathematically identical masked-mean formulation.
    x = jax.nn.sigmoid(p)
    # torch.nn.BCELoss clamps log terms at -100
    logx = jnp.clip(jnp.log(x), -100.0, None)
    log1mx = jnp.clip(jnp.log(1.0 - x), -100.0, None)
    bce = -(g * logx + (1.0 - g) * log1mx)
    mask1 = (g == 1.0)
    mask0 = (g == 0.0)
    n1 = jnp.maximum(jnp.sum(mask1.astype(jnp.float32)), 1.0)
    n0 = jnp.maximum(jnp.sum(mask0.astype(jnp.float32)), 1.0)
    loss1 = jnp.sum(jnp.where(mask1, bce, 0.0)) / n1  # BCE(sigmoid(infer1), label1)
    loss2 = jnp.sum(jnp.where(mask0, bce, 0.0)) / n0  # BCE(sigmoid(infer2), label2)
    return loss1 + 0.5 * loss2

if __name__ == "__main__":
    import jax
    _d = setup_inputs()
    print(jax.jit(kernel)(*tuple(_d.values())))

</pallas_src>

<mosaic_0001>
#map = affine_map<(d0, d1) -> (0, 0, 0, 0)>
#map1 = affine_map<(d0, d1) -> (0, 0)>
module attributes {stable_mosaic.version = 14 : i64} {
  func.func @_sc_partials(%arg0: i32, %arg1: i32, %arg2: memref<16x3x512x512xf32, #tpu.memory_space<hbm>>, %arg3: memref<16x3x512x512xf32, #tpu.memory_space<hbm>>, %arg4: memref<32x64xf32, #tpu.memory_space<hbm>>, %arg5: memref<16x512xf32, #tpu.memory_space<vmem>>, %arg6: memref<16x512xf32, #tpu.memory_space<vmem>>, %arg7: memref<16x512xf32, #tpu.memory_space<vmem>>, %arg8: memref<16x512xf32, #tpu.memory_space<vmem>>, %arg9: memref<4096xf32, #tpu.memory_space<vmem>>, %arg10: memref<64xf32, #tpu.memory_space<vmem>>, %arg11: memref<!tpu.dma_semaphore, #tpu.memory_space<semaphore_mem>>, %arg12: memref<!tpu.dma_semaphore, #tpu.memory_space<semaphore_mem>>, %arg13: memref<!tpu.dma_semaphore, #tpu.memory_space<semaphore_mem>>, %arg14: memref<!tpu.dma_semaphore, #tpu.memory_space<semaphore_mem>>) attributes {dimension_semantics = [#tpu.dimension_semantics<core_parallel>, #tpu.dimension_semantics<subcore_parallel>], iteration_bounds = array<i64: 2, 16>, scalar_prefetch = 0 : i64, scratch_operands = 10 : i64, tpu.core_type = #tpu.core_type<sc_vector_subcore>, window_params = [{transform_indices = #map}, {transform_indices = #map}, {transform_indices = #map1}]} {
    %mul3A = arith.constant 2 : i32
    %mul3A_0 = arith.muli %arg1, %mul3A : i32
    %add3A = arith.addi %mul3A_0, %arg0 : i32
    %mul3A_1 = arith.constant 80 : i32
    %mul3A_2 = arith.muli %add3A, %mul3A_1 : i32
    %broadcast_in_dim3A = arith.constant 0.000000e+00 : f32
    %broadcast_in_dim3A_3 = vector.broadcast %broadcast_in_dim3A : f32 to vector<16xf32>
    %iota3A = tpu.iota {dimensions = array<i32: 0>} : vector<16xi32>
    %scan3A = arith.constant 0 : i32
    %scan3A_4 = arith.constant 0 : i32
    %scan3A_5 = arith.constant 256 : i32
    %scan3A_6 = arith.addi %scan3A_4, %scan3A_5 : i32
    %scan3A_7 = arith.constant 1 : i32
    %scan3A_8 = scf.for %scan3A_217 = %scan3A_4 to %scan3A_6 step %scan3A_7 iter_args(%scan3A_218 = %scan3A) -> (i32)  : i32 {
      %mul3A_219 = arith.constant 16 : i32
      %mul3A_220 = arith.muli %scan3A_217, %mul3A_219 : i32
      %add3A_221 = vector.broadcast %mul3A_220 : i32 to vector<16xi32>
      %add3A_222 = arith.addi %iota3A, %add3A_221 : vector<16xi32>
      %convert_element_type3A = arith.sitofp %add3A_222 : vector<16xi32> to vector<16xf32>
      %sub3A = arith.constant 2.048000e+03 : f32
      %sub3A_223 = vector.broadcast %sub3A : f32 to vector<16xf32>
      %sub3A_224 = arith.subf %convert_element_type3A, %sub3A_223 : vector<16xf32>
      %mul3A_225 = arith.constant 7.812500e-03 : f32
      %mul3A_226 = vector.broadcast %mul3A_225 : f32 to vector<16xf32>
      %mul3A_227 = arith.mulf %sub3A_224, %mul3A_226 : vector<16xf32>
      %max3A = arith.constant 0.000000e+00 : f32
      %max3A_228 = vector.broadcast %max3A : f32 to vector<16xf32>
      %max3A_229 = arith.maximumf %mul3A_227, %max3A_228 : vector<16xf32>
      %abs3A = math.absf %mul3A_227 : vector<16xf32>
      %neg3A = arith.constant 0.000000e+00 : f32
      %neg3A_230 = vector.broadcast %neg3A : f32 to vector<16xf32>
      %neg3A_231 = arith.subf %neg3A_230, %abs3A : vector<16xf32>
      %exp3A = math.exp %neg3A_231 : vector<16xf32>
      %mul3A_232 = arith.constant 0.0298087653 : f32
      %mul3A_233 = vector.broadcast %mul3A_232 : f32 to vector<16xf32>
      %mul3A_234 = arith.mulf %mul3A_233, %exp3A : vector<16xf32>
      %add3A_235 = arith.constant -0.129957199 : f32
      %add3A_236 = vector.broadcast %add3A_235 : f32 to vector<16xf32>
      %add3A_237 = arith.addf %mul3A_234, %add3A_236 : vector<16xf32>
      %mul3A_238 = arith.mulf %add3A_237, %exp3A : vector<16xf32>
      %add3A_239 = arith.constant 0.283823192 : f32
      %add3A_240 = vector.broadcast %add3A_239 : f32 to vector<16xf32>
      %add3A_241 = arith.addf %mul3A_238, %add3A_240 : vector<16xf32>
      %mul3A_242 = arith.mulf %add3A_241, %exp3A : vector<16xf32>
      %add3A_243 = arith.constant -0.489699095 : f32
      %add3A_244 = vector.broadcast %add3A_243 : f32 to vector<16xf32>
      %add3A_245 = arith.addf %mul3A_242, %add3A_244 : vector<16xf32>
      %mul3A_246 = arith.mulf %add3A_245, %exp3A : vector<16xf32>
      %add3A_247 = arith.constant 0.999166429 : f32
      %add3A_248 = vector.broadcast %add3A_247 : f32 to vector<16xf32>
      %add3A_249 = arith.addf %mul3A_246, %add3A_248 : vector<16xf32>
      %mul3A_250 = arith.mulf %add3A_249, %exp3A : vector<16xf32>
      %add3A_251 = arith.constant 1.14470977E-5 : f32
      %add3A_252 = vector.broadcast %add3A_251 : f32 to vector<16xf32>
      %add3A_253 = arith.addf %mul3A_250, %add3A_252 : vector<16xf32>
      %mul3A_254 = arith.constant 16 : i32
      %mul3A_255 = arith.muli %scan3A_217, %mul3A_254 : i32
      %multiple_of3A = tpu.assume_multiple %mul3A_255, 16 : i32
      %add3A_256 = arith.addf %max3A_229, %add3A_253 : vector<16xf32>
      %swap3A_257 = arith.index_cast %multiple_of3A : i32 to index
      %swap3A_258 = tpu.vector_load %arg9[%swap3A_257] {strides = array<i32>} : memref<4096xf32, #tpu.memory_space<vmem>>, vector<16xf32>,
      tpu.vector_store %arg9[%swap3A_257], %add3A_256 {strides = array<i32>} : memref<4096xf32, #tpu.memory_space<vmem>>, vector<16xf32>,
      %scan3A_259 = arith.constant 0 : i32
      scf.yield %scan3A_259 : i32
    }
    %scan3A_9 = arith.constant 256 : i32
    %add3A_10 = arith.constant 0 : i32
    %add3A_11 = arith.addi %mul3A_2, %add3A_10 : i32
    %div3A = arith.constant 512 : i32
    %div3A_12 = arith.divsi %add3A_11, %div3A : i32
    %rem3A = arith.constant 512 : i32
    %rem3A_13 = arith.remsi %add3A_11, %rem3A : i32
    %dma_start3A = arith.constant 0 : i32
    %dma_start3A_14 = arith.constant 0 : i32
    %dma_start3A_15 = tpu.memref_slice %arg2[%div3A_12, %dma_start3A, %rem3A_13, %dma_start3A_14] : memref<16x3x512x512xf32, #tpu.memory_space<hbm>> -> memref<1x1x16x512xf32, #tpu.memory_space<hbm>>
    %dma_start3A_16 = tpu.memref_squeeze %dma_start3A_15 : memref<1x1x16x512xf32, #tpu.memory_space<hbm>> -> memref<16x512xf32, #tpu.memory_space<hbm>>
    %dma_start3A_17 = arith.constant 0 : i32
    %dma_start3A_18 = tpu.memref_slice %arg2[%div3A_12, %dma_start3A, %rem3A_13, %dma_start3A_17] : memref<16x3x512x512xf32, #tpu.memory_space<hbm>> -> memref<1x1x16x512xf32, #tpu.memory_space<hbm>>
    %dma_start3A_19 = tpu.memref_squeeze %dma_start3A_18 : memref<1x1x16x512xf32, #tpu.memory_space<hbm>> -> memref<16x512xf32, #tpu.memory_space<hbm>>
    tpu.enqueue_dma source(%dma_start3A_19 : memref<16x512xf32, #tpu.memory_space<hbm>>) target(%arg5 : memref<16x512xf32, #tpu.memory_space<vmem>>) target_semaphore(%arg11 : memref<!tpu.dma_semaphore, #tpu.memory_space<semaphore_mem>>)
    %dma_start3A_20 = arith.constant 0 : i32
    %dma_start3A_21 = arith.constant 0 : i32
    %dma_start3A_22 = tpu.memref_slice %arg3[%div3A_12, %dma_start3A_20, %rem3A_13, %dma_start3A_21] : memref<16x3x512x512xf32, #tpu.memory_space<hbm>> -> memref<1x1x16x512xf32, #tpu.memory_space<hbm>>
    %dma_start3A_23 = tpu.memref_squeeze %dma_start3A_22 : memref<1x1x16x512xf32, #tpu.memory_space<hbm>> -> memref<16x512xf32, #tpu.memory_space<hbm>>
    %dma_start3A_24 = arith.constant 0 : i32
    %dma_start3A_25 = tpu.memref_slice %arg3[%div3A_12, %dma_start3A_20, %rem3A_13, %dma_start3A_24] : memref<16x3x512x512xf32, #tpu.memory_space<hbm>> -> memref<1x1x16x512xf32, #tpu.memory_space<hbm>>
    %dma_start3A_26 = tpu.memref_squeeze %dma_start3A_25 : memref<1x1x16x512xf32, #tpu.memory_space<hbm>> -> memref<16x512xf32, #tpu.memory_space<hbm>>
    tpu.enqueue_dma source(%dma_start3A_26 : memref<16x512xf32, #tpu.memory_space<hbm>>) target(%arg7 : memref<16x512xf32, #tpu.memory_space<vmem>>) target_semaphore(%arg13 : memref<!tpu.dma_semaphore, #tpu.memory_space<semaphore_mem>>)
    %dma_wait3A = arith.constant 0 : i32
    %dma_wait3A_27 = arith.constant 0 : i32
    %dma_wait3A_28 = tpu.memref_slice %arg2[%div3A_12, %dma_wait3A, %rem3A_13, %dma_wait3A_27] : memref<16x3x512x512xf32, #tpu.memory_space<hbm>> -> memref<1x1x16x512xf32, #tpu.memory_space<hbm>>
    %dma_wait3A_29 = tpu.memref_squeeze %dma_wait3A_28 : memref<1x1x16x512xf32, #tpu.memory_space<hbm>> -> memref<16x512xf32, #tpu.memory_space<hbm>>
    %dma_wait3A_30 = arith.constant 0 : i32
    %dma_wait3A_31 = tpu.memref_slice %arg2[%div3A_12, %dma_wait3A, %rem3A_13, %dma_wait3A_30] : memref<16x3x512x512xf32, #tpu.memory_space<hbm>> -> memref<1x1x16x512xf32, #tpu.memory_space<hbm>>
    %dma_wait3A_32 = tpu.memref_squeeze %dma_wait3A_31 : memref<1x1x16x512xf32, #tpu.memory_space<hbm>> -> memref<16x512xf32, #tpu.memory_space<hbm>>
    tpu.wait_dma2 semaphore(%arg11 : memref<!tpu.dma_semaphore, #tpu.memory_space<semaphore_mem>>) src(%dma_wait3A_32 : memref<16x512xf32, #tpu.memory_space<hbm>>) dst(%arg5 : memref<16x512xf32, #tpu.memory_space<vmem>>)
    %dma_wait3A_33 = arith.constant 0 : i32
    %dma_wait3A_34 = arith.constant 0 : i32
    %dma_wait3A_35 = tpu.memref_slice %arg3[%div3A_12, %dma_wait3A_33, %rem3A_13, %dma_wait3A_34] : memref<16x3x512x512xf32, #tpu.memory_space<hbm>> -> memref<1x1x16x512xf32, #tpu.memory_space<hbm>>
    %dma_wait3A_36 = tpu.memref_squeeze %dma_wait3A_35 : memref<1x1x16x512xf32, #tpu.memory_space<hbm>> -> memref<16x512xf32, #tpu.memory_space<hbm>>
    %dma_wait3A_37 = arith.constant 0 : i32
    %dma_wait3A_38 = tpu.memref_slice %arg3[%div3A_12, %dma_wait3A_33, %rem3A_13, %dma_wait3A_37] : memref<16x3x512x512xf32, #tpu.memory_space<hbm>> -> memref<1x1x16x512xf32, #tpu.memory_space<hbm>>
    %dma_wait3A_39 = tpu.memref_squeeze %dma_wait3A_38 : memref<1x1x16x512xf32, #tpu.memory_space<hbm>> -> memref<16x512xf32, #tpu.memory_space<hbm>>
    tpu.wait_dma2 semaphore(%arg13 : memref<!tpu.dma_semaphore, #tpu.memory_space<semaphore_mem>>) src(%dma_wait3A_39 : memref<16x512xf32, #tpu.memory_space<hbm>>) dst(%arg7 : memref<16x512xf32, #tpu.memory_space<vmem>>)
    %add3A_40 = arith.constant 16 : i32
    %add3A_41 = arith.addi %mul3A_2, %add3A_40 : i32
    %div3A_42 = arith.constant 512 : i32
    %div3A_43 = arith.divsi %add3A_41, %div3A_42 : i32
    %rem3A_44 = arith.constant 512 : i32
    %rem3A_45 = arith.remsi %add3A_41, %rem3A_44 : i32
    %dma_start3A_46 = arith.constant 0 : i32
    %dma_start3A_47 = arith.constant 0 : i32
    %dma_start3A_48 = tpu.memref_slice %arg2[%div3A_43, %dma_start3A_46, %rem3A_45, %dma_start3A_47] : memref<16x3x512x512xf32, #tpu.memory_space<hbm>> -> memref<1x1x16x512xf32, #tpu.memory_space<hbm>>
    %dma_start3A_49 = tpu.memref_squeeze %dma_start3A_48 : memref<1x1x16x512xf32, #tpu.memory_space<hbm>> -> memref<16x512xf32, #tpu.memory_space<hbm>>
    %dma_start3A_50 = arith.constant 0 : i32
    %dma_start3A_51 = tpu.memref_slice %arg2[%div3A_43, %dma_start3A_46, %rem3A_45, %dma_start3A_50] : memref<16x3x512x512xf32, #tpu.memory_space<hbm>> -> memref<1x1x16x512xf32, #tpu.memory_space<hbm>>
    %dma_start3A_52 = tpu.memref_squeeze %dma_start3A_51 : memref<1x1x16x512xf32, #tpu.memory_space<hbm>> -> memref<16x512xf32, #tpu.memory_space<hbm>>
    tpu.enqueue_dma source(%dma_start3A_52 : memref<16x512xf32, #tpu.memory_space<hbm>>) target(%arg6 : memref<16x512xf32, #tpu.memory_space<vmem>>) target_semaphore(%arg12 : memref<!tpu.dma_semaphore, #tpu.memory_space<semaphore_mem>>)
    %dma_start3A_53 = arith.constant 0 : i32
    %dma_start3A_54 = arith.constant 0 : i32
    %dma_start3A_55 = tpu.memref_slice %arg3[%div3A_43, %dma_start3A_53, %rem3A_45, %dma_start3A_54] : memref<16x3x512x512xf32, #tpu.memory_space<hbm>> -> memref<1x1x16x512xf32, #tpu.memory_space<hbm>>
    %dma_start3A_56 = tpu.memref_squeeze %dma_start3A_55 : memref<1x1x16x512xf32, #tpu.memory_space<hbm>> -> memref<16x512xf32, #tpu.memory_space<hbm>>
    %dma_start3A_57 = arith.constant 0 : i32
    %dma_start3A_58 = tpu.memref_slice %arg3[%div3A_43, %dma_start3A_53, %rem3A_45, %dma_start3A_57] : memref<16x3x512x512xf32, #tpu.memory_space<hbm>> -> memref<1x1x16x512xf32, #tpu.memory_space<hbm>>
    %dma_start3A_59 = tpu.memref_squeeze %dma_start3A_58 : memref<1x1x16x512xf32, #tpu.memory_space<hbm>> -> memref<16x512xf32, #tpu.memory_space<hbm>>
    tpu.enqueue_dma source(%dma_start3A_59 : memref<16x512xf32, #tpu.memory_space<hbm>>) target(%arg8 : memref<16x512xf32, #tpu.memory_space<vmem>>) target_semaphore(%arg14 : memref<!tpu.dma_semaphore, #tpu.memory_space<semaphore_mem>>)
    %scan3A_60 = arith.constant 0 : i32
    %scan3A_61 = arith.constant 64 : i32
    %scan3A_62 = arith.addi %scan3A_60, %scan3A_61 : i32
    %scan3A_63 = arith.constant 1 : i32
    %scan3A_64:8 = scf.for %scan3A_217 = %scan3A_60 to %scan3A_62 step %scan3A_63 iter_args(%scan3A_218 = %broadcast_in_dim3A_3, %scan3A_219 = %broadcast_in_dim3A_3, %scan3A_220 = %broadcast_in_dim3A_3, %scan3A_221 = %broadcast_in_dim3A_3, %scan3A_222 = %broadcast_in_dim3A_3, %scan3A_223 = %broadcast_in_dim3A_3, %scan3A_224 = %broadcast_in_dim3A_3, %scan3A_225 = %broadcast_in_dim3A_3) -> (vector<16xf32>, vector<16xf32>, vector<16xf32>, vector<16xf32>, vector<16xf32>, vector<16xf32>, vector<16xf32>, vector<16xf32>)  : i32 {
      %shift_right_logical3A = arith.constant 2 : i32
      %shift_right_logical3A_226 = arith.shrui %scan3A_217, %shift_right_logical3A : i32
      %and3A = arith.constant 3 : i32
      %and3A_227 = arith.andi %scan3A_217, %and3A : i32
      %shift_left3A = arith.constant 7 : i32
      %shift_left3A_228 = arith.shli %and3A_227, %shift_left3A : i32
      %multiple_of3A = tpu.assume_multiple %shift_left3A_228, 128 : i32
      %add3A_229 = arith.constant 0 : i32
      %add3A_230 = arith.addi %multiple_of3A, %add3A_229 : i32
      %get3A = arith.index_cast %shift_right_logical3A_226 : i32 to index
      %get3A_231 = arith.index_cast %add3A_230 : i32 to index
      %get3A_232 = tpu.vector_load %arg5[%get3A, %get3A_231] {strides = array<i32>} : memref<16x512xf32, #tpu.memory_space<vmem>>, vector<16xf32>,
      %add3A_233 = arith.constant 0 : i32
      %add3A_234 = arith.addi %multiple_of3A, %add3A_233 : i32
      %get3A_235 = arith.index_cast %shift_right_logical3A_226 : i32 to index
      %get3A_236 = arith.index_cast %add3A_234 : i32 to index
      %get3A_237 = tpu.vector_load %arg7[%get3A_235, %get3A_236] {strides = array<i32>} : memref<16x512xf32, #tpu.memory_space<vmem>>, vector<16xf32>,
      %mul3A_238 = arith.constant 1.280000e+02 : f32
      %mul3A_239 = vector.broadcast %mul3A_238 : f32 to vector<16xf32>
      %mul3A_240 = arith.mulf %get3A_232, %mul3A_239 : vector<16xf32>
      %add3A_241 = arith.constant 2.048500e+03 : f32
      %add3A_242 = vector.broadcast %add3A_241 : f32 to vector<16xf32>
      %add3A_243 = arith.addf %mul3A_240, %add3A_242 : vector<16xf32>
      %max3A = arith.constant 0.000000e+00 : f32
      %max3A_244 = vector.broadcast %max3A : f32 to vector<16xf32>
      %max3A_245 = arith.maximumf %add3A_243, %max3A_244 : vector<16xf32>
      %min3A = arith.constant 4.095000e+03 : f32
      %min3A_246 = vector.broadcast %min3A : f32 to vector<16xf32>
      %min3A_247 = arith.minimumf %max3A_245, %min3A_246 : vector<16xf32>
      %convert_element_type3A = arith.fptosi %min3A_247 : vector<16xf32> to vector<16xi32>
      %gather3A = tpu.vector_load_idx %arg9[%convert_element_type3A] : memref<4096xf32, #tpu.memory_space<vmem>>[vector<16xi32>], vector<16xf32>,
      %add3A_248 = arith.addf %scan3A_218, %gather3A : vector<16xf32>
      %mul3A_249 = arith.mulf %get3A_237, %gather3A : vector<16xf32>
      %add3A_250 = arith.addf %scan3A_219, %mul3A_249 : vector<16xf32>
      %mul3A_251 = arith.mulf %get3A_237, %get3A_232 : vector<16xf32>
      %add3A_252 = arith.addf %scan3A_220, %mul3A_251 : vector<16xf32>
      %add3A_253 = arith.addf %scan3A_221, %get3A_237 : vector<16xf32>
      %add3A_254 = arith.constant 16 : i32
      %add3A_255 = arith.addi %multiple_of3A, %add3A_254 : i32
      %get3A_256 = arith.index_cast %shift_right_logical3A_226 : i32 to index
      %get3A_257 = arith.index_cast %add3A_255 : i32 to index
      %get3A_258 = tpu.vector_load %arg5[%get3A_256, %get3A_257] {strides = array<i32>} : memref<16x512xf32, #tpu.memory_space<vmem>>, vector<16xf32>,
      %add3A_259 = arith.constant 16 : i32
      %add3A_260 = arith.addi %multiple_of3A, %add3A_259 : i32
      %get3A_261 = arith.index_cast %shift_right_logical3A_226 : i32 to index
      %get3A_262 = arith.index_cast %add3A_260 : i32 to index
      %get3A_263 = tpu.vector_load %arg7[%get3A_261, %get3A_262] {strides = array<i32>} : memref<16x512xf32, #tpu.memory_space<vmem>>, vector<16xf32>,
      %mul3A_264 = arith.constant 1.280000e+02 : f32
      %mul3A_265 = vector.broadcast %mul3A_264 : f32 to vector<16xf32>
      %mul3A_266 = arith.mulf %get3A_258, %mul3A_265 : vector<16xf32>
      %add3A_267 = arith.constant 2.048500e+03 : f32
      %add3A_268 = vector.broadcast %add3A_267 : f32 to vector<16xf32>
      %add3A_269 = arith.addf %mul3A_266, %add3A_268 : vector<16xf32>
      %max3A_270 = arith.constant 0.000000e+00 : f32
      %max3A_271 = vector.broadcast %max3A_270 : f32 to vector<16xf32>
      %max3A_272 = arith.maximumf %add3A_269, %max3A_271 : vector<16xf32>
      %min3A_273 = arith.constant 4.095000e+03 : f32
      %min3A_274 = vector.broadcast %min3A_273 : f32 to vector<16xf32>
      %min3A_275 = arith.minimumf %max3A_272, %min3A_274 : vector<16xf32>
      %convert_element_type3A_276 = arith.fptosi %min3A_275 : vector<16xf32> to vector<16xi32>
      %gather3A_277 = tpu.vector_load_idx %arg9[%convert_element_type3A_276] : memref<4096xf32, #tpu.memory_space<vmem>>[vector<16xi32>], vector<16xf32>,
      %add3A_278 = arith.addf %scan3A_222, %gather3A_277 : vector<16xf32>
      %mul3A_279 = arith.mulf %get3A_263, %gather3A_277 : vector<16xf32>
      %add3A_280 = arith.addf %scan3A_223, %mul3A_279 : vector<16xf32>
      %mul3A_281 = arith.mulf %get3A_263, %get3A_258 : vector<16xf32>
      %add3A_282 = arith.addf %scan3A_224, %mul3A_281 : vector<16xf32>
      %add3A_283 = arith.addf %scan3A_225, %get3A_263 : vector<16xf32>
      %add3A_284 = arith.constant 32 : i32
      %add3A_285 = arith.addi %multiple_of3A, %add3A_284 : i32
      %get3A_286 = arith.index_cast %shift_right_logical3A_226 : i32 to index
      %get3A_287 = arith.index_cast %add3A_285 : i32 to index
      %get3A_288 = tpu.vector_load %arg5[%get3A_286, %get3A_287] {strides = array<i32>} : memref<16x512xf32, #tpu.memory_space<vmem>>, vector<16xf32>,
      %add3A_289 = arith.constant 32 : i32
      %add3A_290 = arith.addi %multiple_of3A, %add3A_289 : i32
      %get3A_291 = arith.index_cast %shift_right_logical3A_226 : i32 to index
      %get3A_292 = arith.index_cast %add3A_290 : i32 to index
      %get3A_293 = tpu.vector_load %arg7[%get3A_291, %get3A_292] {strides = array<i32>} : memref<16x512xf32, #tpu.memory_space<vmem>>, vector<16xf32>,
      %mul3A_294 = arith.constant 1.280000e+02 : f32
      %mul3A_295 = vector.broadcast %mul3A_294 : f32 to vector<16xf32>
      %mul3A_296 = arith.mulf %get3A_288, %mul3A_295 : vector<16xf32>
      %add3A_297 = arith.constant 2.048500e+03 : f32
      %add3A_298 = vector.broadcast %add3A_297 : f32 to vector<16xf32>
      %add3A_299 = arith.addf %mul3A_296, %add3A_298 : vector<16xf32>
      %max3A_300 = arith.constant 0.000000e+00 : f32
      %max3A_301 = vector.broadcast %max3A_300 : f32 to vector<16xf32>
      %max3A_302 = arith.maximumf %add3A_299, %max3A_301 : vector<16xf32>
      %min3A_303 = arith.constant 4.095000e+03 : f32
      %min3A_304 = vector.broadcast %min3A_303 : f32 to vector<16xf32>
      %min3A_305 = arith.minimumf %max3A_302, %min3A_304 : vector<16xf32>
      %convert_element_type3A_306 = arith.fptosi %min3A_305 : vector<16xf32> to vector<16xi32>
      %gather3A_307 = tpu.vector_load_idx %arg9[%convert_element_type3A_306] : memref<4096xf32, #tpu.memory_space<vmem>>[vector<16xi32>], vector<16xf32>,
      %add3A_308 = arith.addf %add3A_248, %gather3A_307 : vector<16xf32>
      %mul3A_309 = arith.mulf %get3A_293, %gather3A_307 : vector<16xf32>
      %add3A_310 = arith.addf %add3A_250, %mul3A_309 : vector<16xf32>
      %mul3A_311 = arith.mulf %get3A_293, %get3A_288 : vector<16xf32>
      %add3A_312 = arith.addf %add3A_252, %mul3A_311 : vector<16xf32>
      %add3A_313 = arith.addf %add3A_253, %get3A_293 : vector<16xf32>
      %add3A_314 = arith.constant 48 : i32
      %add3A_315 = arith.addi %multiple_of3A, %add3A_314 : i32
      %get3A_316 = arith.index_cast %shift_right_logical3A_226 : i32 to index
      %get3A_317 = arith.index_cast %add3A_315 : i32 to index
      %get3A_318 = tpu.vector_load %arg5[%get3A_316, %get3A_317] {strides = array<i32>} : memref<16x512xf32, #tpu.memory_space<vmem>>, vector<16xf32>,
      %add3A_319 = arith.constant 48 : i32
      %add3A_320 = arith.addi %multiple_of3A, %add3A_319 : i32
      %get3A_321 = arith.index_cast %shift_right_logical3A_226 : i32 to index
      %get3A_322 = arith.index_cast %add3A_320 : i32 to index
      %get3A_323 = tpu.vector_load %arg7[%get3A_321, %get3A_322] {strides = array<i32>} : memref<16x512xf32, #tpu.memory_space<vmem>>, vector<16xf32>,
      %mul3A_324 = arith.constant 1.280000e+02 : f32
      %mul3A_325 = vector.broadcast %mul3A_324 : f32 to vector<16xf32>
      %mul3A_326 = arith.mulf %get3A_318, %mul3A_325 : vector<16xf32>
      %add3A_327 = arith.constant 2.048500e+03 : f32
      %add3A_328 = vector.broadcast %add3A_327 : f32 to vector<16xf32>
      %add3A_329 = arith.addf %mul3A_326, %add3A_328 : vector<16xf32>
      %max3A_330 = arith.constant 0.000000e+00 : f32
      %max3A_331 = vector.broadcast %max3A_330 : f32 to vector<16xf32>
      %max3A_332 = arith.maximumf %add3A_329, %max3A_331 : vector<16xf32>
      %min3A_333 = arith.constant 4.095000e+03 : f32
      %min3A_334 = vector.broadcast %min3A_333 : f32 to vector<16xf32>
      %min3A_335 = arith.minimumf %max3A_332, %min3A_334 : vector<16xf32>
      %convert_element_type3A_336 = arith.fptosi %min3A_335 : vector<16xf32> to vector<16xi32>
      %gather3A_337 = tpu.vector_load_idx %arg9[%convert_element_type3A_336] : memref<4096xf32, #tpu.memory_space<vmem>>[vector<16xi32>], vector<16xf32>,
      %add3A_338 = arith.addf %add3A_278, %gather3A_337 : vector<16xf32>
      %mul3A_339 = arith.mulf %get3A_323, %gather3A_337 : vector<16xf32>
      %add3A_340 = arith.addf %add3A_280, %mul3A_339 : vector<16xf32>
      %mul3A_341 = arith.mulf %get3A_323, %get3A_318 : vector<16xf32>
      %add3A_342 = arith.addf %add3A_282, %mul3A_341 : vector<16xf32>
      %add3A_343 = arith.addf %add3A_283, %get3A_323 : vector<16xf32>
      %add3A_344 = arith.constant 64 : i32
      %add3A_345 = arith.addi %multiple_of3A, %add3A_344 : i32
      %get3A_346 = arith.index_cast %shift_right_logical3A_226 : i32 to index
      %get3A_347 = arith.index_cast %add3A_345 : i32 to index
      %get3A_348 = tpu.vector_load %arg5[%get3A_346, %get3A_347] {strides = array<i32>} : memref<16x512xf32, #tpu.memory_space<vmem>>, vector<16xf32>,
      %add3A_349 = arith.constant 64 : i32
      %add3A_350 = arith.addi %multiple_of3A, %add3A_349 : i32
      %get3A_351 = arith.index_cast %shift_right_logical3A_226 : i32 to index
      %get3A_352 = arith.index_cast %add3A_350 : i32 to index
      %get3A_353 = tpu.vector_load %arg7[%get3A_351, %get3A_352] {strides = array<i32>} : memref<16x512xf32, #tpu.memory_space<vmem>>, vector<16xf32>,
      %mul3A_354 = arith.constant 1.280000e+02 : f32
      %mul3A_355 = vector.broadcast %mul3A_354 : f32 to vector<16xf32>
      %mul3A_356 = arith.mulf %get3A_348, %mul3A_355 : vector<16xf32>
      %add3A_357 = arith.constant 2.048500e+03 : f32
      %add3A_358 = vector.broadcast %add3A_357 : f32 to vector<16xf32>
      %add3A_359 = arith.addf %mul3A_356, %add3A_358 : vector<16xf32>
      %max3A_360 = arith.constant 0.000000e+00 : f32
      %max3A_361 = vector.broadcast %max3A_360 : f32 to vector<16xf32>
      %max3A_362 = arith.maximumf %add3A_359, %max3A_361 : vector<16xf32>
      %min3A_363 = arith.constant 4.095000e+03 : f32
      %min3A_364 = vector.broadcast %min3A_363 : f32 to vector<16xf32>
      %min3A_365 = arith.minimumf %max3A_362, %min3A_364 : vector<16xf32>
      %convert_element_type3A_366 = arith.fptosi %min3A_365 : vector<16xf32> to vector<16xi32>
      %gather3A_367 = tpu.vector_load_idx %arg9[%convert_element_type3A_366] : memref<4096xf32, #tpu.memory_space<vmem>>[vector<16xi32>], vector<16xf32>,
      %add3A_368 = arith.addf %add3A_308, %gather3A_367 : vector<16xf32>
      %mul3A_369 = arith.mulf %get3A_353, %gather3A_367 : vector<16xf32>
      %add3A_370 = arith.addf %add3A_310, %mul3A_369 : vector<16xf32>
      %mul3A_371 = arith.mulf %get3A_353, %get3A_348 : vector<16xf32>
      %add3A_372 = arith.addf %add3A_312, %mul3A_371 : vector<16xf32>
      %add3A_373 = arith.addf %add3A_313, %get3A_353 : vector<16xf32>
      %add3A_374 = arith.constant 80 : i32
      %add3A_375 = arith.addi %multiple_of3A, %add3A_374 : i32
      %get3A_376 = arith.index_cast %shift_right_logical3A_226 : i32 to index
      %get3A_377 = arith.index_cast %add3A_375 : i32 to index
      %get3A_378 = tpu.vector_load %arg5[%get3A_376, %get3A_377] {strides = array<i32>} : memref<16x512xf32, #tpu.memory_space<vmem>>, vector<16xf32>,
      %add3A_379 = arith.constant 80 : i32
      %add3A_380 = arith.addi %multiple_of3A, %add3A_379 : i32
      %get3A_381 = arith.index_cast %shift_right_logical3A_226 : i32 to index
      %get3A_382 = arith.index_cast %add3A_380 : i32 to index
      %get3A_383 = tpu.vector_load %arg7[%get3A_381, %get3A_382] {strides = array<i32>} : memref<16x512xf32, #tpu.memory_space<vmem>>, vector<16xf32>,
      %mul3A_384 = arith.constant 1.280000e+02 : f32
      %mul3A_385 = vector.broadcast %mul3A_384 : f32 to vector<16xf32>
      %mul3A_386 = arith.mulf %get3A_378, %mul3A_385 : vector<16xf32>
      %add3A_387 = arith.constant 2.048500e+03 : f32
      %add3A_388 = vector.broadcast %add3A_387 : f32 to vector<16xf32>
      %add3A_389 = arith.addf %mul3A_386, %add3A_388 : vector<16xf32>
      %max3A_390 = arith.constant 0.000000e+00 : f32
      %max3A_391 = vector.broadcast %max3A_390 : f32 to vector<16xf32>
      %max3A_392 = arith.maximumf %add3A_389, %max3A_391 : vector<16xf32>
      %min3A_393 = arith.constant 4.095000e+03 : f32
      %min3A_394 = vector.broadcast %min3A_393 : f32 to vector<16xf32>
      %min3A_395 = arith.minimumf %max3A_392, %min3A_394 : vector<16xf32>
      %convert_element_type3A_396 = arith.fptosi %min3A_395 : vector<16xf32> to vector<16xi32>
      %gather3A_397 = tpu.vector_load_idx %arg9[%convert_element_type3A_396] : memref<4096xf32, #tpu.memory_space<vmem>>[vector<16xi32>], vector<16xf32>,
      %add3A_398 = arith.addf %add3A_338, %gather3A_397 : vector<16xf32>
      %mul3A_399 = arith.mulf %get3A_383, %gather3A_397 : vector<16xf32>
      %add3A_400 = arith.addf %add3A_340, %mul3A_399 : vector<16xf32>
      %mul3A_401 = arith.mulf %get3A_383, %get3A_378 : vector<16xf32>
      %add3A_402 = arith.addf %add3A_342, %mul3A_401 : vector<16xf32>
      %add3A_403 = arith.addf %add3A_343, %get3A_383 : vector<16xf32>
      %add3A_404 = arith.constant 96 : i32
      %add3A_405 = arith.addi %multiple_of3A, %add3A_404 : i32
      %get3A_406 = arith.index_cast %shift_right_logical3A_226 : i32 to index
      %get3A_407 = arith.index_cast %add3A_405 : i32 to index
      %get3A_408 = tpu.vector_load %arg5[%get3A_406, %get3A_407] {strides = array<i32>} : memref<16x512xf32, #tpu.memory_space<vmem>>, vector<16xf32>,
      %add3A_409 = arith.constant 96 : i32
      %add3A_410 = arith.addi %multiple_of3A, %add3A_409 : i32
      %get3A_411 = arith.index_cast %shift_right_logical3A_226 : i32 to index
      %get3A_412 = arith.index_cast %add3A_410 : i32 to index
      %get3A_413 = tpu.vector_load %arg7[%get3A_411, %get3A_412] {strides = array<i32>} : memref<16x512xf32, #tpu.memory_space<vmem>>, vector<16xf32>,
      %mul3A_414 = arith.constant 1.280000e+02 : f32
      %mul3A_415 = vector.broadcast %mul3A_414 : f32 to vector<16xf32>
      %mul3A_416 = arith.mulf %get3A_408, %mul3A_415 : vector<16xf32>
      %add3A_417 = arith.constant 2.048500e+03 : f32
      %add3A_418 = vector.broadcast %add3A_417 : f32 to vector<16xf32>
      %add3A_419 = arith.addf %mul3A_416, %add3A_418 : vector<16xf32>
      %max3A_420 = arith.constant 0.000000e+00 : f32
      %max3A_421 = vector.broadcast %max3A_420 : f32 to vector<16xf32>
      %max3A_422 = arith.maximumf %add3A_419, %max3A_421 : vector<16xf32>
      %min3A_423 = arith.constant 4.095000e+03 : f32
      %min3A_424 = vector.broadcast %min3A_423 : f32 to vector<16xf32>
      %min3A_425 = arith.minimumf %max3A_422, %min3A_424 : vector<16xf32>
      %convert_element_type3A_426 = arith.fptosi %min3A_425 : vector<16xf32> to vector<16xi32>
      %gather3A_427 = tpu.vector_load_idx %arg9[%convert_element_type3A_426] : memref<4096xf32, #tpu.memory_space<vmem>>[vector<16xi32>], vector<16xf32>,
      %add3A_428 = arith.addf %add3A_368, %gather3A_427 : vector<16xf32>
      %mul3A_429 = arith.mulf %get3A_413, %gather3A_427 : vector<16xf32>
      %add3A_430 = arith.addf %add3A_370, %mul3A_429 : vector<16xf32>
      %mul3A_431 = arith.mulf %get3A_413, %get3A_408 : vector<16xf32>
      %add3A_432 = arith.addf %add3A_372, %mul3A_431 : vector<16xf32>
      %add3A_433 = arith.addf %add3A_373, %get3A_413 : vector<16xf32>
      %add3A_434 = arith.constant 112 : i32
      %add3A_435 = arith.addi %multiple_of3A, %add3A_434 : i32
      %get3A_436 = arith.index_cast %shift_right_logical3A_226 : i32 to index
      %get3A_437 = arith.index_cast %add3A_435 : i32 to index
      %get3A_438 = tpu.vector_load %arg5[%get3A_436, %get3A_437] {strides = array<i32>} : memref<16x512xf32, #tpu.memory_space<vmem>>, vector<16xf32>,
      %add3A_439 = arith.constant 112 : i32
      %add3A_440 = arith.addi %multiple_of3A, %add3A_439 : i32
      %get3A_441 = arith.index_cast %shift_right_logical3A_226 : i32 to index
      %get3A_442 = arith.index_cast %add3A_440 : i32 to index
      %get3A_443 = tpu.vector_load %arg7[%get3A_441, %get3A_442] {strides = array<i32>} : memref<16x512xf32, #tpu.memory_space<vmem>>, vector<16xf32>,
      %mul3A_444 = arith.constant 1.280000e+02 : f32
      %mul3A_445 = vector.broadcast %mul3A_444 : f32 to vector<16xf32>
      %mul3A_446 = arith.mulf %get3A_438, %mul3A_445 : vector<16xf32>
      %add3A_447 = arith.constant 2.048500e+03 : f32
      %add3A_448 = vector.broadcast %add3A_447 : f32 to vector<16xf32>
      %add3A_449 = arith.addf %mul3A_446, %add3A_448 : vector<16xf32>
      %max3A_450 = arith.constant 0.000000e+00 : f32
      %max3A_451 = vector.broadcast %max3A_450 : f32 to vector<16xf32>
      %max3A_452 = arith.maximumf %add3A_449, %max3A_451 : vector<16xf32>
      %min3A_453 = arith.constant 4.095000e+03 : f32
      %min3A_454 = vector.broadcast %min3A_453 : f32 to vector<16xf32>
      %min3A_455 = arith.minimumf %max3A_452, %min3A_454 : vector<16xf32>
      %convert_element_type3A_456 = arith.fptosi %min3A_455 : vector<16xf32> to vector<16xi32>
      %gather3A_457 = tpu.vector_load_idx %arg9[%convert_element_type3A_456] : memref<4096xf32, #tpu.memory_space<vmem>>[vector<16xi32>], vector<16xf32>,
      %add3A_458 = arith.addf %add3A_398, %gather3A_457 : vector<16xf32>
      %mul3A_459 = arith.mulf %get3A_443, %gather3A_457 : vector<16xf32>
      %add3A_460 = arith.addf %add3A_400, %mul3A_459 : vector<16xf32>
      %mul3A_461 = arith.mulf %get3A_443, %get3A_438 : vector<16xf32>
      %add3A_462 = arith.addf %add3A_402, %mul3A_461 : vector<16xf32>
      %add3A_463 = arith.addf %add3A_403, %get3A_443 : vector<16xf32>
      scf.yield %add3A_428, %add3A_430, %add3A_432, %add3A_433, %add3A_458, %add3A_460, %add3A_462, %add3A_463 : vector<16xf32>, vector<16xf32>, vector<16xf32>, vector<16xf32>, vector<16xf32>, vector<16xf32>, vector<16xf32>, vector<16xf32>
    }
    %scan3A_65 = arith.constant 64 : i32
    %dma_wait3A_66 = arith.constant 0 : i32
    %dma_wait3A_67 = arith.constant 0 : i32
    %dma_wait3A_68 = tpu.memref_slice %arg2[%div3A_43, %dma_wait3A_66, %rem3A_45, %dma_wait3A_67] : memref<16x3x512x512xf32, #tpu.memory_space<hbm>> -> memref<1x1x16x512xf32, #tpu.memory_space<hbm>>
    %dma_wait3A_69 = tpu.memref_squeeze %dma_wait3A_68 : memref<1x1x16x512xf32, #tpu.memory_space<hbm>> -> memref<16x512xf32, #tpu.memory_space<hbm>>
    %dma_wait3A_70 = arith.constant 0 : i32
    %dma_wait3A_71 = tpu.memref_slice %arg2[%div3A_43, %dma_wait3A_66, %rem3A_45, %dma_wait3A_70] : memref<16x3x512x512xf32, #tpu.memory_space<hbm>> -> memref<1x1x16x512xf32, #tpu.memory_space<hbm>>
    %dma_wait3A_72 = tpu.memref_squeeze %dma_wait3A_71 : memref<1x1x16x512xf32, #tpu.memory_space<hbm>> -> memref<16x512xf32, #tpu.memory_space<hbm>>
    tpu.wait_dma2 semaphore(%arg12 : memref<!tpu.dma_semaphore, #tpu.memory_space<semaphore_mem>>) src(%dma_wait3A_72 : memref<16x512xf32, #tpu.memory_space<hbm>>) dst(%arg6 : memref<16x512xf32, #tpu.memory_space<vmem>>)
    %dma_wait3A_73 = arith.constant 0 : i32
    %dma_wait3A_74 = arith.constant 0 : i32
    %dma_wait3A_75 = tpu.memref_slice %arg3[%div3A_43, %dma_wait3A_73, %rem3A_45, %dma_wait3A_74] : memref<16x3x512x512xf32, #tpu.memory_space<hbm>> -> memref<1x1x16x512xf32, #tpu.memory_space<hbm>>
    %dma_wait3A_76 = tpu.memref_squeeze %dma_wait3A_75 : memref<1x1x16x512xf32, #tpu.memory_space<hbm>> -> memref<16x512xf32, #tpu.memory_space<hbm>>
    %dma_wait3A_77 = arith.constant 0 : i32
    %dma_wait3A_78 = tpu.memref_slice %arg3[%div3A_43, %dma_wait3A_73, %rem3A_45, %dma_wait3A_77] : memref<16x3x512x512xf32, #tpu.memory_space<hbm>> -> memref<1x1x16x512xf32, #tpu.memory_space<hbm>>
    %dma_wait3A_79 = tpu.memref_squeeze %dma_wait3A_78 : memref<1x1x16x512xf32, #tpu.memory_space<hbm>> -> memref<16x512xf32, #tpu.memory_space<hbm>>
    tpu.wait_dma2 semaphore(%arg14 : memref<!tpu.dma_semaphore, #tpu.memory_space<semaphore_mem>>) src(%dma_wait3A_79 : memref<16x512xf32, #tpu.memory_space<hbm>>) dst(%arg8 : memref<16x512xf32, #tpu.memory_space<vmem>>)
    %add3A_80 = arith.constant 32 : i32
    %add3A_81 = arith.addi %mul3A_2, %add3A_80 : i32
    %div3A_82 = arith.constant 512 : i32
    %div3A_83 = arith.divsi %add3A_81, %div3A_82 : i32
    %rem3A_84 = arith.constant 512 : i32
    %rem3A_85 = arith.remsi %add3A_81, %rem3A_84 : i32
    %dma_start3A_86 = arith.constant 0 : i32
    %dma_start3A_87 = arith.constant 0 : i32
    %dma_start3A_88 = tpu.memref_slice %arg2[%div3A_83, %dma_start3A_86, %rem3A_85, %dma_start3A_87] : memref<16x3x512x512xf32, #tpu.memory_space<hbm>> -> memref<1x1x16x512xf32, #tpu.memory_space<hbm>>
    %dma_start3A_89 = tpu.memref_squeeze %dma_start3A_88 : memref<1x1x16x512xf32, #tpu.memory_space<hbm>> -> memref<16x512xf32, #tpu.memory_space<hbm>>
    %dma_start3A_90 = arith.constant 0 : i32
    %dma_start3A_91 = tpu.memref_slice %arg2[%div3A_83, %dma_start3A_86, %rem3A_85, %dma_start3A_90] : memref<16x3x512x512xf32, #tpu.memory_space<hbm>> -> memref<1x1x16x512xf32, #tpu.memory_space<hbm>>
    %dma_start3A_92 = tpu.memref_squeeze %dma_start3A_91 : memref<1x1x16x512xf32, #tpu.memory_space<hbm>> -> memref<16x512xf32, #tpu.memory_space<hbm>>
    tpu.enqueue_dma source(%dma_start3A_92 : memref<16x512xf32, #tpu.memory_space<hbm>>) target(%arg5 : memref<16x512xf32, #tpu.memory_space<vmem>>) target_semaphore(%arg11 : memref<!tpu.dma_semaphore, #tpu.memory_space<semaphore_mem>>)
    %dma_start3A_93 = arith.constant 0 : i32
    %dma_start3A_94 = arith.constant 0 : i32
    %dma_start3A_95 = tpu.memref_slice %arg3[%div3A_83, %dma_start3A_93, %rem3A_85, %dma_start3A_94] : memref<16x3x512x512xf32, #tpu.memory_space<hbm>> -> memref<1x1x16x512xf32, #tpu.memory_space<hbm>>
    %dma_start3A_96 = tpu.memref_squeeze %dma_start3A_95 : memref<1x1x16x512xf32, #tpu.memory_space<hbm>> -> memref<16x512xf32, #tpu.memory_space<hbm>>
    %dma_start3A_97 = arith.constant 0 : i32
    %dma_start3A_98 = tpu.memref_slice %arg3[%div3A_83, %dma_start3A_93, %rem3A_85, %dma_start3A_97] : memref<16x3x512x512xf32, #tpu.memory_space<hbm>> -> memref<1x1x16x512xf32, #tpu.memory_space<hbm>>
    %dma_start3A_99 = tpu.memref_squeeze %dma_start3A_98 : memref<1x1x16x512xf32, #tpu.memory_space<hbm>> -> memref<16x512xf32, #tpu.memory_space<hbm>>
    tpu.enqueue_dma source(%dma_start3A_99 : memref<16x512xf32, #tpu.memory_space<hbm>>) target(%arg7 : memref<16x512xf32, #tpu.memory_space<vmem>>) target_semaphore(%arg13 : memref<!tpu.dma_semaphore, #tpu.memory_space<semaphore_mem>>)
    %scan3A_100 = arith.constant 0 : i32
    %scan3A_101 = arith.constant 64 : i32
    %scan3A_102 = arith.addi %scan3A_100, %scan3A_101 : i32
    %scan3A_103 = arith.constant 1 : i32
    %scan3A_104:8 = scf.for %scan3A_217 = %scan3A_100 to %scan3A_102 step %scan3A_103 iter_args(%scan3A_218 = %scan3A_64#0, %scan3A_219 = %scan3A_64#1, %scan3A_220 = %scan3A_64#2, %scan3A_221 = %scan3A_64#3, %scan3A_222 = %scan3A_64#4, %scan3A_223 = %scan3A_64#5, %scan3A_224 = %scan3A_64#6, %scan3A_225 = %scan3A_64#7) -> (vector<16xf32>, vector<16xf32>, vector<16xf32>, vector<16xf32>, vector<16xf32>, vector<16xf32>, vector<16xf32>, vector<16xf32>)  : i32 {
      %shift_right_logical3A = arith.constant 2 : i32
      %shift_right_logical3A_226 = arith.shrui %scan3A_217, %shift_right_logical3A : i32
      %and3A = arith.constant 3 : i32
      %and3A_227 = arith.andi %scan3A_217, %and3A : i32
      %shift_left3A = arith.constant 7 : i32
      %shift_left3A_228 = arith.shli %and3A_227, %shift_left3A : i32
      %multiple_of3A = tpu.assume_multiple %shift_left3A_228, 128 : i32
      %add3A_229 = arith.constant 0 : i32
      %add3A_230 = arith.addi %multiple_of3A, %add3A_229 : i32
      %get3A = arith.index_cast %shift_right_logical3A_226 : i32 to index
      %get3A_231 = arith.index_cast %add3A_230 : i32 to index
      %get3A_232 = tpu.vector_load %arg6[%get3A, %get3A_231] {strides = array<i32>} : memref<16x512xf32, #tpu.memory_space<vmem>>, vector<16xf32>,
      %add3A_233 = arith.constant 0 : i32
      %add3A_234 = arith.addi %multiple_of3A, %add3A_233 : i32
      %get3A_235 = arith.index_cast %shift_right_logical3A_226 : i32 to index
      %get3A_236 = arith.index_cast %add3A_234 : i32 to index
      %get3A_237 = tpu.vector_load %arg8[%get3A_235, %get3A_236] {strides = array<i32>} : memref<16x512xf32, #tpu.memory_space<vmem>>, vector<16xf32>,
      %mul3A_238 = arith.constant 1.280000e+02 : f32
      %mul3A_239 = vector.broadcast %mul3A_238 : f32 to vector<16xf32>
      %mul3A_240 = arith.mulf %get3A_232, %mul3A_239 : vector<16xf32>
      %add3A_241 = arith.constant 2.048500e+03 : f32
      %add3A_242 = vector.broadcast %add3A_241 : f32 to vector<16xf32>
      %add3A_243 = arith.addf %mul3A_240, %add3A_242 : vector<16xf32>
      %max3A = arith.constant 0.000000e+00 : f32
      %max3A_244 = vector.broadcast %max3A : f32 to vector<16xf32>
      %max3A_245 = arith.maximumf %add3A_243, %max3A_244 : vector<16xf32>
      %min3A = arith.constant 4.095000e+03 : f32
      %min3A_246 = vector.broadcast %min3A : f32 to vector<16xf32>
      %min3A_247 = arith.minimumf %max3A_245, %min3A_246 : vector<16xf32>
      %convert_element_type3A = arith.fptosi %min3A_247 : vector<16xf32> to vector<16xi32>
      %gather3A = tpu.vector_load_idx %arg9[%convert_element_type3A] : memref<4096xf32, #tpu.memory_space<vmem>>[vector<16xi32>], vector<16xf32>,
      %add3A_248 = arith.addf %scan3A_218, %gather3A : vector<16xf32>
      %mul3A_249 = arith.mulf %get3A_237, %gather3A : vector<16xf32>
      %add3A_250 = arith.addf %scan3A_219, %mul3A_249 : vector<16xf32>
      %mul3A_251 = arith.mulf %get3A_237, %get3A_232 : vector<16xf32>
      %add3A_252 = arith.addf %scan3A_220, %mul3A_251 : vector<16xf32>
      %add3A_253 = arith.addf %scan3A_221, %get3A_237 : vector<16xf32>
      %add3A_254 = arith.constant 16 : i32
      %add3A_255 = arith.addi %multiple_of3A, %add3A_254 : i32
      %get3A_256 = arith.index_cast %shift_right_logical3A_226 : i32 to index
      %get3A_257 = arith.index_cast %add3A_255 : i32 to index
      %get3A_258 = tpu.vector_load %arg6[%get3A_256, %get3A_257] {strides = array<i32>} : memref<16x512xf32, #tpu.memory_space<vmem>>, vector<16xf32>,
      %add3A_259 = arith.constant 16 : i32
      %add3A_260 = arith.addi %multiple_of3A, %add3A_259 : i32
      %get3A_261 = arith.index_cast %shift_right_logical3A_226 : i32 to index
      %get3A_262 = arith.index_cast %add3A_260 : i32 to index
      %get3A_263 = tpu.vector_load %arg8[%get3A_261, %get3A_262] {strides = array<i32>} : memref<16x512xf32, #tpu.memory_space<vmem>>, vector<16xf32>,
      %mul3A_264 = arith.constant 1.280000e+02 : f32
      %mul3A_265 = vector.broadcast %mul3A_264 : f32 to vector<16xf32>
      %mul3A_266 = arith.mulf %get3A_258, %mul3A_265 : vector<16xf32>
      %add3A_267 = arith.constant 2.048500e+03 : f32
      %add3A_268 = vector.broadcast %add3A_267 : f32 to vector<16xf32>
      %add3A_269 = arith.addf %mul3A_266, %add3A_268 : vector<16xf32>
      %max3A_270 = arith.constant 0.000000e+00 : f32
      %max3A_271 = vector.broadcast %max3A_270 : f32 to vector<16xf32>
      %max3A_272 = arith.maximumf %add3A_269, %max3A_271 : vector<16xf32>
      %min3A_273 = arith.constant 4.095000e+03 : f32
      %min3A_274 = vector.broadcast %min3A_273 : f32 to vector<16xf32>
      %min3A_275 = arith.minimumf %max3A_272, %min3A_274 : vector<16xf32>
      %convert_element_type3A_276 = arith.fptosi %min3A_275 : vector<16xf32> to vector<16xi32>
      %gather3A_277 = tpu.vector_load_idx %arg9[%convert_element_type3A_276] : memref<4096xf32, #tpu.memory_space<vmem>>[vector<16xi32>], vector<16xf32>,
      %add3A_278 = arith.addf %scan3A_222, %gather3A_277 : vector<16xf32>
      %mul3A_279 = arith.mulf %get3A_263, %gather3A_277 : vector<16xf32>
      %add3A_280 = arith.addf %scan3A_223, %mul3A_279 : vector<16xf32>
      %mul3A_281 = arith.mulf %get3A_263, %get3A_258 : vector<16xf32>
      %add3A_282 = arith.addf %scan3A_224, %mul3A_281 : vector<16xf32>
      %add3A_283 = arith.addf %scan3A_225, %get3A_263 : vector<16xf32>
      %add3A_284 = arith.constant 32 : i32
      %add3A_285 = arith.addi %multiple_of3A, %add3A_284 : i32
      %get3A_286 = arith.index_cast %shift_right_logical3A_226 : i32 to index
      %get3A_287 = arith.index_cast %add3A_285 : i32 to index
      %get3A_288 = tpu.vector_load %arg6[%get3A_286, %get3A_287] {strides = array<i32>} : memref<16x512xf32, #tpu.memory_space<vmem>>, vector<16xf32>,
      %add3A_289 = arith.constant 32 : i32
      %add3A_290 = arith.addi %multiple_of3A, %add3A_289 : i32
      %get3A_291 = arith.index_cast %shift_right_logical3A_226 : i32 to index
      %get3A_292 = arith.index_cast %add3A_290 : i32 to index
      %get3A_293 = tpu.vector_load %arg8[%get3A_291, %get3A_292] {strides = array<i32>} : memref<16x512xf32, #tpu.memory_space<vmem>>, vector<16xf32>,
      %mul3A_294 = arith.constant 1.280000e+02 : f32
      %mul3A_295 = vector.broadcast %mul3A_294 : f32 to vector<16xf32>
      %mul3A_296 = arith.mulf %get3A_288, %mul3A_295 : vector<16xf32>
      %add3A_297 = arith.constant 2.048500e+03 : f32
      %add3A_298 = vector.broadcast %add3A_297 : f32 to vector<16xf32>
      %add3A_299 = arith.addf %mul3A_296, %add3A_298 : vector<16xf32>
      %max3A_300 = arith.constant 0.000000e+00 : f32
      %max3A_301 = vector.broadcast %max3A_300 : f32 to vector<16xf32>
      %max3A_302 = arith.maximumf %add3A_299, %max3A_301 : vector<16xf32>
      %min3A_303 = arith.constant 4.095000e+03 : f32
      %min3A_304 = vector.broadcast %min3A_303 : f32 to vector<16xf32>
      %min3A_305 = arith.minimumf %max3A_302, %min3A_304 : vector<16xf32>
      %convert_element_type3A_306 = arith.fptosi %min3A_305 : vector<16xf32> to vector<16xi32>
      %gather3A_307 = tpu.vector_load_idx %arg9[%convert_element_type3A_306] : memref<4096xf32, #tpu.memory_space<vmem>>[vector<16xi32>], vector<16xf32>,
      %add3A_308 = arith.addf %add3A_248, %gather3A_307 : vector<16xf32>
      %mul3A_309 = arith.mulf %get3A_293, %gather3A_307 : vector<16xf32>
      %add3A_310 = arith.addf %add3A_250, %mul3A_309 : vector<16xf32>
      %mul3A_311 = arith.mulf %get3A_293, %get3A_288 : vector<16xf32>
      %add3A_312 = arith.addf %add3A_252, %mul3A_311 : vector<16xf32>
      %add3A_313 = arith.addf %add3A_253, %get3A_293 : vector<16xf32>
      %add3A_314 = arith.constant 48 : i32
      %add3A_315 = arith.addi %multiple_of3A, %add3A_314 : i32
      %get3A_316 = arith.index_cast %shift_right_logical3A_226 : i32 to index
      %get3A_317 = arith.index_cast %add3A_315 : i32 to index
      %get3A_318 = tpu.vector_load %arg6[%get3A_316, %get3A_317] {strides = array<i32>} : memref<16x512xf32, #tpu.memory_space<vmem>>, vector<16xf32>,
      %add3A_319 = arith.constant 48 : i32
      %add3A_320 = arith.addi %multiple_of3A, %add3A_319 : i32
      %get3A_321 = arith.index_cast %shift_right_logical3A_226 : i32 to index
      %get3A_322 = arith.index_cast %add3A_320 : i32 to index
      %get3A_323 = tpu.vector_load %arg8[%get3A_321, %get3A_322] {strides = array<i32>} : memref<16x512xf32, #tpu.memory_space<vmem>>, vector<16xf32>,
      %mul3A_324 = arith.constant 1.280000e+02 : f32
      %mul3A_325 = vector.broadcast %mul3A_324 : f32 to vector<16xf32>
      %mul3A_326 = arith.mulf %get3A_318, %mul3A_325 : vector<16xf32>
      %add3A_327 = arith.constant 2.048500e+03 : f32
      %add3A_328 = vector.broadcast %add3A_327 : f32 to vector<16xf32>
      %add3A_329 = arith.addf %mul3A_326, %add3A_328 : vector<16xf32>
      %max3A_330 = arith.constant 0.000000e+00 : f32
      %max3A_331 = vector.broadcast %max3A_330 : f32 to vector<16xf32>
      %max3A_332 = arith.maximumf %add3A_329, %max3A_331 : vector<16xf32>
      %min3A_333 = arith.constant 4.095000e+03 : f32
      %min3A_334 = vector.broadcast %min3A_333 : f32 to vector<16xf32>
      %min3A_335 = arith.minimumf %max3A_332, %min3A_334 : vector<16xf32>
      %convert_element_type3A_336 = arith.fptosi %min3A_335 : vector<16xf32> to vector<16xi32>
      %gather3A_337 = tpu.vector_load_idx %arg9[%convert_element_type3A_336] : memref<4096xf32, #tpu.memory_space<vmem>>[vector<16xi32>], vector<16xf32>,
      %add3A_338 = arith.addf %add3A_278, %gather3A_337 : vector<16xf32>
      %mul3A_339 = arith.mulf %get3A_323, %gather3A_337 : vector<16xf32>
      %add3A_340 = arith.addf %add3A_280, %mul3A_339 : vector<16xf32>
      %mul3A_341 = arith.mulf %get3A_323, %get3A_318 : vector<16xf32>
      %add3A_342 = arith.addf %add3A_282, %mul3A_341 : vector<16xf32>
      %add3A_343 = arith.addf %add3A_283, %get3A_323 : vector<16xf32>
      %add3A_344 = arith.constant 64 : i32
      %add3A_345 = arith.addi %multiple_of3A, %add3A_344 : i32
      %get3A_346 = arith.index_cast %shift_right_logical3A_226 : i32 to index
      %get3A_347 = arith.index_cast %add3A_345 : i32 to index
      %get3A_348 = tpu.vector_load %arg6[%get3A_346, %get3A_347] {strides = array<i32>} : memref<16x512xf32, #tpu.memory_space<vmem>>, vector<16xf32>,
      %add3A_349 = arith.constant 64 : i32
      %add3A_350 = arith.addi %multiple_of3A, %add3A_349 : i32
      %get3A_351 = arith.index_cast %shift_right_logical3A_226 : i32 to index
      %get3A_352 = arith.index_cast %add3A_350 : i32 to index
      %get3A_353 = tpu.vector_load %arg8[%get3A_351, %get3A_352] {strides = array<i32>} : memref<16x512xf32, #tpu.memory_space<vmem>>, vector<16xf32>,
      %mul3A_354 = arith.constant 1.280000e+02 : f32
      %mul3A_355 = vector.broadcast %mul3A_354 : f32 to vector<16xf32>
      %mul3A_356 = arith.mulf %get3A_348, %mul3A_355 : vector<16xf32>
      %add3A_357 = arith.constant 2.048500e+03 : f32
      %add3A_358 = vector.broadcast %add3A_357 : f32 to vector<16xf32>
      %add3A_359 = arith.addf %mul3A_356, %add3A_358 : vector<16xf32>
      %max3A_360 = arith.constant 0.000000e+00 : f32
      %max3A_361 = vector.broadcast %max3A_360 : f32 to vector<16xf32>
      %max3A_362 = arith.maximumf %add3A_359, %max3A_361 : vector<16xf32>
      %min3A_363 = arith.constant 4.095000e+03 : f32
      %min3A_364 = vector.broadcast %min3A_363 : f32 to vector<16xf32>
      %min3A_365 = arith.minimumf %max3A_362, %min3A_364 : vector<16xf32>
      %convert_element_type3A_366 = arith.fptosi %min3A_365 : vector<16xf32> to vector<16xi32>
      %gather3A_367 = tpu.vector_load_idx %arg9[%convert_element_type3A_366] : memref<4096xf32, #tpu.memory_space<vmem>>[vector<16xi32>], vector<16xf32>,
      %add3A_368 = arith.addf %add3A_308, %gather3A_367 : vector<16xf32>
      %mul3A_369 = arith.mulf %get3A_353, %gather3A_367 : vector<16xf32>
      %add3A_370 = arith.addf %add3A_310, %mul3A_369 : vector<16xf32>
      %mul3A_371 = arith.mulf %get3A_353, %get3A_348 : vector<16xf32>
      %add3A_372 = arith.addf %add3A_312, %mul3A_371 : vector<16xf32>
      %add3A_373 = arith.addf %add3A_313, %get3A_353 : vector<16xf32>
      %add3A_374 = arith.constant 80 : i32
      %add3A_375 = arith.addi %multiple_of3A, %add3A_374 : i32
      %get3A_376 = arith.index_cast %shift_right_logical3A_226 : i32 to index
      %get3A_377 = arith.index_cast %add3A_375 : i32 to index
      %get3A_378 = tpu.vector_load %arg6[%get3A_376, %get3A_377] {strides = array<i32>} : memref<16x512xf32, #tpu.memory_space<vmem>>, vector<16xf32>,
      %add3A_379 = arith.constant 80 : i32
      %add3A_380 = arith.addi %multiple_of3A, %add3A_379 : i32
      %get3A_381 = arith.index_cast %shift_right_logical3A_226 : i32 to index
      %get3A_382 = arith.index_cast %add3A_380 : i32 to index
      %get3A_383 = tpu.vector_load %arg8[%get3A_381, %get3A_382] {strides = array<i32>} : memref<16x512xf32, #tpu.memory_space<vmem>>, vector<16xf32>,
      %mul3A_384 = arith.constant 1.280000e+02 : f32
      %mul3A_385 = vector.broadcast %mul3A_384 : f32 to vector<16xf32>
      %mul3A_386 = arith.mulf %get3A_378, %mul3A_385 : vector<16xf32>
      %add3A_387 = arith.constant 2.048500e+03 : f32
      %add3A_388 = vector.broadcast %add3A_387 : f32 to vector<16xf32>
      %add3A_389 = arith.addf %mul3A_386, %add3A_388 : vector<16xf32>
      %max3A_390 = arith.constant 0.000000e+00 : f32
      %max3A_391 = vector.broadcast %max3A_390 : f32 to vector<16xf32>
      %max3A_392 = arith.maximumf %add3A_389, %max3A_391 : vector<16xf32>
      %min3A_393 = arith.constant 4.095000e+03 : f32
      %min3A_394 = vector.broadcast %min3A_393 : f32 to vector<16xf32>
      %min3A_395 = arith.minimumf %max3A_392, %min3A_394 : vector<16xf32>
      %convert_element_type3A_396 = arith.fptosi %min3A_395 : vector<16xf32> to vector<16xi32>
      %gather3A_397 = tpu.vector_load_idx %arg9[%convert_element_type3A_396] : memref<4096xf32, #tpu.memory_space<vmem>>[vector<16xi32>], vector<16xf32>,
      %add3A_398 = arith.addf %add3A_338, %gather3A_397 : vector<16xf32>
      %mul3A_399 = arith.mulf %get3A_383, %gather3A_397 : vector<16xf32>
      %add3A_400 = arith.addf %add3A_340, %mul3A_399 : vector<16xf32>
      %mul3A_401 = arith.mulf %get3A_383, %get3A_378 : vector<16xf32>
      %add3A_402 = arith.addf %add3A_342, %mul3A_401 : vector<16xf32>
      %add3A_403 = arith.addf %add3A_343, %get3A_383 : vector<16xf32>
      %add3A_404 = arith.constant 96 : i32
      %add3A_405 = arith.addi %multiple_of3A, %add3A_404 : i32
      %get3A_406 = arith.index_cast %shift_right_logical3A_226 : i32 to index
      %get3A_407 = arith.index_cast %add3A_405 : i32 to index
      %get3A_408 = tpu.vector_load %arg6[%get3A_406, %get3A_407] {strides = array<i32>} : memref<16x512xf32, #tpu.memory_space<vmem>>, vector<16xf32>,
      %add3A_409 = arith.constant 96 : i32
      %add3A_410 = arith.addi %multiple_of3A, %add3A_409 : i32
      %get3A_411 = arith.index_cast %shift_right_logical3A_226 : i32 to index
      %get3A_412 = arith.index_cast %add3A_410 : i32 to index
      %get3A_413 = tpu.vector_load %arg8[%get3A_411, %get3A_412] {strides = array<i32>} : memref<16x512xf32, #tpu.memory_space<vmem>>, vector<16xf32>,
      %mul3A_414 = arith.constant 1.280000e+02 : f32
      %mul3A_415 = vector.broadcast %mul3A_414 : f32 to vector<16xf32>
      %mul3A_416 = arith.mulf %get3A_408, %mul3A_415 : vector<16xf32>
      %add3A_417 = arith.constant 2.048500e+03 : f32
      %add3A_418 = vector.broadcast %add3A_417 : f32 to vector<16xf32>
      %add3A_419 = arith.addf %mul3A_416, %add3A_418 : vector<16xf32>
      %max3A_420 = arith.constant 0.000000e+00 : f32
      %max3A_421 = vector.broadcast %max3A_420 : f32 to vector<16xf32>
      %max3A_422 = arith.maximumf %add3A_419, %max3A_421 : vector<16xf32>
      %min3A_423 = arith.constant 4.095000e+03 : f32
      %min3A_424 = vector.broadcast %min3A_423 : f32 to vector<16xf32>
      %min3A_425 = arith.minimumf %max3A_422, %min3A_424 : vector<16xf32>
      %convert_element_type3A_426 = arith.fptosi %min3A_425 : vector<16xf32> to vector<16xi32>
      %gather3A_427 = tpu.vector_load_idx %arg9[%convert_element_type3A_426] : memref<4096xf32, #tpu.memory_space<vmem>>[vector<16xi32>], vector<16xf32>,
      %add3A_428 = arith.addf %add3A_368, %gather3A_427 : vector<16xf32>
      %mul3A_429 = arith.mulf %get3A_413, %gather3A_427 : vector<16xf32>
      %add3A_430 = arith.addf %add3A_370, %mul3A_429 : vector<16xf32>
      %mul3A_431 = arith.mulf %get3A_413, %get3A_408 : vector<16xf32>
      %add3A_432 = arith.addf %add3A_372, %mul3A_431 : vector<16xf32>
      %add3A_433 = arith.addf %add3A_373, %get3A_413 : vector<16xf32>
      %add3A_434 = arith.constant 112 : i32
      %add3A_435 = arith.addi %multiple_of3A, %add3A_434 : i32
      %get3A_436 = arith.index_cast %shift_right_logical3A_226 : i32 to index
      %get3A_437 = arith.index_cast %add3A_435 : i32 to index
      %get3A_438 = tpu.vector_load %arg6[%get3A_436, %get3A_437] {strides = array<i32>} : memref<16x512xf32, #tpu.memory_space<vmem>>, vector<16xf32>,
      %add3A_439 = arith.constant 112 : i32
      %add3A_440 = arith.addi %multiple_of3A, %add3A_439 : i32
      %get3A_441 = arith.index_cast %shift_right_logical3A_226 : i32 to index
      %get3A_442 = arith.index_cast %add3A_440 : i32 to index
      %get3A_443 = tpu.vector_load %arg8[%get3A_441, %get3A_442] {strides = array<i32>} : memref<16x512xf32, #tpu.memory_space<vmem>>, vector<16xf32>,
      %mul3A_444 = arith.constant 1.280000e+02 : f32
      %mul3A_445 = vector.broadcast %mul3A_444 : f32 to vector<16xf32>
      %mul3A_446 = arith.mulf %get3A_438, %mul3A_445 : vector<16xf32>
      %add3A_447 = arith.constant 2.048500e+03 : f32
      %add3A_448 = vector.broadcast %add3A_447 : f32 to vector<16xf32>
      %add3A_449 = arith.addf %mul3A_446, %add3A_448 : vector<16xf32>
      %max3A_450 = arith.constant 0.000000e+00 : f32
      %max3A_451 = vector.broadcast %max3A_450 : f32 to vector<16xf32>
      %max3A_452 = arith.maximumf %add3A_449, %max3A_451 : vector<16xf32>
      %min3A_453 = arith.constant 4.095000e+03 : f32
      %min3A_454 = vector.broadcast %min3A_453 : f32 to vector<16xf32>
      %min3A_455 = arith.minimumf %max3A_452, %min3A_454 : vector<16xf32>
      %convert_element_type3A_456 = arith.fptosi %min3A_455 : vector<16xf32> to vector<16xi32>
      %gather3A_457 = tpu.vector_load_idx %arg9[%convert_element_type3A_456] : memref<4096xf32, #tpu.memory_space<vmem>>[vector<16xi32>], vector<16xf32>,
      %add3A_458 = arith.addf %add3A_398, %gather3A_457 : vector<16xf32>
      %mul3A_459 = arith.mulf %get3A_443, %gather3A_457 : vector<16xf32>
      %add3A_460 = arith.addf %add3A_400, %mul3A_459 : vector<16xf32>
      %mul3A_461 = arith.mulf %get3A_443, %get3A_438 : vector<16xf32>
      %add3A_462 = arith.addf %add3A_402, %mul3A_461 : vector<16xf32>
      %add3A_463 = arith.addf %add3A_403, %get3A_443 : vector<16xf32>
      scf.yield %add3A_428, %add3A_430, %add3A_432, %add3A_433, %add3A_458, %add3A_460, %add3A_462, %add3A_463 : vector<16xf32>, vector<16xf32>, vector<16xf32>, vector<16xf32>, vector<16xf32>, vector<16xf32>, vector<16xf32>, vector<16xf32>
    }
    %scan3A_105 = arith.constant 64 : i32
    %dma_wait3A_106 = arith.constant 0 : i32
    %dma_wait3A_107 = arith.constant 0 : i32
    %dma_wait3A_108 = tpu.memref_slice %arg2[%div3A_83, %dma_wait3A_106, %rem3A_85, %dma_wait3A_107] : memref<16x3x512x512xf32, #tpu.memory_space<hbm>> -> memref<1x1x16x512xf32, #tpu.memory_space<hbm>>
    %dma_wait3A_109 = tpu.memref_squeeze %dma_wait3A_108 : memref<1x1x16x512xf32, #tpu.memory_space<hbm>> -> memref<16x512xf32, #tpu.memory_space<hbm>>
    %dma_wait3A_110 = arith.constant 0 : i32
    %dma_wait3A_111 = tpu.memref_slice %arg2[%div3A_83, %dma_wait3A_106, %rem3A_85, %dma_wait3A_110] : memref<16x3x512x512xf32, #tpu.memory_space<hbm>> -> memref<1x1x16x512xf32, #tpu.memory_space<hbm>>
    %dma_wait3A_112 = tpu.memref_squeeze %dma_wait3A_111 : memref<1x1x16x512xf32, #tpu.memory_space<hbm>> -> memref<16x512xf32, #tpu.memory_space<hbm>>
    tpu.wait_dma2 semaphore(%arg11 : memref<!tpu.dma_semaphore, #tpu.memory_space<semaphore_mem>>) src(%dma_wait3A_112 : memref<16x512xf32, #tpu.memory_space<hbm>>) dst(%arg5 : memref<16x512xf32, #tpu.memory_space<vmem>>)
    %dma_wait3A_113 = arith.constant 0 : i32
    %dma_wait3A_114 = arith.constant 0 : i32
    %dma_wait3A_115 = tpu.memref_slice %arg3[%div3A_83, %dma_wait3A_113, %rem3A_85, %dma_wait3A_114] : memref<16x3x512x512xf32, #tpu.memory_space<hbm>> -> memref<1x1x16x512xf32, #tpu.memory_space<hbm>>
    %dma_wait3A_116 = tpu.memref_squeeze %dma_wait3A_115 : memref<1x1x16x512xf32, #tpu.memory_space<hbm>> -> memref<16x512xf32, #tpu.memory_space<hbm>>
    %dma_wait3A_117 = arith.constant 0 : i32
    %dma_wait3A_118 = tpu.memref_slice %arg3[%div3A_83, %dma_wait3A_113, %rem3A_85, %dma_wait3A_117] : memref<16x3x512x512xf32, #tpu.memory_space<hbm>> -> memref<1x1x16x512xf32, #tpu.memory_space<hbm>>
    %dma_wait3A_119 = tpu.memref_squeeze %dma_wait3A_118 : memref<1x1x16x512xf32, #tpu.memory_space<hbm>> -> memref<16x512xf32, #tpu.memory_space<hbm>>
    tpu.wait_dma2 semaphore(%arg13 : memref<!tpu.dma_semaphore, #tpu.memory_space<semaphore_mem>>) src(%dma_wait3A_119 : memref<16x512xf32, #tpu.memory_space<hbm>>) dst(%arg7 : memref<16x512xf32, #tpu.memory_space<vmem>>)
    %add3A_120 = arith.constant 48 : i32
    %add3A_121 = arith.addi %mul3A_2, %add3A_120 : i32
    %div3A_122 = arith.constant 512 : i32
    %div3A_123 = arith.divsi %add3A_121, %div3A_122 : i32
    %rem3A_124 = arith.constant 512 : i32
    %rem3A_125 = arith.remsi %add3A_121, %rem3A_124 : i32
    %dma_start3A_126 = arith.constant 0 : i32
    %dma_start3A_127 = arith.constant 0 : i32
    %dma_start3A_128 = tpu.memref_slice %arg2[%div3A_123, %dma_start3A_126, %rem3A_125, %dma_start3A_127] : memref<16x3x512x512xf32, #tpu.memory_space<hbm>> -> memref<1x1x16x512xf32, #tpu.memory_space<hbm>>
    %dma_start3A_129 = tpu.memref_squeeze %dma_start3A_128 : memref<1x1x16x512xf32, #tpu.memory_space<hbm>> -> memref<16x512xf32, #tpu.memory_space<hbm>>
    %dma_start3A_130 = arith.constant 0 : i32
    %dma_start3A_131 = tpu.memref_slice %arg2[%div3A_123, %dma_start3A_126, %rem3A_125, %dma_start3A_130] : memref<16x3x512x512xf32, #tpu.memory_space<hbm>> -> memref<1x1x16x512xf32, #tpu.memory_space<hbm>>
    %dma_start3A_132 = tpu.memref_squeeze %dma_start3A_131 : memref<1x1x16x512xf32, #tpu.memory_space<hbm>> -> memref<16x512xf32, #tpu.memory_space<hbm>>
    tpu.enqueue_dma source(%dma_start3A_132 : memref<16x512xf32, #tpu.memory_space<hbm>>) target(%arg6 : memref<16x512xf32, #tpu.memory_space<vmem>>) target_semaphore(%arg12 : memref<!tpu.dma_semaphore, #tpu.memory_space<semaphore_mem>>)
    %dma_start3A_133 = arith.constant 0 : i32
    %dma_start3A_134 = arith.constant 0 : i32
    %dma_start3A_135 = tpu.memref_slice %arg3[%div3A_123, %dma_start3A_133, %rem3A_125, %dma_start3A_134] : memref<16x3x512x512xf32, #tpu.memory_space<hbm>> -> memref<1x1x16x512xf32, #tpu.memory_space<hbm>>
    %dma_start3A_136 = tpu.memref_squeeze %dma_start3A_135 : memref<1x1x16x512xf32, #tpu.memory_space<hbm>> -> memref<16x512xf32, #tpu.memory_space<hbm>>
    %dma_start3A_137 = arith.constant 0 : i32
    %dma_start3A_138 = tpu.memref_slice %arg3[%div3A_123, %dma_start3A_133, %rem3A_125, %dma_start3A_137] : memref<16x3x512x512xf32, #tpu.memory_space<hbm>> -> memref<1x1x16x512xf32, #tpu.memory_space<hbm>>
    %dma_start3A_139 = tpu.memref_squeeze %dma_start3A_138 : memref<1x1x16x512xf32, #tpu.memory_space<hbm>> -> memref<16x512xf32, #tpu.memory_space<hbm>>
    tpu.enqueue_dma source(%dma_start3A_139 : memref<16x512xf32, #tpu.memory_space<hbm>>) target(%arg8 : memref<16x512xf32, #tpu.memory_space<vmem>>) target_semaphore(%arg14 : memref<!tpu.dma_semaphore, #tpu.memory_space<semaphore_mem>>)
    %scan3A_140 = arith.constant 0 : i32
    %scan3A_141 = arith.constant 64 : i32
    %scan3A_142 = arith.addi %scan3A_140, %scan3A_141 : i32
    %scan3A_143 = arith.constant 1 : i32
    %scan3A_144:8 = scf.for %scan3A_217 = %scan3A_140 to %scan3A_142 step %scan3A_143 iter_args(%scan3A_218 = %scan3A_104#0, %scan3A_219 = %scan3A_104#1, %scan3A_220 = %scan3A_104#2, %scan3A_221 = %scan3A_104#3, %scan3A_222 = %scan3A_104#4, %scan3A_223 = %scan3A_104#5, %scan3A_224 = %scan3A_104#6, %scan3A_225 = %scan3A_104#7) -> (vector<16xf32>, vector<16xf32>, vector<16xf32>, vector<16xf32>, vector<16xf32>, vector<16xf32>, vector<16xf32>, vector<16xf32>)  : i32 {
      %shift_right_logical3A = arith.constant 2 : i32
      %shift_right_logical3A_226 = arith.shrui %scan3A_217, %shift_right_logical3A : i32
      %and3A = arith.constant 3 : i32
      %and3A_227 = arith.andi %scan3A_217, %and3A : i32
      %shift_left3A = arith.constant 7 : i32
      %shift_left3A_228 = arith.shli %and3A_227, %shift_left3A : i32
      %multiple_of3A = tpu.assume_multiple %shift_left3A_228, 128 : i32
      %add3A_229 = arith.constant 0 : i32
      %add3A_230 = arith.addi %multiple_of3A, %add3A_229 : i32
      %get3A = arith.index_cast %shift_right_logical3A_226 : i32 to index
      %get3A_231 = arith.index_cast %add3A_230 : i32 to index
      %get3A_232 = tpu.vector_load %arg5[%get3A, %get3A_231] {strides = array<i32>} : memref<16x512xf32, #tpu.memory_space<vmem>>, vector<16xf32>,
      %add3A_233 = arith.constant 0 : i32
      %add3A_234 = arith.addi %multiple_of3A, %add3A_233 : i32
      %get3A_235 = arith.index_cast %shift_right_logical3A_226 : i32 to index
      %get3A_236 = arith.index_cast %add3A_234 : i32 to index
      %get3A_237 = tpu.vector_load %arg7[%get3A_235, %get3A_236] {strides = array<i32>} : memref<16x512xf32, #tpu.memory_space<vmem>>, vector<16xf32>,
      %mul3A_238 = arith.constant 1.280000e+02 : f32
      %mul3A_239 = vector.broadcast %mul3A_238 : f32 to vector<16xf32>
      %mul3A_240 = arith.mulf %get3A_232, %mul3A_239 : vector<16xf32>
      %add3A_241 = arith.constant 2.048500e+03 : f32
      %add3A_242 = vector.broadcast %add3A_241 : f32 to vector<16xf32>
      %add3A_243 = arith.addf %mul3A_240, %add3A_242 : vector<16xf32>
      %max3A = arith.constant 0.000000e+00 : f32
      %max3A_244 = vector.broadcast %max3A : f32 to vector<16xf32>
      %max3A_245 = arith.maximumf %add3A_243, %max3A_244 : vector<16xf32>
      %min3A = arith.constant 4.095000e+03 : f32
      %min3A_246 = vector.broadcast %min3A : f32 to vector<16xf32>
      %min3A_247 = arith.minimumf %max3A_245, %min3A_246 : vector<16xf32>
      %convert_element_type3A = arith.fptosi %min3A_247 : vector<16xf32> to vector<16xi32>
      %gather3A = tpu.vector_load_idx %arg9[%convert_element_type3A] : memref<4096xf32, #tpu.memory_space<vmem>>[vector<16xi32>], vector<16xf32>,
      %add3A_248 = arith.addf %scan3A_218, %gather3A : vector<16xf32>
      %mul3A_249 = arith.mulf %get3A_237, %gather3A : vector<16xf32>
      %add3A_250 = arith.addf %scan3A_219, %mul3A_249 : vector<16xf32>
      %mul3A_251 = arith.mulf %get3A_237, %get3A_232 : vector<16xf32>
      %add3A_252 = arith.addf %scan3A_220, %mul3A_251 : vector<16xf32>
      %add3A_253 = arith.addf %scan3A_221, %get3A_237 : vector<16xf32>
      %add3A_254 = arith.constant 16 : i32
      %add3A_255 = arith.addi %multiple_of3A, %add3A_254 : i32
      %get3A_256 = arith.index_cast %shift_right_logical3A_226 : i32 to index
      %get3A_257 = arith.index_cast %add3A_255 : i32 to index
      %get3A_258 = tpu.vector_load %arg5[%get3A_256, %get3A_257] {strides = array<i32>} : memref<16x512xf32, #tpu.memory_space<vmem>>, vector<16xf32>,
      %add3A_259 = arith.constant 16 : i32
      %add3A_260 = arith.addi %multiple_of3A, %add3A_259 : i32
      %get3A_261 = arith.index_cast %shift_right_logical3A_226 : i32 to index
      %get3A_262 = arith.index_cast %add3A_260 : i32 to index
      %get3A_263 = tpu.vector_load %arg7[%get3A_261, %get3A_262] {strides = array<i32>} : memref<16x512xf32, #tpu.memory_space<vmem>>, vector<16xf32>,
      %mul3A_264 = arith.constant 1.280000e+02 : f32
      %mul3A_265 = vector.broadcast %mul3A_264 : f32 to vector<16xf32>
      %mul3A_266 = arith.mulf %get3A_258, %mul3A_265 : vector<16xf32>
      %add3A_267 = arith.constant 2.048500e+03 : f32
      %add3A_268 = vector.broadcast %add3A_267 : f32 to vector<16xf32>
      %add3A_269 = arith.addf %mul3A_266, %add3A_268 : vector<16xf32>
      %max3A_270 = arith.constant 0.000000e+00 : f32
      %max3A_271 = vector.broadcast %max3A_270 : f32 to vector<16xf32>
      %max3A_272 = arith.maximumf %add3A_269, %max3A_271 : vector<16xf32>
      %min3A_273 = arith.constant 4.095000e+03 : f32
      %min3A_274 = vector.broadcast %min3A_273 : f32 to vector<16xf32>
      %min3A_275 = arith.minimumf %max3A_272, %min3A_274 : vector<16xf32>
      %convert_element_type3A_276 = arith.fptosi %min3A_275 : vector<16xf32> to vector<16xi32>
      %gather3A_277 = tpu.vector_load_idx %arg9[%convert_element_type3A_276] : memref<4096xf32, #tpu.memory_space<vmem>>[vector<16xi32>], vector<16xf32>,
      %add3A_278 = arith.addf %scan3A_222, %gather3A_277 : vector<16xf32>
      %mul3A_279 = arith.mulf %get3A_263, %gather3A_277 : vector<16xf32>
      %add3A_280 = arith.addf %scan3A_223, %mul3A_279 : vector<16xf32>
      %mul3A_281 = arith.mulf %get3A_263, %get3A_258 : vector<16xf32>
      %add3A_282 = arith.addf %scan3A_224, %mul3A_281 : vector<16xf32>
      %add3A_283 = arith.addf %scan3A_225, %get3A_263 : vector<16xf32>
      %add3A_284 = arith.constant 32 : i32
      %add3A_285 = arith.addi %multiple_of3A, %add3A_284 : i32
      %get3A_286 = arith.index_cast %shift_right_logical3A_226 : i32 to index
      %get3A_287 = arith.index_cast %add3A_285 : i32 to index
      %get3A_288 = tpu.vector_load %arg5[%get3A_286, %get3A_287] {strides = array<i32>} : memref<16x512xf32, #tpu.memory_space<vmem>>, vector<16xf32>,
      %add3A_289 = arith.constant 32 : i32
      %add3A_290 = arith.addi %multiple_of3A, %add3A_289 : i32
      %get3A_291 = arith.index_cast %shift_right_logical3A_226 : i32 to index
      %get3A_292 = arith.index_cast %add3A_290 : i32 to index
      %get3A_293 = tpu.vector_load %arg7[%get3A_291, %get3A_292] {strides = array<i32>} : memref<16x512xf32, #tpu.memory_space<vmem>>, vector<16xf32>,
      %mul3A_294 = arith.constant 1.280000e+02 : f32
      %mul3A_295 = vector.broadcast %mul3A_294 : f32 to vector<16xf32>
      %mul3A_296 = arith.mulf %get3A_288, %mul3A_295 : vector<16xf32>
      %add3A_297 = arith.constant 2.048500e+03 : f32
      %add3A_298 = vector.broadcast %add3A_297 : f32 to vector<16xf32>
      %add3A_299 = arith.addf %mul3A_296, %add3A_298 : vector<16xf32>
      %max3A_300 = arith.constant 0.000000e+00 : f32
      %max3A_301 = vector.broadcast %max3A_300 : f32 to vector<16xf32>
      %max3A_302 = arith.maximumf %add3A_299, %max3A_301 : vector<16xf32>
      %min3A_303 = arith.constant 4.095000e+03 : f32
      %min3A_304 = vector.broadcast %min3A_303 : f32 to vector<16xf32>
      %min3A_305 = arith.minimumf %max3A_302, %min3A_304 : vector<16xf32>
      %convert_element_type3A_306 = arith.fptosi %min3A_305 : vector<16xf32> to vector<16xi32>
      %gather3A_307 = tpu.vector_load_idx %arg9[%convert_element_type3A_306] : memref<4096xf32, #tpu.memory_space<vmem>>[vector<16xi32>], vector<16xf32>,
      %add3A_308 = arith.addf %add3A_248, %gather3A_307 : vector<16xf32>
      %mul3A_309 = arith.mulf %get3A_293, %gather3A_307 : vector<16xf32>
      %add3A_310 = arith.addf %add3A_250, %mul3A_309 : vector<16xf32>
      %mul3A_311 = arith.mulf %get3A_293, %get3A_288 : vector<16xf32>
      %add3A_312 = arith.addf %add3A_252, %mul3A_311 : vector<16xf32>
      %add3A_313 = arith.addf %add3A_253, %get3A_293 : vector<16xf32>
      %add3A_314 = arith.constant 48 : i32
      %add3A_315 = arith.addi %multiple_of3A, %add3A_314 : i32
      %get3A_316 = arith.index_cast %shift_right_logical3A_226 : i32 to index
      %get3A_317 = arith.index_cast %add3A_315 : i32 to index
      %get3A_318 = tpu.vector_load %arg5[%get3A_316, %get3A_317] {strides = array<i32>} : memref<16x512xf32, #tpu.memory_space<vmem>>, vector<16xf32>,
      %add3A_319 = arith.constant 48 : i32
      %add3A_320 = arith.addi %multiple_of3A, %add3A_319 : i32
      %get3A_321 = arith.index_cast %shift_right_logical3A_226 : i32 to index
      %get3A_322 = arith.index_cast %add3A_320 : i32 to index
      %get3A_323 = tpu.vector_load %arg7[%get3A_321, %get3A_322] {strides = array<i32>} : memref<16x512xf32, #tpu.memory_space<vmem>>, vector<16xf32>,
      %mul3A_324 = arith.constant 1.280000e+02 : f32
      %mul3A_325 = vector.broadcast %mul3A_324 : f32 to vector<16xf32>
      %mul3A_326 = arith.mulf %get3A_318, %mul3A_325 : vector<16xf32>
      %add3A_327 = arith.constant 2.048500e+03 : f32
      %add3A_328 = vector.broadcast %add3A_327 : f32 to vector<16xf32>
      %add3A_329 = arith.addf %mul3A_326, %add3A_328 : vector<16xf32>
      %max3A_330 = arith.constant 0.000000e+00 : f32
      %max3A_331 = vector.broadcast %max3A_330 : f32 to vector<16xf32>
      %max3A_332 = arith.maximumf %add3A_329, %max3A_331 : vector<16xf32>
      %min3A_333 = arith.constant 4.095000e+03 : f32
      %min3A_334 = vector.broadcast %min3A_333 : f32 to vector<16xf32>
      %min3A_335 = arith.minimumf %max3A_332, %min3A_334 : vector<16xf32>
      %convert_element_type3A_336 = arith.fptosi %min3A_335 : vector<16xf32> to vector<16xi32>
      %gather3A_337 = tpu.vector_load_idx %arg9[%convert_element_type3A_336] : memref<4096xf32, #tpu.memory_space<vmem>>[vector<16xi32>], vector<16xf32>,
      %add3A_338 = arith.addf %add3A_278, %gather3A_337 : vector<16xf32>
      %mul3A_339 = arith.mulf %get3A_323, %gather3A_337 : vector<16xf32>
      %add3A_340 = arith.addf %add3A_280, %mul3A_339 : vector<16xf32>
      %mul3A_341 = arith.mulf %get3A_323, %get3A_318 : vector<16xf32>
      %add3A_342 = arith.addf %add3A_282, %mul3A_341 : vector<16xf32>
      %add3A_343 = arith.addf %add3A_283, %get3A_323 : vector<16xf32>
      %add3A_344 = arith.constant 64 : i32
      %add3A_345 = arith.addi %multiple_of3A, %add3A_344 : i32
      %get3A_346 = arith.index_cast %shift_right_logical3A_226 : i32 to index
      %get3A_347 = arith.index_cast %add3A_345 : i32 to index
      %get3A_348 = tpu.vector_load %arg5[%get3A_346, %get3A_347] {strides = array<i32>} : memref<16x512xf32, #tpu.memory_space<vmem>>, vector<16xf32>,
      %add3A_349 = arith.constant 64 : i32
      %add3A_350 = arith.addi %multiple_of3A, %add3A_349 : i32
      %get3A_351 = arith.index_cast %shift_right_logical3A_226 : i32 to index
      %get3A_352 = arith.index_cast %add3A_350 : i32 to index
      %get3A_353 = tpu.vector_load %arg7[%get3A_351, %get3A_352] {strides = array<i32>} : memref<16x512xf32, #tpu.memory_space<vmem>>, vector<16xf32>,
      %mul3A_354 = arith.constant 1.280000e+02 : f32
      %mul3A_355 = vector.broadcast %mul3A_354 : f32 to vector<16xf32>
      %mul3A_356 = arith.mulf %get3A_348, %mul3A_355 : vector<16xf32>
      %add3A_357 = arith.constant 2.048500e+03 : f32
      %add3A_358 = vector.broadcast %add3A_357 : f32 to vector<16xf32>
      %add3A_359 = arith.addf %mul3A_356, %add3A_358 : vector<16xf32>
      %max3A_360 = arith.constant 0.000000e+00 : f32
      %max3A_361 = vector.broadcast %max3A_360 : f32 to vector<16xf32>
      %max3A_362 = arith.maximumf %add3A_359, %max3A_361 : vector<16xf32>
      %min3A_363 = arith.constant 4.095000e+03 : f32
      %min3A_364 = vector.broadcast %min3A_363 : f32 to vector<16xf32>
      %min3A_365 = arith.minimumf %max3A_362, %min3A_364 : vector<16xf32>
      %convert_element_type3A_366 = arith.fptosi %min3A_365 : vector<16xf32> to vector<16xi32>
      %gather3A_367 = tpu.vector_load_idx %arg9[%convert_element_type3A_366] : memref<4096xf32, #tpu.memory_space<vmem>>[vector<16xi32>], vector<16xf32>,
      %add3A_368 = arith.addf %add3A_308, %gather3A_367 : vector<16xf32>
      %mul3A_369 = arith.mulf %get3A_353, %gather3A_367 : vector<16xf32>
      %add3A_370 = arith.addf %add3A_310, %mul3A_369 : vector<16xf32>
      %mul3A_371 = arith.mulf %get3A_353, %get3A_348 : vector<16xf32>
      %add3A_372 = arith.addf %add3A_312, %mul3A_371 : vector<16xf32>
      %add3A_373 = arith.addf %add3A_313, %get3A_353 : vector<16xf32>
      %add3A_374 = arith.constant 80 : i32
      %add3A_375 = arith.addi %multiple_of3A, %add3A_374 : i32
      %get3A_376 = arith.index_cast %shift_right_logical3A_226 : i32 to index
      %get3A_377 = arith.index_cast %add3A_375 : i32 to index
      %get3A_378 = tpu.vector_load %arg5[%get3A_376, %get3A_377] {strides = array<i32>} : memref<16x512xf32, #tpu.memory_space<vmem>>, vector<16xf32>,
      %add3A_379 = arith.constant 80 : i32
      %add3A_380 = arith.addi %multiple_of3A, %add3A_379 : i32
      %get3A_381 = arith.index_cast %shift_right_logical3A_226 : i32 to index
      %get3A_382 = arith.index_cast %add3A_380 : i32 to index
      %get3A_383 = tpu.vector_load %arg7[%get3A_381, %get3A_382] {strides = array<i32>} : memref<16x512xf32, #tpu.memory_space<vmem>>, vector<16xf32>,
      %mul3A_384 = arith.constant 1.280000e+02 : f32
      %mul3A_385 = vector.broadcast %mul3A_384 : f32 to vector<16xf32>
      %mul3A_386 = arith.mulf %get3A_378, %mul3A_385 : vector<16xf32>
      %add3A_387 = arith.constant 2.048500e+03 : f32
      %add3A_388 = vector.broadcast %add3A_387 : f32 to vector<16xf32>
      %add3A_389 = arith.addf %mul3A_386, %add3A_388 : vector<16xf32>
      %max3A_390 = arith.constant 0.000000e+00 : f32
      %max3A_391 = vector.broadcast %max3A_390 : f32 to vector<16xf32>
      %max3A_392 = arith.maximumf %add3A_389, %max3A_391 : vector<16xf32>
      %min3A_393 = arith.constant 4.095000e+03 : f32
      %min3A_394 = vector.broadcast %min3A_393 : f32 to vector<16xf32>
      %min3A_395 = arith.minimumf %max3A_392, %min3A_394 : vector<16xf32>
      %convert_element_type3A_396 = arith.fptosi %min3A_395 : vector<16xf32> to vector<16xi32>
      %gather3A_397 = tpu.vector_load_idx %arg9[%convert_element_type3A_396] : memref<4096xf32, #tpu.memory_space<vmem>>[vector<16xi32>], vector<16xf32>,
      %add3A_398 = arith.addf %add3A_338, %gather3A_397 : vector<16xf32>
      %mul3A_399 = arith.mulf %get3A_383, %gather3A_397 : vector<16xf32>
      %add3A_400 = arith.addf %add3A_340, %mul3A_399 : vector<16xf32>
      %mul3A_401 = arith.mulf %get3A_383, %get3A_378 : vector<16xf32>
      %add3A_402 = arith.addf %add3A_342, %mul3A_401 : vector<16xf32>
      %add3A_403 = arith.addf %add3A_343, %get3A_383 : vector<16xf32>
      %add3A_404 = arith.constant 96 : i32
      %add3A_405 = arith.addi %multiple_of3A, %add3A_404 : i32
      %get3A_406 = arith.index_cast %shift_right_logical3A_226 : i32 to index
      %get3A_407 = arith.index_cast %add3A_405 : i32 to index
      %get3A_408 = tpu.vector_load %arg5[%get3A_406, %get3A_407] {strides = array<i32>} : memref<16x512xf32, #tpu.memory_space<vmem>>, vector<16xf32>,
      %add3A_409 = arith.constant 96 : i32
      %add3A_410 = arith.addi %multiple_of3A, %add3A_409 : i32
      %get3A_411 = arith.index_cast %shift_right_logical3A_226 : i32 to index
      %get3A_412 = arith.index_cast %add3A_410 : i32 to index
      %get3A_413 = tpu.vector_load %arg7[%get3A_411, %get3A_412] {strides = array<i32>} : memref<16x512xf32, #tpu.memory_space<vmem>>, vector<16xf32>,
      %mul3A_414 = arith.constant 1.280000e+02 : f32
      %mul3A_415 = vector.broadcast %mul3A_414 : f32 to vector<16xf32>
      %mul3A_416 = arith.mulf %get3A_408, %mul3A_415 : vector<16xf32>
      %add3A_417 = arith.constant 2.048500e+03 : f32
      %add3A_418 = vector.broadcast %add3A_417 : f32 to vector<16xf32>
      %add3A_419 = arith.addf %mul3A_416, %add3A_418 : vector<16xf32>
      %max3A_420 = arith.constant 0.000000e+00 : f32
      %max3A_421 = vector.broadcast %max3A_420 : f32 to vector<16xf32>
      %max3A_422 = arith.maximumf %add3A_419, %max3A_421 : vector<16xf32>
      %min3A_423 = arith.constant 4.095000e+03 : f32
      %min3A_424 = vector.broadcast %min3A_423 : f32 to vector<16xf32>
      %min3A_425 = arith.minimumf %max3A_422, %min3A_424 : vector<16xf32>
      %convert_element_type3A_426 = arith.fptosi %min3A_425 : vector<16xf32> to vector<16xi32>
      %gather3A_427 = tpu.vector_load_idx %arg9[%convert_element_type3A_426] : memref<4096xf32, #tpu.memory_space<vmem>>[vector<16xi32>], vector<16xf32>,
      %add3A_428 = arith.addf %add3A_368, %gather3A_427 : vector<16xf32>
      %mul3A_429 = arith.mulf %get3A_413, %gather3A_427 : vector<16xf32>
      %add3A_430 = arith.addf %add3A_370, %mul3A_429 : vector<16xf32>
      %mul3A_431 = arith.mulf %get3A_413, %get3A_408 : vector<16xf32>
      %add3A_432 = arith.addf %add3A_372, %mul3A_431 : vector<16xf32>
      %add3A_433 = arith.addf %add3A_373, %get3A_413 : vector<16xf32>
      %add3A_434 = arith.constant 112 : i32
      %add3A_435 = arith.addi %multiple_of3A, %add3A_434 : i32
      %get3A_436 = arith.index_cast %shift_right_logical3A_226 : i32 to index
      %get3A_437 = arith.index_cast %add3A_435 : i32 to index
      %get3A_438 = tpu.vector_load %arg5[%get3A_436, %get3A_437] {strides = array<i32>} : memref<16x512xf32, #tpu.memory_space<vmem>>, vector<16xf32>,
      %add3A_439 = arith.constant 112 : i32
      %add3A_440 = arith.addi %multiple_of3A, %add3A_439 : i32
      %get3A_441 = arith.index_cast %shift_right_logical3A_226 : i32 to index
      %get3A_442 = arith.index_cast %add3A_440 : i32 to index
      %get3A_443 = tpu.vector_load %arg7[%get3A_441, %get3A_442] {strides = array<i32>} : memref<16x512xf32, #tpu.memory_space<vmem>>, vector<16xf32>,
      %mul3A_444 = arith.constant 1.280000e+02 : f32
      %mul3A_445 = vector.broadcast %mul3A_444 : f32 to vector<16xf32>
      %mul3A_446 = arith.mulf %get3A_438, %mul3A_445 : vector<16xf32>
      %add3A_447 = arith.constant 2.048500e+03 : f32
      %add3A_448 = vector.broadcast %add3A_447 : f32 to vector<16xf32>
      %add3A_449 = arith.addf %mul3A_446, %add3A_448 : vector<16xf32>
      %max3A_450 = arith.constant 0.000000e+00 : f32
      %max3A_451 = vector.broadcast %max3A_450 : f32 to vector<16xf32>
      %max3A_452 = arith.maximumf %add3A_449, %max3A_451 : vector<16xf32>
      %min3A_453 = arith.constant 4.095000e+03 : f32
      %min3A_454 = vector.broadcast %min3A_453 : f32 to vector<16xf32>
      %min3A_455 = arith.minimumf %max3A_452, %min3A_454 : vector<16xf32>
      %convert_element_type3A_456 = arith.fptosi %min3A_455 : vector<16xf32> to vector<16xi32>
      %gather3A_457 = tpu.vector_load_idx %arg9[%convert_element_type3A_456] : memref<4096xf32, #tpu.memory_space<vmem>>[vector<16xi32>], vector<16xf32>,
      %add3A_458 = arith.addf %add3A_398, %gather3A_457 : vector<16xf32>
      %mul3A_459 = arith.mulf %get3A_443, %gather3A_457 : vector<16xf32>
      %add3A_460 = arith.addf %add3A_400, %mul3A_459 : vector<16xf32>
      %mul3A_461 = arith.mulf %get3A_443, %get3A_438 : vector<16xf32>
      %add3A_462 = arith.addf %add3A_402, %mul3A_461 : vector<16xf32>
      %add3A_463 = arith.addf %add3A_403, %get3A_443 : vector<16xf32>
      scf.yield %add3A_428, %add3A_430, %add3A_432, %add3A_433, %add3A_458, %add3A_460, %add3A_462, %add3A_463 : vector<16xf32>, vector<16xf32>, vector<16xf32>, vector<16xf32>, vector<16xf32>, vector<16xf32>, vector<16xf32>, vector<16xf32>
    }
    %scan3A_145 = arith.constant 64 : i32
    %dma_wait3A_146 = arith.constant 0 : i32
    %dma_wait3A_147 = arith.constant 0 : i32
    %dma_wait3A_148 = tpu.memref_slice %arg2[%div3A_123, %dma_wait3A_146, %rem3A_125, %dma_wait3A_147] : memref<16x3x512x512xf32, #tpu.memory_space<hbm>> -> memref<1x1x16x512xf32, #tpu.memory_space<hbm>>
    %dma_wait3A_149 = tpu.memref_squeeze %dma_wait3A_148 : memref<1x1x16x512xf32, #tpu.memory_space<hbm>> -> memref<16x512xf32, #tpu.memory_space<hbm>>
    %dma_wait3A_150 = arith.constant 0 : i32
    %dma_wait3A_151 = tpu.memref_slice %arg2[%div3A_123, %dma_wait3A_146, %rem3A_125, %dma_wait3A_150] : memref<16x3x512x512xf32, #tpu.memory_space<hbm>> -> memref<1x1x16x512xf32, #tpu.memory_space<hbm>>
    %dma_wait3A_152 = tpu.memref_squeeze %dma_wait3A_151 : memref<1x1x16x512xf32, #tpu.memory_space<hbm>> -> memref<16x512xf32, #tpu.memory_space<hbm>>
    tpu.wait_dma2 semaphore(%arg12 : memref<!tpu.dma_semaphore, #tpu.memory_space<semaphore_mem>>) src(%dma_wait3A_152 : memref<16x512xf32, #tpu.memory_space<hbm>>) dst(%arg6 : memref<16x512xf32, #tpu.memory_space<vmem>>)
    %dma_wait3A_153 = arith.constant 0 : i32
    %dma_wait3A_154 = arith.constant 0 : i32
    %dma_wait3A_155 = tpu.memref_slice %arg3[%div3A_123, %dma_wait3A_153, %rem3A_125, %dma_wait3A_154] : memref<16x3x512x512xf32, #tpu.memory_space<hbm>> -> memref<1x1x16x512xf32, #tpu.memory_space<hbm>>
    %dma_wait3A_156 = tpu.memref_squeeze %dma_wait3A_155 : memref<1x1x16x512xf32, #tpu.memory_space<hbm>> -> memref<16x512xf32, #tpu.memory_space<hbm>>
    %dma_wait3A_157 = arith.constant 0 : i32
    %dma_wait3A_158 = tpu.memref_slice %arg3[%div3A_123, %dma_wait3A_153, %rem3A_125, %dma_wait3A_157] : memref<16x3x512x512xf32, #tpu.memory_space<hbm>> -> memref<1x1x16x512xf32, #tpu.memory_space<hbm>>
    %dma_wait3A_159 = tpu.memref_squeeze %dma_wait3A_158 : memref<1x1x16x512xf32, #tpu.memory_space<hbm>> -> memref<16x512xf32, #tpu.memory_space<hbm>>
    tpu.wait_dma2 semaphore(%arg14 : memref<!tpu.dma_semaphore, #tpu.memory_space<semaphore_mem>>) src(%dma_wait3A_159 : memref<16x512xf32, #tpu.memory_space<hbm>>) dst(%arg8 : memref<16x512xf32, #tpu.memory_space<vmem>>)
    %add3A_160 = arith.constant 64 : i32
    %add3A_161 = arith.addi %mul3A_2, %add3A_160 : i32
    %div3A_162 = arith.constant 512 : i32
    %div3A_163 = arith.divsi %add3A_161, %div3A_162 : i32
    %rem3A_164 = arith.constant 512 : i32
    %rem3A_165 = arith.remsi %add3A_161, %rem3A_164 : i32
    %dma_start3A_166 = arith.constant 0 : i32
    %dma_start3A_167 = arith.constant 0 : i32
    %dma_start3A_168 = tpu.memref_slice %arg2[%div3A_163, %dma_start3A_166, %rem3A_165, %dma_start3A_167] : memref<16x3x512x512xf32, #tpu.memory_space<hbm>> -> memref<1x1x16x512xf32, #tpu.memory_space<hbm>>
    %dma_start3A_169 = tpu.memref_squeeze %dma_start3A_168 : memref<1x1x16x512xf32, #tpu.memory_space<hbm>> -> memref<16x512xf32, #tpu.memory_space<hbm>>
    %dma_start3A_170 = arith.constant 0 : i32
    %dma_start3A_171 = tpu.memref_slice %arg2[%div3A_163, %dma_start3A_166, %rem3A_165, %dma_start3A_170] : memref<16x3x512x512xf32, #tpu.memory_space<hbm>> -> memref<1x1x16x512xf32, #tpu.memory_space<hbm>>
    %dma_start3A_172 = tpu.memref_squeeze %dma_start3A_171 : memref<1x1x16x512xf32, #tpu.memory_space<hbm>> -> memref<16x512xf32, #tpu.memory_space<hbm>>
    tpu.enqueue_dma source(%dma_start3A_172 : memref<16x512xf32, #tpu.memory_space<hbm>>) target(%arg5 : memref<16x512xf32, #tpu.memory_space<vmem>>) target_semaphore(%arg11 : memref<!tpu.dma_semaphore, #tpu.memory_space<semaphore_mem>>)
    %dma_start3A_173 = arith.constant 0 : i32
    %dma_start3A_174 = arith.constant 0 : i32
    %dma_start3A_175 = tpu.memref_slice %arg3[%div3A_163, %dma_start3A_173, %rem3A_165, %dma_start3A_174] : memref<16x3x512x512xf32, #tpu.memory_space<hbm>> -> memref<1x1x16x512xf32, #tpu.memory_space<hbm>>
    %dma_start3A_176 = tpu.memref_squeeze %dma_start3A_175 : memref<1x1x16x512xf32, #tpu.memory_space<hbm>> -> memref<16x512xf32, #tpu.memory_space<hbm>>
    %dma_start3A_177 = arith.constant 0 : i32
    %dma_start3A_178 = tpu.memref_slice %arg3[%div3A_163, %dma_start3A_173, %rem3A_165, %dma_start3A_177] : memref<16x3x512x512xf32, #tpu.memory_space<hbm>> -> memref<1x1x16x512xf32, #tpu.memory_space<hbm>>
    %dma_start3A_179 = tpu.memref_squeeze %dma_start3A_178 : memref<1x1x16x512xf32, #tpu.memory_space<hbm>> -> memref<16x512xf32, #tpu.memory_space<hbm>>
    tpu.enqueue_dma source(%dma_start3A_179 : memref<16x512xf32, #tpu.memory_space<hbm>>) target(%arg7 : memref<16x512xf32, #tpu.memory_space<vmem>>) target_semaphore(%arg13 : memref<!tpu.dma_semaphore, #tpu.memory_space<semaphore_mem>>)
    %scan3A_180 = arith.constant 0 : i32
    %scan3A_181 = arith.constant 64 : i32
    %scan3A_182 = arith.addi %scan3A_180, %scan3A_181 : i32
    %scan3A_183 = arith.constant 1 : i32
    %scan3A_184:8 = scf.for %scan3A_217 = %scan3A_180 to %scan3A_182 step %scan3A_183 iter_args(%scan3A_218 = %scan3A_144#0, %scan3A_219 = %scan3A_144#1, %scan3A_220 = %scan3A_144#2, %scan3A_221 = %scan3A_144#3, %scan3A_222 = %scan3A_144#4, %scan3A_223 = %scan3A_144#5, %scan3A_224 = %scan3A_144#6, %scan3A_225 = %scan3A_144#7) -> (vector<16xf32>, vector<16xf32>, vector<16xf32>, vector<16xf32>, vector<16xf32>, vector<16xf32>, vector<16xf32>, vector<16xf32>)  : i32 {
      %shift_right_logical3A = arith.constant 2 : i32
      %shift_right_logical3A_226 = arith.shrui %scan3A_217, %shift_right_logical3A : i32
      %and3A = arith.constant 3 : i32
      %and3A_227 = arith.andi %scan3A_217, %and3A : i32
      %shift_left3A = arith.constant 7 : i32
      %shift_left3A_228 = arith.shli %and3A_227, %shift_left3A : i32
      %multiple_of3A = tpu.assume_multiple %shift_left3A_228, 128 : i32
      %add3A_229 = arith.constant 0 : i32
      %add3A_230 = arith.addi %multiple_of3A, %add3A_229 : i32
      %get3A = arith.index_cast %shift_right_logical3A_226 : i32 to index
      %get3A_231 = arith.index_cast %add3A_230 : i32 to index
      %get3A_232 = tpu.vector_load %arg6[%get3A, %get3A_231] {strides = array<i32>} : memref<16x512xf32, #tpu.memory_space<vmem>>, vector<16xf32>,
      %add3A_233 = arith.constant 0 : i32
      %add3A_234 = arith.addi %multiple_of3A, %add3A_233 : i32
      %get3A_235 = arith.index_cast %shift_right_logical3A_226 : i32 to index
      %get3A_236 = arith.index_cast %add3A_234 : i32 to index
      %get3A_237 = tpu.vector_load %arg8[%get3A_235, %get3A_236] {strides = array<i32>} : memref<16x512xf32, #tpu.memory_space<vmem>>, vector<16xf32>,
      %mul3A_238 = arith.constant 1.280000e+02 : f32
      %mul3A_239 = vector.broadcast %mul3A_238 : f32 to vector<16xf32>
      %mul3A_240 = arith.mulf %get3A_232, %mul3A_239 : vector<16xf32>
      %add3A_241 = arith.constant 2.048500e+03 : f32
      %add3A_242 = vector.broadcast %add3A_241 : f32 to vector<16xf32>
      %add3A_243 = arith.addf %mul3A_240, %add3A_242 : vector<16xf32>
      %max3A = arith.constant 0.000000e+00 : f32
      %max3A_244 = vector.broadcast %max3A : f32 to vector<16xf32>
      %max3A_245 = arith.maximumf %add3A_243, %max3A_244 : vector<16xf32>
      %min3A = arith.constant 4.095000e+03 : f32
      %min3A_246 = vector.broadcast %min3A : f32 to vector<16xf32>
      %min3A_247 = arith.minimumf %max3A_245, %min3A_246 : vector<16xf32>
      %convert_element_type3A = arith.fptosi %min3A_247 : vector<16xf32> to vector<16xi32>
      %gather3A = tpu.vector_load_idx %arg9[%convert_element_type3A] : memref<4096xf32, #tpu.memory_space<vmem>>[vector<16xi32>], vector<16xf32>,
      %add3A_248 = arith.addf %scan3A_218, %gather3A : vector<16xf32>
      %mul3A_249 = arith.mulf %get3A_237, %gather3A : vector<16xf32>
      %add3A_250 = arith.addf %scan3A_219, %mul3A_249 : vector<16xf32>
      %mul3A_251 = arith.mulf %get3A_237, %get3A_232 : vector<16xf32>
      %add3A_252 = arith.addf %scan3A_220, %mul3A_251 : vector<16xf32>
      %add3A_253 = arith.addf %scan3A_221, %get3A_237 : vector<16xf32>
      %add3A_254 = arith.constant 16 : i32
      %add3A_255 = arith.addi %multiple_of3A, %add3A_254 : i32
      %get3A_256 = arith.index_cast %shift_right_logical3A_226 : i32 to index
      %get3A_257 = arith.index_cast %add3A_255 : i32 to index
      %get3A_258 = tpu.vector_load %arg6[%get3A_256, %get3A_257] {strides = array<i32>} : memref<16x512xf32, #tpu.memory_space<vmem>>, vector<16xf32>,
      %add3A_259 = arith.constant 16 : i32
      %add3A_260 = arith.addi %multiple_of3A, %add3A_259 : i32
      %get3A_261 = arith.index_cast %shift_right_logical3A_226 : i32 to index
      %get3A_262 = arith.index_cast %add3A_260 : i32 to index
      %get3A_263 = tpu.vector_load %arg8[%get3A_261, %get3A_262] {strides = array<i32>} : memref<16x512xf32, #tpu.memory_space<vmem>>, vector<16xf32>,
      %mul3A_264 = arith.constant 1.280000e+02 : f32
      %mul3A_265 = vector.broadcast %mul3A_264 : f32 to vector<16xf32>
      %mul3A_266 = arith.mulf %get3A_258, %mul3A_265 : vector<16xf32>
      %add3A_267 = arith.constant 2.048500e+03 : f32
      %add3A_268 = vector.broadcast %add3A_267 : f32 to vector<16xf32>
      %add3A_269 = arith.addf %mul3A_266, %add3A_268 : vector<16xf32>
      %max3A_270 = arith.constant 0.000000e+00 : f32
      %max3A_271 = vector.broadcast %max3A_270 : f32 to vector<16xf32>
      %max3A_272 = arith.maximumf %add3A_269, %max3A_271 : vector<16xf32>
      %min3A_273 = arith.constant 4.095000e+03 : f32
      %min3A_274 = vector.broadcast %min3A_273 : f32 to vector<16xf32>
      %min3A_275 = arith.minimumf %max3A_272, %min3A_274 : vector<16xf32>
      %convert_element_type3A_276 = arith.fptosi %min3A_275 : vector<16xf32> to vector<16xi32>
      %gather3A_277 = tpu.vector_load_idx %arg9[%convert_element_type3A_276] : memref<4096xf32, #tpu.memory_space<vmem>>[vector<16xi32>], vector<16xf32>,
      %add3A_278 = arith.addf %scan3A_222, %gather3A_277 : vector<16xf32>
      %mul3A_279 = arith.mulf %get3A_263, %gather3A_277 : vector<16xf32>
      %add3A_280 = arith.addf %scan3A_223, %mul3A_279 : vector<16xf32>
      %mul3A_281 = arith.mulf %get3A_263, %get3A_258 : vector<16xf32>
      %add3A_282 = arith.addf %scan3A_224, %mul3A_281 : vector<16xf32>
      %add3A_283 = arith.addf %scan3A_225, %get3A_263 : vector<16xf32>
      %add3A_284 = arith.constant 32 : i32
      %add3A_285 = arith.addi %multiple_of3A, %add3A_284 : i32
      %get3A_286 = arith.index_cast %shift_right_logical3A_226 : i32 to index
      %get3A_287 = arith.index_cast %add3A_285 : i32 to index
      %get3A_288 = tpu.vector_load %arg6[%get3A_286, %get3A_287] {strides = array<i32>} : memref<16x512xf32, #tpu.memory_space<vmem>>, vector<16xf32>,
      %add3A_289 = arith.constant 32 : i32
      %add3A_290 = arith.addi %multiple_of3A, %add3A_289 : i32
      %get3A_291 = arith.index_cast %shift_right_logical3A_226 : i32 to index
      %get3A_292 = arith.index_cast %add3A_290 : i32 to index
      %get3A_293 = tpu.vector_load %arg8[%get3A_291, %get3A_292] {strides = array<i32>} : memref<16x512xf32, #tpu.memory_space<vmem>>, vector<16xf32>,
      %mul3A_294 = arith.constant 1.280000e+02 : f32
      %mul3A_295 = vector.broadcast %mul3A_294 : f32 to vector<16xf32>
      %mul3A_296 = arith.mulf %get3A_288, %mul3A_295 : vector<16xf32>
      %add3A_297 = arith.constant 2.048500e+03 : f32
      %add3A_298 = vector.broadcast %add3A_297 : f32 to vector<16xf32>
      %add3A_299 = arith.addf %mul3A_296, %add3A_298 : vector<16xf32>
      %max3A_300 = arith.constant 0.000000e+00 : f32
      %max3A_301 = vector.broadcast %max3A_300 : f32 to vector<16xf32>
      %max3A_302 = arith.maximumf %add3A_299, %max3A_301 : vector<16xf32>
      %min3A_303 = arith.constant 4.095000e+03 : f32
      %min3A_304 = vector.broadcast %min3A_303 : f32 to vector<16xf32>
      %min3A_305 = arith.minimumf %max3A_302, %min3A_304 : vector<16xf32>
      %convert_element_type3A_306 = arith.fptosi %min3A_305 : vector<16xf32> to vector<16xi32>
      %gather3A_307 = tpu.vector_load_idx %arg9[%convert_element_type3A_306] : memref<4096xf32, #tpu.memory_space<vmem>>[vector<16xi32>], vector<16xf32>,
      %add3A_308 = arith.addf %add3A_248, %gather3A_307 : vector<16xf32>
      %mul3A_309 = arith.mulf %get3A_293, %gather3A_307 : vector<16xf32>
      %add3A_310 = arith.addf %add3A_250, %mul3A_309 : vector<16xf32>
      %mul3A_311 = arith.mulf %get3A_293, %get3A_288 : vector<16xf32>
      %add3A_312 = arith.addf %add3A_252, %mul3A_311 : vector<16xf32>
      %add3A_313 = arith.addf %add3A_253, %get3A_293 : vector<16xf32>
      %add3A_314 = arith.constant 48 : i32
      %add3A_315 = arith.addi %multiple_of3A, %add3A_314 : i32
      %get3A_316 = arith.index_cast %shift_right_logical3A_226 : i32 to index
      %get3A_317 = arith.index_cast %add3A_315 : i32 to index
      %get3A_318 = tpu.vector_load %arg6[%get3A_316, %get3A_317] {strides = array<i32>} : memref<16x512xf32, #tpu.memory_space<vmem>>, vector<16xf32>,
      %add3A_319 = arith.constant 48 : i32
      %add3A_320 = arith.addi %multiple_of3A, %add3A_319 : i32
      %get3A_321 = arith.index_cast %shift_right_logical3A_226 : i32 to index
      %get3A_322 = arith.index_cast %add3A_320 : i32 to index
      %get3A_323 = tpu.vector_load %arg8[%get3A_321, %get3A_322] {strides = array<i32>} : memref<16x512xf32, #tpu.memory_space<vmem>>, vector<16xf32>,
      %mul3A_324 = arith.constant 1.280000e+02 : f32
      %mul3A_325 = vector.broadcast %mul3A_324 : f32 to vector<16xf32>
      %mul3A_326 = arith.mulf %get3A_318, %mul3A_325 : vector<16xf32>
      %add3A_327 = arith.constant 2.048500e+03 : f32
      %add3A_328 = vector.broadcast %add3A_327 : f32 to vector<16xf32>
      %add3A_329 = arith.addf %mul3A_326, %add3A_328 : vector<16xf32>
      %max3A_330 = arith.constant 0.000000e+00 : f32
      %max3A_331 = vector.broadcast %max3A_330 : f32 to vector<16xf32>
      %max3A_332 = arith.maximumf %add3A_329, %max3A_331 : vector<16xf32>
      %min3A_333 = arith.constant 4.095000e+03 : f32
      %min3A_334 = vector.broadcast %min3A_333 : f32 to vector<16xf32>
      %min3A_335 = arith.minimumf %max3A_332, %min3A_334 : vector<16xf32>
      %convert_element_type3A_336 = arith.fptosi %min3A_335 : vector<16xf32> to vector<16xi32>
      %gather3A_337 = tpu.vector_load_idx %arg9[%convert_element_type3A_336] : memref<4096xf32, #tpu.memory_space<vmem>>[vector<16xi32>], vector<16xf32>,
      %add3A_338 = arith.addf %add3A_278, %gather3A_337 : vector<16xf32>
      %mul3A_339 = arith.mulf %get3A_323, %gather3A_337 : vector<16xf32>
      %add3A_340 = arith.addf %add3A_280, %mul3A_339 : vector<16xf32>
      %mul3A_341 = arith.mulf %get3A_323, %get3A_318 : vector<16xf32>
      %add3A_342 = arith.addf %add3A_282, %mul3A_341 : vector<16xf32>
      %add3A_343 = arith.addf %add3A_283, %get3A_323 : vector<16xf32>
      %add3A_344 = arith.constant 64 : i32
      %add3A_345 = arith.addi %multiple_of3A, %add3A_344 : i32
      %get3A_346 = arith.index_cast %shift_right_logical3A_226 : i32 to index
      %get3A_347 = arith.index_cast %add3A_345 : i32 to index
      %get3A_348 = tpu.vector_load %arg6[%get3A_346, %get3A_347] {strides = array<i32>} : memref<16x512xf32, #tpu.memory_space<vmem>>, vector<16xf32>,
      %add3A_349 = arith.constant 64 : i32
      %add3A_350 = arith.addi %multiple_of3A, %add3A_349 : i32
      %get3A_351 = arith.index_cast %shift_right_logical3A_226 : i32 to index
      %get3A_352 = arith.index_cast %add3A_350 : i32 to index
      %get3A_353 = tpu.vector_load %arg8[%get3A_351, %get3A_352] {strides = array<i32>} : memref<16x512xf32, #tpu.memory_space<vmem>>, vector<16xf32>,
      %mul3A_354 = arith.constant 1.280000e+02 : f32
      %mul3A_355 = vector.broadcast %mul3A_354 : f32 to vector<16xf32>
      %mul3A_356 = arith.mulf %get3A_348, %mul3A_355 : vector<16xf32>
      %add3A_357 = arith.constant 2.048500e+03 : f32
      %add3A_358 = vector.broadcast %add3A_357 : f32 to vector<16xf32>
      %add3A_359 = arith.addf %mul3A_356, %add3A_358 : vector<16xf32>
      %max3A_360 = arith.constant 0.000000e+00 : f32
      %max3A_361 = vector.broadcast %max3A_360 : f32 to vector<16xf32>
      %max3A_362 = arith.maximumf %add3A_359, %max3A_361 : vector<16xf32>
      %min3A_363 = arith.constant 4.095000e+03 : f32
      %min3A_364 = vector.broadcast %min3A_363 : f32 to vector<16xf32>
      %min3A_365 = arith.minimumf %max3A_362, %min3A_364 : vector<16xf32>
      %convert_element_type3A_366 = arith.fptosi %min3A_365 : vector<16xf32> to vector<16xi32>
      %gather3A_367 = tpu.vector_load_idx %arg9[%convert_element_type3A_366] : memref<4096xf32, #tpu.memory_space<vmem>>[vector<16xi32>], vector<16xf32>,
      %add3A_368 = arith.addf %add3A_308, %gather3A_367 : vector<16xf32>
      %mul3A_369 = arith.mulf %get3A_353, %gather3A_367 : vector<16xf32>
      %add3A_370 = arith.addf %add3A_310, %mul3A_369 : vector<16xf32>
      %mul3A_371 = arith.mulf %get3A_353, %get3A_348 : vector<16xf32>
      %add3A_372 = arith.addf %add3A_312, %mul3A_371 : vector<16xf32>
      %add3A_373 = arith.addf %add3A_313, %get3A_353 : vector<16xf32>
      %add3A_374 = arith.constant 80 : i32
      %add3A_375 = arith.addi %multiple_of3A, %add3A_374 : i32
      %get3A_376 = arith.index_cast %shift_right_logical3A_226 : i32 to index
      %get3A_377 = arith.index_cast %add3A_375 : i32 to index
      %get3A_378 = tpu.vector_load %arg6[%get3A_376, %get3A_377] {strides = array<i32>} : memref<16x512xf32, #tpu.memory_space<vmem>>, vector<16xf32>,
      %add3A_379 = arith.constant 80 : i32
      %add3A_380 = arith.addi %multiple_of3A, %add3A_379 : i32
      %get3A_381 = arith.index_cast %shift_right_logical3A_226 : i32 to index
      %get3A_382 = arith.index_cast %add3A_380 : i32 to index
      %get3A_383 = tpu.vector_load %arg8[%get3A_381, %get3A_382] {strides = array<i32>} : memref<16x512xf32, #tpu.memory_space<vmem>>, vector<16xf32>,
      %mul3A_384 = arith.constant 1.280000e+02 : f32
      %mul3A_385 = vector.broadcast %mul3A_384 : f32 to vector<16xf32>
      %mul3A_386 = arith.mulf %get3A_378, %mul3A_385 : vector<16xf32>
      %add3A_387 = arith.constant 2.048500e+03 : f32
      %add3A_388 = vector.broadcast %add3A_387 : f32 to vector<16xf32>
      %add3A_389 = arith.addf %mul3A_386, %add3A_388 : vector<16xf32>
      %max3A_390 = arith.constant 0.000000e+00 : f32
      %max3A_391 = vector.broadcast %max3A_390 : f32 to vector<16xf32>
      %max3A_392 = arith.maximumf %add3A_389, %max3A_391 : vector<16xf32>
      %min3A_393 = arith.constant 4.095000e+03 : f32
      %min3A_394 = vector.broadcast %min3A_393 : f32 to vector<16xf32>
      %min3A_395 = arith.minimumf %max3A_392, %min3A_394 : vector<16xf32>
      %convert_element_type3A_396 = arith.fptosi %min3A_395 : vector<16xf32> to vector<16xi32>
      %gather3A_397 = tpu.vector_load_idx %arg9[%convert_element_type3A_396] : memref<4096xf32, #tpu.memory_space<vmem>>[vector<16xi32>], vector<16xf32>,
      %add3A_398 = arith.addf %add3A_338, %gather3A_397 : vector<16xf32>
      %mul3A_399 = arith.mulf %get3A_383, %gather3A_397 : vector<16xf32>
      %add3A_400 = arith.addf %add3A_340, %mul3A_399 : vector<16xf32>
      %mul3A_401 = arith.mulf %get3A_383, %get3A_378 : vector<16xf32>
      %add3A_402 = arith.addf %add3A_342, %mul3A_401 : vector<16xf32>
      %add3A_403 = arith.addf %add3A_343, %get3A_383 : vector<16xf32>
      %add3A_404 = arith.constant 96 : i32
      %add3A_405 = arith.addi %multiple_of3A, %add3A_404 : i32
      %get3A_406 = arith.index_cast %shift_right_logical3A_226 : i32 to index
      %get3A_407 = arith.index_cast %add3A_405 : i32 to index
      %get3A_408 = tpu.vector_load %arg6[%get3A_406, %get3A_407] {strides = array<i32>} : memref<16x512xf32, #tpu.memory_space<vmem>>, vector<16xf32>,
      %add3A_409 = arith.constant 96 : i32
      %add3A_410 = arith.addi %multiple_of3A, %add3A_409 : i32
      %get3A_411 = arith.index_cast %shift_right_logical3A_226 : i32 to index
      %get3A_412 = arith.index_cast %add3A_410 : i32 to index
      %get3A_413 = tpu.vector_load %arg8[%get3A_411, %get3A_412] {strides = array<i32>} : memref<16x512xf32, #tpu.memory_space<vmem>>, vector<16xf32>,
      %mul3A_414 = arith.constant 1.280000e+02 : f32
      %mul3A_415 = vector.broadcast %mul3A_414 : f32 to vector<16xf32>
      %mul3A_416 = arith.mulf %get3A_408, %mul3A_415 : vector<16xf32>
      %add3A_417 = arith.constant 2.048500e+03 : f32
      %add3A_418 = vector.broadcast %add3A_417 : f32 to vector<16xf32>
      %add3A_419 = arith.addf %mul3A_416, %add3A_418 : vector<16xf32>
      %max3A_420 = arith.constant 0.000000e+00 : f32
      %max3A_421 = vector.broadcast %max3A_420 : f32 to vector<16xf32>
      %max3A_422 = arith.maximumf %add3A_419, %max3A_421 : vector<16xf32>
      %min3A_423 = arith.constant 4.095000e+03 : f32
      %min3A_424 = vector.broadcast %min3A_423 : f32 to vector<16xf32>
      %min3A_425 = arith.minimumf %max3A_422, %min3A_424 : vector<16xf32>
      %convert_element_type3A_426 = arith.fptosi %min3A_425 : vector<16xf32> to vector<16xi32>
      %gather3A_427 = tpu.vector_load_idx %arg9[%convert_element_type3A_426] : memref<4096xf32, #tpu.memory_space<vmem>>[vector<16xi32>], vector<16xf32>,
      %add3A_428 = arith.addf %add3A_368, %gather3A_427 : vector<16xf32>
      %mul3A_429 = arith.mulf %get3A_413, %gather3A_427 : vector<16xf32>
      %add3A_430 = arith.addf %add3A_370, %mul3A_429 : vector<16xf32>
      %mul3A_431 = arith.mulf %get3A_413, %get3A_408 : vector<16xf32>
      %add3A_432 = arith.addf %add3A_372, %mul3A_431 : vector<16xf32>
      %add3A_433 = arith.addf %add3A_373, %get3A_413 : vector<16xf32>
      %add3A_434 = arith.constant 112 : i32
      %add3A_435 = arith.addi %multiple_of3A, %add3A_434 : i32
      %get3A_436 = arith.index_cast %shift_right_logical3A_226 : i32 to index
      %get3A_437 = arith.index_cast %add3A_435 : i32 to index
      %get3A_438 = tpu.vector_load %arg6[%get3A_436, %get3A_437] {strides = array<i32>} : memref<16x512xf32, #tpu.memory_space<vmem>>, vector<16xf32>,
      %add3A_439 = arith.constant 112 : i32
      %add3A_440 = arith.addi %multiple_of3A, %add3A_439 : i32
      %get3A_441 = arith.index_cast %shift_right_logical3A_226 : i32 to index
      %get3A_442 = arith.index_cast %add3A_440 : i32 to index
      %get3A_443 = tpu.vector_load %arg8[%get3A_441, %get3A_442] {strides = array<i32>} : memref<16x512xf32, #tpu.memory_space<vmem>>, vector<16xf32>,
      %mul3A_444 = arith.constant 1.280000e+02 : f32
      %mul3A_445 = vector.broadcast %mul3A_444 : f32 to vector<16xf32>
      %mul3A_446 = arith.mulf %get3A_438, %mul3A_445 : vector<16xf32>
      %add3A_447 = arith.constant 2.048500e+03 : f32
      %add3A_448 = vector.broadcast %add3A_447 : f32 to vector<16xf32>
      %add3A_449 = arith.addf %mul3A_446, %add3A_448 : vector<16xf32>
      %max3A_450 = arith.constant 0.000000e+00 : f32
      %max3A_451 = vector.broadcast %max3A_450 : f32 to vector<16xf32>
      %max3A_452 = arith.maximumf %add3A_449, %max3A_451 : vector<16xf32>
      %min3A_453 = arith.constant 4.095000e+03 : f32
      %min3A_454 = vector.broadcast %min3A_453 : f32 to vector<16xf32>
      %min3A_455 = arith.minimumf %max3A_452, %min3A_454 : vector<16xf32>
      %convert_element_type3A_456 = arith.fptosi %min3A_455 : vector<16xf32> to vector<16xi32>
      %gather3A_457 = tpu.vector_load_idx %arg9[%convert_element_type3A_456] : memref<4096xf32, #tpu.memory_space<vmem>>[vector<16xi32>], vector<16xf32>,
      %add3A_458 = arith.addf %add3A_398, %gather3A_457 : vector<16xf32>
      %mul3A_459 = arith.mulf %get3A_443, %gather3A_457 : vector<16xf32>
      %add3A_460 = arith.addf %add3A_400, %mul3A_459 : vector<16xf32>
      %mul3A_461 = arith.mulf %get3A_443, %get3A_438 : vector<16xf32>
      %add3A_462 = arith.addf %add3A_402, %mul3A_461 : vector<16xf32>
      %add3A_463 = arith.addf %add3A_403, %get3A_443 : vector<16xf32>
      scf.yield %add3A_428, %add3A_430, %add3A_432, %add3A_433, %add3A_458, %add3A_460, %add3A_462, %add3A_463 : vector<16xf32>, vector<16xf32>, vector<16xf32>, vector<16xf32>, vector<16xf32>, vector<16xf32>, vector<16xf32>, vector<16xf32>
    }
    %scan3A_185 = arith.constant 64 : i32
    %dma_wait3A_186 = arith.constant 0 : i32
    %dma_wait3A_187 = arith.constant 0 : i32
    %dma_wait3A_188 = tpu.memref_slice %arg2[%div3A_163, %dma_wait3A_186, %rem3A_165, %dma_wait3A_187] : memref<16x3x512x512xf32, #tpu.memory_space<hbm>> -> memref<1x1x16x512xf32, #tpu.memory_space<hbm>>
    %dma_wait3A_189 = tpu.memref_squeeze %dma_wait3A_188 : memref<1x1x16x512xf32, #tpu.memory_space<hbm>> -> memref<16x512xf32, #tpu.memory_space<hbm>>
    %dma_wait3A_190 = arith.constant 0 : i32
    %dma_wait3A_191 = tpu.memref_slice %arg2[%div3A_163, %dma_wait3A_186, %rem3A_165, %dma_wait3A_190] : memref<16x3x512x512xf32, #tpu.memory_space<hbm>> -> memref<1x1x16x512xf32, #tpu.memory_space<hbm>>
    %dma_wait3A_192 = tpu.memref_squeeze %dma_wait3A_191 : memref<1x1x16x512xf32, #tpu.memory_space<hbm>> -> memref<16x512xf32, #tpu.memory_space<hbm>>
    tpu.wait_dma2 semaphore(%arg11 : memref<!tpu.dma_semaphore, #tpu.memory_space<semaphore_mem>>) src(%dma_wait3A_192 : memref<16x512xf32, #tpu.memory_space<hbm>>) dst(%arg5 : memref<16x512xf32, #tpu.memory_space<vmem>>)
    %dma_wait3A_193 = arith.constant 0 : i32
    %dma_wait3A_194 = arith.constant 0 : i32
    %dma_wait3A_195 = tpu.memref_slice %arg3[%div3A_163, %dma_wait3A_193, %rem3A_165, %dma_wait3A_194] : memref<16x3x512x512xf32, #tpu.memory_space<hbm>> -> memref<1x1x16x512xf32, #tpu.memory_space<hbm>>
    %dma_wait3A_196 = tpu.memref_squeeze %dma_wait3A_195 : memref<1x1x16x512xf32, #tpu.memory_space<hbm>> -> memref<16x512xf32, #tpu.memory_space<hbm>>
    %dma_wait3A_197 = arith.constant 0 : i32
    %dma_wait3A_198 = tpu.memref_slice %arg3[%div3A_163, %dma_wait3A_193, %rem3A_165, %dma_wait3A_197] : memref<16x3x512x512xf32, #tpu.memory_space<hbm>> -> memref<1x1x16x512xf32, #tpu.memory_space<hbm>>
    %dma_wait3A_199 = tpu.memref_squeeze %dma_wait3A_198 : memref<1x1x16x512xf32, #tpu.memory_space<hbm>> -> memref<16x512xf32, #tpu.memory_space<hbm>>
    tpu.wait_dma2 semaphore(%arg13 : memref<!tpu.dma_semaphore, #tpu.memory_space<semaphore_mem>>) src(%dma_wait3A_199 : memref<16x512xf32, #tpu.memory_space<hbm>>) dst(%arg7 : memref<16x512xf32, #tpu.memory_space<vmem>>)
    %scan3A_200 = arith.constant 0 : i32
    %scan3A_201 = arith.constant 64 : i32
    %scan3A_202 = arith.addi %scan3A_200, %scan3A_201 : i32
    %scan3A_203 = arith.constant 1 : i32
    %scan3A_204:8 = scf.for %scan3A_217 = %scan3A_200 to %scan3A_202 step %scan3A_203 iter_args(%scan3A_218 = %scan3A_184#0, %scan3A_219 = %scan3A_184#1, %scan3A_220 = %scan3A_184#2, %scan3A_221 = %scan3A_184#3, %scan3A_222 = %scan3A_184#4, %scan3A_223 = %scan3A_184#5, %scan3A_224 = %scan3A_184#6, %scan3A_225 = %scan3A_184#7) -> (vector<16xf32>, vector<16xf32>, vector<16xf32>, vector<16xf32>, vector<16xf32>, vector<16xf32>, vector<16xf32>, vector<16xf32>)  : i32 {
      %shift_right_logical3A = arith.constant 2 : i32
      %shift_right_logical3A_226 = arith.shrui %scan3A_217, %shift_right_logical3A : i32
      %and3A = arith.constant 3 : i32
      %and3A_227 = arith.andi %scan3A_217, %and3A : i32
      %shift_left3A = arith.constant 7 : i32
      %shift_left3A_228 = arith.shli %and3A_227, %shift_left3A : i32
      %multiple_of3A = tpu.assume_multiple %shift_left3A_228, 128 : i32
      %add3A_229 = arith.constant 0 : i32
      %add3A_230 = arith.addi %multiple_of3A, %add3A_229 : i32
      %get3A = arith.index_cast %shift_right_logical3A_226 : i32 to index
      %get3A_231 = arith.index_cast %add3A_230 : i32 to index
      %get3A_232 = tpu.vector_load %arg5[%get3A, %get3A_231] {strides = array<i32>} : memref<16x512xf32, #tpu.memory_space<vmem>>, vector<16xf32>,
      %add3A_233 = arith.constant 0 : i32
      %add3A_234 = arith.addi %multiple_of3A, %add3A_233 : i32
      %get3A_235 = arith.index_cast %shift_right_logical3A_226 : i32 to index
      %get3A_236 = arith.index_cast %add3A_234 : i32 to index
      %get3A_237 = tpu.vector_load %arg7[%get3A_235, %get3A_236] {strides = array<i32>} : memref<16x512xf32, #tpu.memory_space<vmem>>, vector<16xf32>,
      %mul3A_238 = arith.constant 1.280000e+02 : f32
      %mul3A_239 = vector.broadcast %mul3A_238 : f32 to vector<16xf32>
      %mul3A_240 = arith.mulf %get3A_232, %mul3A_239 : vector<16xf32>
      %add3A_241 = arith.constant 2.048500e+03 : f32
      %add3A_242 = vector.broadcast %add3A_241 : f32 to vector<16xf32>
      %add3A_243 = arith.addf %mul3A_240, %add3A_242 : vector<16xf32>
      %max3A = arith.constant 0.000000e+00 : f32
      %max3A_244 = vector.broadcast %max3A : f32 to vector<16xf32>
      %max3A_245 = arith.maximumf %add3A_243, %max3A_244 : vector<16xf32>
      %min3A = arith.constant 4.095000e+03 : f32
      %min3A_246 = vector.broadcast %min3A : f32 to vector<16xf32>
      %min3A_247 = arith.minimumf %max3A_245, %min3A_246 : vector<16xf32>
      %convert_element_type3A = arith.fptosi %min3A_247 : vector<16xf32> to vector<16xi32>
      %gather3A = tpu.vector_load_idx %arg9[%convert_element_type3A] : memref<4096xf32, #tpu.memory_space<vmem>>[vector<16xi32>], vector<16xf32>,
      %add3A_248 = arith.addf %scan3A_218, %gather3A : vector<16xf32>
      %mul3A_249 = arith.mulf %get3A_237, %gather3A : vector<16xf32>
      %add3A_250 = arith.addf %scan3A_219, %mul3A_249 : vector<16xf32>
      %mul3A_251 = arith.mulf %get3A_237, %get3A_232 : vector<16xf32>
      %add3A_252 = arith.addf %scan3A_220, %mul3A_251 : vector<16xf32>
      %add3A_253 = arith.addf %scan3A_221, %get3A_237 : vector<16xf32>
      %add3A_254 = arith.constant 16 : i32
      %add3A_255 = arith.addi %multiple_of3A, %add3A_254 : i32
      %get3A_256 = arith.index_cast %shift_right_logical3A_226 : i32 to index
      %get3A_257 = arith.index_cast %add3A_255 : i32 to index
      %get3A_258 = tpu.vector_load %arg5[%get3A_256, %get3A_257] {strides = array<i32>} : memref<16x512xf32, #tpu.memory_space<vmem>>, vector<16xf32>,
      %add3A_259 = arith.constant 16 : i32
      %add3A_260 = arith.addi %multiple_of3A, %add3A_259 : i32
      %get3A_261 = arith.index_cast %shift_right_logical3A_226 : i32 to index
      %get3A_262 = arith.index_cast %add3A_260 : i32 to index
      %get3A_263 = tpu.vector_load %arg7[%get3A_261, %get3A_262] {strides = array<i32>} : memref<16x512xf32, #tpu.memory_space<vmem>>, vector<16xf32>,
      %mul3A_264 = arith.constant 1.280000e+02 : f32
      %mul3A_265 = vector.broadcast %mul3A_264 : f32 to vector<16xf32>
      %mul3A_266 = arith.mulf %get3A_258, %mul3A_265 : vector<16xf32>
      %add3A_267 = arith.constant 2.048500e+03 : f32
      %add3A_268 = vector.broadcast %add3A_267 : f32 to vector<16xf32>
      %add3A_269 = arith.addf %mul3A_266, %add3A_268 : vector<16xf32>
      %max3A_270 = arith.constant 0.000000e+00 : f32
      %max3A_271 = vector.broadcast %max3A_270 : f32 to vector<16xf32>
      %max3A_272 = arith.maximumf %add3A_269, %max3A_271 : vector<16xf32>
      %min3A_273 = arith.constant 4.095000e+03 : f32
      %min3A_274 = vector.broadcast %min3A_273 : f32 to vector<16xf32>
      %min3A_275 = arith.minimumf %max3A_272, %min3A_274 : vector<16xf32>
      %convert_element_type3A_276 = arith.fptosi %min3A_275 : vector<16xf32> to vector<16xi32>
      %gather3A_277 = tpu.vector_load_idx %arg9[%convert_element_type3A_276] : memref<4096xf32, #tpu.memory_space<vmem>>[vector<16xi32>], vector<16xf32>,
      %add3A_278 = arith.addf %scan3A_222, %gather3A_277 : vector<16xf32>
      %mul3A_279 = arith.mulf %get3A_263, %gather3A_277 : vector<16xf32>
      %add3A_280 = arith.addf %scan3A_223, %mul3A_279 : vector<16xf32>
      %mul3A_281 = arith.mulf %get3A_263, %get3A_258 : vector<16xf32>
      %add3A_282 = arith.addf %scan3A_224, %mul3A_281 : vector<16xf32>
      %add3A_283 = arith.addf %scan3A_225, %get3A_263 : vector<16xf32>
      %add3A_284 = arith.constant 32 : i32
      %add3A_285 = arith.addi %multiple_of3A, %add3A_284 : i32
      %get3A_286 = arith.index_cast %shift_right_logical3A_226 : i32 to index
      %get3A_287 = arith.index_cast %add3A_285 : i32 to index
      %get3A_288 = tpu.vector_load %arg5[%get3A_286, %get3A_287] {strides = array<i32>} : memref<16x512xf32, #tpu.memory_space<vmem>>, vector<16xf32>,
      %add3A_289 = arith.constant 32 : i32
      %add3A_290 = arith.addi %multiple_of3A, %add3A_289 : i32
      %get3A_291 = arith.index_cast %shift_right_logical3A_226 : i32 to index
      %get3A_292 = arith.index_cast %add3A_290 : i32 to index
      %get3A_293 = tpu.vector_load %arg7[%get3A_291, %get3A_292] {strides = array<i32>} : memref<16x512xf32, #tpu.memory_space<vmem>>, vector<16xf32>,
      %mul3A_294 = arith.constant 1.280000e+02 : f32
      %mul3A_295 = vector.broadcast %mul3A_294 : f32 to vector<16xf32>
      %mul3A_296 = arith.mulf %get3A_288, %mul3A_295 : vector<16xf32>
      %add3A_297 = arith.constant 2.048500e+03 : f32
      %add3A_298 = vector.broadcast %add3A_297 : f32 to vector<16xf32>
      %add3A_299 = arith.addf %mul3A_296, %add3A_298 : vector<16xf32>
      %max3A_300 = arith.constant 0.000000e+00 : f32
      %max3A_301 = vector.broadcast %max3A_300 : f32 to vector<16xf32>
      %max3A_302 = arith.maximumf %add3A_299, %max3A_301 : vector<16xf32>
      %min3A_303 = arith.constant 4.095000e+03 : f32
      %min3A_304 = vector.broadcast %min3A_303 : f32 to vector<16xf32>
      %min3A_305 = arith.minimumf %max3A_302, %min3A_304 : vector<16xf32>
      %convert_element_type3A_306 = arith.fptosi %min3A_305 : vector<16xf32> to vector<16xi32>
      %gather3A_307 = tpu.vector_load_idx %arg9[%convert_element_type3A_306] : memref<4096xf32, #tpu.memory_space<vmem>>[vector<16xi32>], vector<16xf32>,
      %add3A_308 = arith.addf %add3A_248, %gather3A_307 : vector<16xf32>
      %mul3A_309 = arith.mulf %get3A_293, %gather3A_307 : vector<16xf32>
      %add3A_310 = arith.addf %add3A_250, %mul3A_309 : vector<16xf32>
      %mul3A_311 = arith.mulf %get3A_293, %get3A_288 : vector<16xf32>
      %add3A_312 = arith.addf %add3A_252, %mul3A_311 : vector<16xf32>
      %add3A_313 = arith.addf %add3A_253, %get3A_293 : vector<16xf32>
      %add3A_314 = arith.constant 48 : i32
      %add3A_315 = arith.addi %multiple_of3A, %add3A_314 : i32
      %get3A_316 = arith.index_cast %shift_right_logical3A_226 : i32 to index
      %get3A_317 = arith.index_cast %add3A_315 : i32 to index
      %get3A_318 = tpu.vector_load %arg5[%get3A_316, %get3A_317] {strides = array<i32>} : memref<16x512xf32, #tpu.memory_space<vmem>>, vector<16xf32>,
      %add3A_319 = arith.constant 48 : i32
      %add3A_320 = arith.addi %multiple_of3A, %add3A_319 : i32
      %get3A_321 = arith.index_cast %shift_right_logical3A_226 : i32 to index
      %get3A_322 = arith.index_cast %add3A_320 : i32 to index
      %get3A_323 = tpu.vector_load %arg7[%get3A_321, %get3A_322] {strides = array<i32>} : memref<16x512xf32, #tpu.memory_space<vmem>>, vector<16xf32>,
      %mul3A_324 = arith.constant 1.280000e+02 : f32
      %mul3A_325 = vector.broadcast %mul3A_324 : f32 to vector<16xf32>
      %mul3A_326 = arith.mulf %get3A_318, %mul3A_325 : vector<16xf32>
      %add3A_327 = arith.constant 2.048500e+03 : f32
      %add3A_328 = vector.broadcast %add3A_327 : f32 to vector<16xf32>
      %add3A_329 = arith.addf %mul3A_326, %add3A_328 : vector<16xf32>
      %max3A_330 = arith.constant 0.000000e+00 : f32
      %max3A_331 = vector.broadcast %max3A_330 : f32 to vector<16xf32>
      %max3A_332 = arith.maximumf %add3A_329, %max3A_331 : vector<16xf32>
      %min3A_333 = arith.constant 4.095000e+03 : f32
      %min3A_334 = vector.broadcast %min3A_333 : f32 to vector<16xf32>
      %min3A_335 = arith.minimumf %max3A_332, %min3A_334 : vector<16xf32>
      %convert_element_type3A_336 = arith.fptosi %min3A_335 : vector<16xf32> to vector<16xi32>
      %gather3A_337 = tpu.vector_load_idx %arg9[%convert_element_type3A_336] : memref<4096xf32, #tpu.memory_space<vmem>>[vector<16xi32>], vector<16xf32>,
      %add3A_338 = arith.addf %add3A_278, %gather3A_337 : vector<16xf32>
      %mul3A_339 = arith.mulf %get3A_323, %gather3A_337 : vector<16xf32>
      %add3A_340 = arith.addf %add3A_280, %mul3A_339 : vector<16xf32>
      %mul3A_341 = arith.mulf %get3A_323, %get3A_318 : vector<16xf32>
      %add3A_342 = arith.addf %add3A_282, %mul3A_341 : vector<16xf32>
      %add3A_343 = arith.addf %add3A_283, %get3A_323 : vector<16xf32>
      %add3A_344 = arith.constant 64 : i32
      %add3A_345 = arith.addi %multiple_of3A, %add3A_344 : i32
      %get3A_346 = arith.index_cast %shift_right_logical3A_226 : i32 to index
      %get3A_347 = arith.index_cast %add3A_345 : i32 to index
      %get3A_348 = tpu.vector_load %arg5[%get3A_346, %get3A_347] {strides = array<i32>} : memref<16x512xf32, #tpu.memory_space<vmem>>, vector<16xf32>,
      %add3A_349 = arith.constant 64 : i32
      %add3A_350 = arith.addi %multiple_of3A, %add3A_349 : i32
      %get3A_351 = arith.index_cast %shift_right_logical3A_226 : i32 to index
      %get3A_352 = arith.index_cast %add3A_350 : i32 to index
      %get3A_353 = tpu.vector_load %arg7[%get3A_351, %get3A_352] {strides = array<i32>} : memref<16x512xf32, #tpu.memory_space<vmem>>, vector<16xf32>,
      %mul3A_354 = arith.constant 1.280000e+02 : f32
      %mul3A_355 = vector.broadcast %mul3A_354 : f32 to vector<16xf32>
      %mul3A_356 = arith.mulf %get3A_348, %mul3A_355 : vector<16xf32>
      %add3A_357 = arith.constant 2.048500e+03 : f32
      %add3A_358 = vector.broadcast %add3A_357 : f32 to vector<16xf32>
      %add3A_359 = arith.addf %mul3A_356, %add3A_358 : vector<16xf32>
      %max3A_360 = arith.constant 0.000000e+00 : f32
      %max3A_361 = vector.broadcast %max3A_360 : f32 to vector<16xf32>
      %max3A_362 = arith.maximumf %add3A_359, %max3A_361 : vector<16xf32>
      %min3A_363 = arith.constant 4.095000e+03 : f32
      %min3A_364 = vector.broadcast %min3A_363 : f32 to vector<16xf32>
      %min3A_365 = arith.minimumf %max3A_362, %min3A_364 : vector<16xf32>
      %convert_element_type3A_366 = arith.fptosi %min3A_365 : vector<16xf32> to vector<16xi32>
      %gather3A_367 = tpu.vector_load_idx %arg9[%convert_element_type3A_366] : memref<4096xf32, #tpu.memory_space<vmem>>[vector<16xi32>], vector<16xf32>,
      %add3A_368 = arith.addf %add3A_308, %gather3A_367 : vector<16xf32>
      %mul3A_369 = arith.mulf %get3A_353, %gather3A_367 : vector<16xf32>
      %add3A_370 = arith.addf %add3A_310, %mul3A_369 : vector<16xf32>
      %mul3A_371 = arith.mulf %get3A_353, %get3A_348 : vector<16xf32>
      %add3A_372 = arith.addf %add3A_312, %mul3A_371 : vector<16xf32>
      %add3A_373 = arith.addf %add3A_313, %get3A_353 : vector<16xf32>
      %add3A_374 = arith.constant 80 : i32
      %add3A_375 = arith.addi %multiple_of3A, %add3A_374 : i32
      %get3A_376 = arith.index_cast %shift_right_logical3A_226 : i32 to index
      %get3A_377 = arith.index_cast %add3A_375 : i32 to index
      %get3A_378 = tpu.vector_load %arg5[%get3A_376, %get3A_377] {strides = array<i32>} : memref<16x512xf32, #tpu.memory_space<vmem>>, vector<16xf32>,
      %add3A_379 = arith.constant 80 : i32
      %add3A_380 = arith.addi %multiple_of3A, %add3A_379 : i32
      %get3A_381 = arith.index_cast %shift_right_logical3A_226 : i32 to index
      %get3A_382 = arith.index_cast %add3A_380 : i32 to index
      %get3A_383 = tpu.vector_load %arg7[%get3A_381, %get3A_382] {strides = array<i32>} : memref<16x512xf32, #tpu.memory_space<vmem>>, vector<16xf32>,
      %mul3A_384 = arith.constant 1.280000e+02 : f32
      %mul3A_385 = vector.broadcast %mul3A_384 : f32 to vector<16xf32>
      %mul3A_386 = arith.mulf %get3A_378, %mul3A_385 : vector<16xf32>
      %add3A_387 = arith.constant 2.048500e+03 : f32
      %add3A_388 = vector.broadcast %add3A_387 : f32 to vector<16xf32>
      %add3A_389 = arith.addf %mul3A_386, %add3A_388 : vector<16xf32>
      %max3A_390 = arith.constant 0.000000e+00 : f32
      %max3A_391 = vector.broadcast %max3A_390 : f32 to vector<16xf32>
      %max3A_392 = arith.maximumf %add3A_389, %max3A_391 : vector<16xf32>
      %min3A_393 = arith.constant 4.095000e+03 : f32
      %min3A_394 = vector.broadcast %min3A_393 : f32 to vector<16xf32>
      %min3A_395 = arith.minimumf %max3A_392, %min3A_394 : vector<16xf32>
      %convert_element_type3A_396 = arith.fptosi %min3A_395 : vector<16xf32> to vector<16xi32>
      %gather3A_397 = tpu.vector_load_idx %arg9[%convert_element_type3A_396] : memref<4096xf32, #tpu.memory_space<vmem>>[vector<16xi32>], vector<16xf32>,
      %add3A_398 = arith.addf %add3A_338, %gather3A_397 : vector<16xf32>
      %mul3A_399 = arith.mulf %get3A_383, %gather3A_397 : vector<16xf32>
      %add3A_400 = arith.addf %add3A_340, %mul3A_399 : vector<16xf32>
      %mul3A_401 = arith.mulf %get3A_383, %get3A_378 : vector<16xf32>
      %add3A_402 = arith.addf %add3A_342, %mul3A_401 : vector<16xf32>
      %add3A_403 = arith.addf %add3A_343, %get3A_383 : vector<16xf32>
      %add3A_404 = arith.constant 96 : i32
      %add3A_405 = arith.addi %multiple_of3A, %add3A_404 : i32
      %get3A_406 = arith.index_cast %shift_right_logical3A_226 : i32 to index
      %get3A_407 = arith.index_cast %add3A_405 : i32 to index
      %get3A_408 = tpu.vector_load %arg5[%get3A_406, %get3A_407] {strides = array<i32>} : memref<16x512xf32, #tpu.memory_space<vmem>>, vector<16xf32>,
      %add3A_409 = arith.constant 96 : i32
      %add3A_410 = arith.addi %multiple_of3A, %add3A_409 : i32
      %get3A_411 = arith.index_cast %shift_right_logical3A_226 : i32 to index
      %get3A_412 = arith.index_cast %add3A_410 : i32 to index
      %get3A_413 = tpu.vector_load %arg7[%get3A_411, %get3A_412] {strides = array<i32>} : memref<16x512xf32, #tpu.memory_space<vmem>>, vector<16xf32>,
      %mul3A_414 = arith.constant 1.280000e+02 : f32
      %mul3A_415 = vector.broadcast %mul3A_414 : f32 to vector<16xf32>
      %mul3A_416 = arith.mulf %get3A_408, %mul3A_415 : vector<16xf32>
      %add3A_417 = arith.constant 2.048500e+03 : f32
      %add3A_418 = vector.broadcast %add3A_417 : f32 to vector<16xf32>
      %add3A_419 = arith.addf %mul3A_416, %add3A_418 : vector<16xf32>
      %max3A_420 = arith.constant 0.000000e+00 : f32
      %max3A_421 = vector.broadcast %max3A_420 : f32 to vector<16xf32>
      %max3A_422 = arith.maximumf %add3A_419, %max3A_421 : vector<16xf32>
      %min3A_423 = arith.constant 4.095000e+03 : f32
      %min3A_424 = vector.broadcast %min3A_423 : f32 to vector<16xf32>
      %min3A_425 = arith.minimumf %max3A_422, %min3A_424 : vector<16xf32>
      %convert_element_type3A_426 = arith.fptosi %min3A_425 : vector<16xf32> to vector<16xi32>
      %gather3A_427 = tpu.vector_load_idx %arg9[%convert_element_type3A_426] : memref<4096xf32, #tpu.memory_space<vmem>>[vector<16xi32>], vector<16xf32>,
      %add3A_428 = arith.addf %add3A_368, %gather3A_427 : vector<16xf32>
      %mul3A_429 = arith.mulf %get3A_413, %gather3A_427 : vector<16xf32>
      %add3A_430 = arith.addf %add3A_370, %mul3A_429 : vector<16xf32>
      %mul3A_431 = arith.mulf %get3A_413, %get3A_408 : vector<16xf32>
      %add3A_432 = arith.addf %add3A_372, %mul3A_431 : vector<16xf32>
      %add3A_433 = arith.addf %add3A_373, %get3A_413 : vector<16xf32>
      %add3A_434 = arith.constant 112 : i32
      %add3A_435 = arith.addi %multiple_of3A, %add3A_434 : i32
      %get3A_436 = arith.index_cast %shift_right_logical3A_226 : i32 to index
      %get3A_437 = arith.index_cast %add3A_435 : i32 to index
      %get3A_438 = tpu.vector_load %arg5[%get3A_436, %get3A_437] {strides = array<i32>} : memref<16x512xf32, #tpu.memory_space<vmem>>, vector<16xf32>,
      %add3A_439 = arith.constant 112 : i32
      %add3A_440 = arith.addi %multiple_of3A, %add3A_439 : i32
      %get3A_441 = arith.index_cast %shift_right_logical3A_226 : i32 to index
      %get3A_442 = arith.index_cast %add3A_440 : i32 to index
      %get3A_443 = tpu.vector_load %arg7[%get3A_441, %get3A_442] {strides = array<i32>} : memref<16x512xf32, #tpu.memory_space<vmem>>, vector<16xf32>,
      %mul3A_444 = arith.constant 1.280000e+02 : f32
      %mul3A_445 = vector.broadcast %mul3A_444 : f32 to vector<16xf32>
      %mul3A_446 = arith.mulf %get3A_438, %mul3A_445 : vector<16xf32>
      %add3A_447 = arith.constant 2.048500e+03 : f32
      %add3A_448 = vector.broadcast %add3A_447 : f32 to vector<16xf32>
      %add3A_449 = arith.addf %mul3A_446, %add3A_448 : vector<16xf32>
      %max3A_450 = arith.constant 0.000000e+00 : f32
      %max3A_451 = vector.broadcast %max3A_450 : f32 to vector<16xf32>
      %max3A_452 = arith.maximumf %add3A_449, %max3A_451 : vector<16xf32>
      %min3A_453 = arith.constant 4.095000e+03 : f32
      %min3A_454 = vector.broadcast %min3A_453 : f32 to vector<16xf32>
      %min3A_455 = arith.minimumf %max3A_452, %min3A_454 : vector<16xf32>
      %convert_element_type3A_456 = arith.fptosi %min3A_455 : vector<16xf32> to vector<16xi32>
      %gather3A_457 = tpu.vector_load_idx %arg9[%convert_element_type3A_456] : memref<4096xf32, #tpu.memory_space<vmem>>[vector<16xi32>], vector<16xf32>,
      %add3A_458 = arith.addf %add3A_398, %gather3A_457 : vector<16xf32>
      %mul3A_459 = arith.mulf %get3A_443, %gather3A_457 : vector<16xf32>
      %add3A_460 = arith.addf %add3A_400, %mul3A_459 : vector<16xf32>
      %mul3A_461 = arith.mulf %get3A_443, %get3A_438 : vector<16xf32>
      %add3A_462 = arith.addf %add3A_402, %mul3A_461 : vector<16xf32>
      %add3A_463 = arith.addf %add3A_403, %get3A_443 : vector<16xf32>
      scf.yield %add3A_428, %add3A_430, %add3A_432, %add3A_433, %add3A_458, %add3A_460, %add3A_462, %add3A_463 : vector<16xf32>, vector<16xf32>, vector<16xf32>, vector<16xf32>, vector<16xf32>, vector<16xf32>, vector<16xf32>, vector<16xf32>
    }
    %scan3A_205 = arith.constant 64 : i32
    %add3A_206 = arith.addf %scan3A_204#0, %scan3A_204#4 : vector<16xf32>
    %swap3A = arith.constant 0 : index
    %swap3A_207 = tpu.vector_load %arg10[%swap3A] {strides = array<i32>} : memref<64xf32, #tpu.memory_space<vmem>>, vector<16xf32>,
    tpu.vector_store %arg10[%swap3A], %add3A_206 {strides = array<i32>} : memref<64xf32, #tpu.memory_space<vmem>>, vector<16xf32>,
    %add3A_208 = arith.addf %scan3A_204#1, %scan3A_204#5 : vector<16xf32>
    %swap3A_209 = arith.constant 16 : index
    %swap3A_210 = tpu.vector_load %arg10[%swap3A_209] {strides = array<i32>} : memref<64xf32, #tpu.memory_space<vmem>>, vector<16xf32>,
    tpu.vector_store %arg10[%swap3A_209], %add3A_208 {strides = array<i32>} : memref<64xf32, #tpu.memory_space<vmem>>, vector<16xf32>,
    %add3A_211 = arith.addf %scan3A_204#2, %scan3A_204#6 : vector<16xf32>
    %swap3A_212 = arith.constant 32 : index
    %swap3A_213 = tpu.vector_load %arg10[%swap3A_212] {strides = array<i32>} : memref<64xf32, #tpu.memory_space<vmem>>, vector<16xf32>,
    tpu.vector_store %arg10[%swap3A_212], %add3A_211 {strides = array<i32>} : memref<64xf32, #tpu.memory_space<vmem>>, vector<16xf32>,
    %add3A_214 = arith.addf %scan3A_204#3, %scan3A_204#7 : vector<16xf32>
    %swap3A_215 = arith.constant 48 : index
    %swap3A_216 = tpu.vector_load %arg10[%swap3A_215] {strides = array<i32>} : memref<64xf32, #tpu.memory_space<vmem>>, vector<16xf32>,
    tpu.vector_store %arg10[%swap3A_215], %add3A_214 {strides = array<i32>} : memref<64xf32, #tpu.memory_space<vmem>>, vector<16xf32>,
    "tpu.region"() ({
      %run_scoped3A = tpu.sem_alloc : memref<!tpu.dma_semaphore, #tpu.memory_space<semaphore_mem>>
      %dma_start3A_217 = arith.constant 0 : i32
      %dma_start3A_218 = tpu.memref_slice %arg4[%add3A, %dma_start3A_217] : memref<32x64xf32, #tpu.memory_space<hbm>> -> memref<1x64xf32, #tpu.memory_space<hbm>>
      %dma_start3A_219 = tpu.memref_squeeze %dma_start3A_218 : memref<1x64xf32, #tpu.memory_space<hbm>> -> memref<64xf32, #tpu.memory_space<hbm>>
      %dma_start3A_220 = arith.constant 0 : i32
      %dma_start3A_221 = tpu.memref_slice %arg4[%add3A, %dma_start3A_220] : memref<32x64xf32, #tpu.memory_space<hbm>> -> memref<1x64xf32, #tpu.memory_space<hbm>>
      %dma_start3A_222 = tpu.memref_squeeze %dma_start3A_221 : memref<1x64xf32, #tpu.memory_space<hbm>> -> memref<64xf32, #tpu.memory_space<hbm>>
      tpu.enqueue_dma source(%arg10 : memref<64xf32, #tpu.memory_space<vmem>>) target(%dma_start3A_222 : memref<64xf32, #tpu.memory_space<hbm>>) target_semaphore(%run_scoped3A : memref<!tpu.dma_semaphore, #tpu.memory_space<semaphore_mem>>)
      %dma_wait3A_223 = arith.constant 0 : i32
      %dma_wait3A_224 = tpu.memref_slice %arg4[%add3A, %dma_wait3A_223] : memref<32x64xf32, #tpu.memory_space<hbm>> -> memref<1x64xf32, #tpu.memory_space<hbm>>
      %dma_wait3A_225 = tpu.memref_squeeze %dma_wait3A_224 : memref<1x64xf32, #tpu.memory_space<hbm>> -> memref<64xf32, #tpu.memory_space<hbm>>
      %dma_wait3A_226 = arith.constant 0 : i32
      %dma_wait3A_227 = tpu.memref_slice %arg4[%add3A, %dma_wait3A_226] : memref<32x64xf32, #tpu.memory_space<hbm>> -> memref<1x64xf32, #tpu.memory_space<hbm>>
      %dma_wait3A_228 = tpu.memref_squeeze %dma_wait3A_227 : memref<1x64xf32, #tpu.memory_space<hbm>> -> memref<64xf32, #tpu.memory_space<hbm>>
      tpu.wait_dma2 semaphore(%run_scoped3A : memref<!tpu.dma_semaphore, #tpu.memory_space<semaphore_mem>>) src(%arg10 : memref<64xf32, #tpu.memory_space<vmem>>) dst(%dma_wait3A_228 : memref<64xf32, #tpu.memory_space<hbm>>)
      tpu.yield
    }) : () -> ()
    return
  }
}

module attributes {stable_mosaic.version = 14 : i64} {
  func.func @_tc_body(%arg0: i32, %arg1: memref<1x1x512x512xf32, #tpu.memory_space<vmem>>, %arg2: memref<1x1x512x512xf32, #tpu.memory_space<vmem>>, %arg3: memref<1x1x4xf32, #tpu.memory_space<smem>>) attributes {dimension_semantics = [#tpu.dimension_semantics<arbitrary>], iteration_bounds = array<i64: 11>, scalar_prefetch = 0 : i64, scratch_operands = 0 : i64, tpu.core_type = #tpu.core_type<tc>, window_params = [{transform_indices = @transform_0, window_bounds = array<i64: 1, 1, 512, 512>}, {transform_indices = @transform_1, window_bounds = array<i64: 1, 1, 512, 512>}, {transform_indices = @transform_2, window_bounds = array<i64: 1, 1, 4>}]} {
    %get3A = arith.constant 0 : index
    %get3A_0 = arith.constant 0 : index
    %get3A_1 = arith.constant 0 : index
    %get3A_2 = arith.constant 0 : index
    %get3A_3 = vector.load %arg1[%get3A, %get3A_0, %get3A_1, %get3A_2] : memref<1x1x512x512xf32, #tpu.memory_space<vmem>>, vector<1x1x512x512xf32>
    %get3A_4 = vector.shape_cast %get3A_3 : vector<1x1x512x512xf32> to vector<512x512xf32>
    %get3A_5 = arith.constant 0 : index
    %get3A_6 = arith.constant 0 : index
    %get3A_7 = arith.constant 0 : index
    %get3A_8 = arith.constant 0 : index
    %get3A_9 = vector.load %arg2[%get3A_5, %get3A_6, %get3A_7, %get3A_8] : memref<1x1x512x512xf32, #tpu.memory_space<vmem>>, vector<1x1x512x512xf32>
    %get3A_10 = vector.shape_cast %get3A_9 : vector<1x1x512x512xf32> to vector<512x512xf32>
    %max3A = arith.constant 0.000000e+00 : f32
    %max3A_11 = vector.broadcast %max3A : f32 to vector<512x512xf32>
    %max3A_12 = arith.maximumf %get3A_4, %max3A_11 : vector<512x512xf32>
    %abs3A = math.absf %get3A_4 : vector<512x512xf32>
    %neg3A = arith.constant 0.000000e+00 : f32
    %neg3A_13 = vector.broadcast %neg3A : f32 to vector<512x512xf32>
    %neg3A_14 = arith.subf %neg3A_13, %abs3A : vector<512x512xf32>
    %exp3A = math.exp %neg3A_14 : vector<512x512xf32>
    %mul3A = arith.constant 0.105843775 : f32
    %mul3A_15 = vector.broadcast %mul3A : f32 to vector<512x512xf32>
    %mul3A_16 = arith.mulf %mul3A_15, %exp3A : vector<512x512xf32>
    %add3A = arith.constant -0.394195616 : f32
    %add3A_17 = vector.broadcast %add3A : f32 to vector<512x512xf32>
    %add3A_18 = arith.addf %mul3A_16, %add3A_17 : vector<512x512xf32>
    %mul3A_19 = arith.mulf %add3A_18, %exp3A : vector<512x512xf32>
    %add3A_20 = arith.constant 9.812560e-01 : f32
    %add3A_21 = vector.broadcast %add3A_20 : f32 to vector<512x512xf32>
    %add3A_22 = arith.addf %mul3A_19, %add3A_21 : vector<512x512xf32>
    %mul3A_23 = arith.mulf %add3A_22, %exp3A : vector<512x512xf32>
    %add3A_24 = arith.constant 5.72167221E-4 : f32
    %add3A_25 = vector.broadcast %add3A_24 : f32 to vector<512x512xf32>
    %add3A_26 = arith.addf %mul3A_23, %add3A_25 : vector<512x512xf32>
    %add3A_27 = arith.addf %max3A_12, %add3A_26 : vector<512x512xf32>
    %reduce_sum3A = vector.shape_cast %add3A_27 : vector<512x512xf32> to vector<1x512x512xf32>
    %reduce_sum3A_28 = arith.constant dense<0.000000e+00> : vector<1xf32>
    %reduce_sum3A_29 = vector.multi_reduction <add>, %reduce_sum3A, %reduce_sum3A_28 [1, 2] : vector<1x512x512xf32> to vector<1xf32>
    %reduce_sum3A_30 = vector.shape_cast %reduce_sum3A_29 : vector<1xf32> to vector<1x1x1xf32>
    %reduce_sum3A_31 = vector.extract %reduce_sum3A_30[0, 0, 0] : f32 from vector<1x1x1xf32>
    %swap3A = arith.constant 0 : index
    %swap3A_32 = arith.constant 0 : index
    %swap3A_33 = arith.constant 0 : index
    %swap3A_34 = memref.load %arg3[%swap3A, %swap3A_32, %swap3A_33] : memref<1x1x4xf32, #tpu.memory_space<smem>>
    memref.store %reduce_sum3A_31, %arg3[%swap3A, %swap3A_32, %swap3A_33] : memref<1x1x4xf32, #tpu.memory_space<smem>>
    %mul3A_35 = arith.mulf %get3A_10, %add3A_27 : vector<512x512xf32>
    %reduce_sum3A_36 = vector.shape_cast %mul3A_35 : vector<512x512xf32> to vector<1x512x512xf32>
    %reduce_sum3A_37 = arith.constant dense<0.000000e+00> : vector<1xf32>
    %reduce_sum3A_38 = vector.multi_reduction <add>, %reduce_sum3A_36, %reduce_sum3A_37 [1, 2] : vector<1x512x512xf32> to vector<1xf32>
    %reduce_sum3A_39 = vector.shape_cast %reduce_sum3A_38 : vector<1xf32> to vector<1x1x1xf32>
    %reduce_sum3A_40 = vector.extract %reduce_sum3A_39[0, 0, 0] : f32 from vector<1x1x1xf32>
    %swap3A_41 = arith.constant 0 : index
    %swap3A_42 = arith.constant 0 : index
    %swap3A_43 = arith.constant 1 : index
    %swap3A_44 = memref.load %arg3[%swap3A_41, %swap3A_42, %swap3A_43] : memref<1x1x4xf32, #tpu.memory_space<smem>>
    memref.store %reduce_sum3A_40, %arg3[%swap3A_41, %swap3A_42, %swap3A_43] : memref<1x1x4xf32, #tpu.memory_space<smem>>
    %mul3A_45 = arith.mulf %get3A_10, %get3A_4 : vector<512x512xf32>
    %reduce_sum3A_46 = vector.shape_cast %mul3A_45 : vector<512x512xf32> to vector<1x512x512xf32>
    %reduce_sum3A_47 = arith.constant dense<0.000000e+00> : vector<1xf32>
    %reduce_sum3A_48 = vector.multi_reduction <add>, %reduce_sum3A_46, %reduce_sum3A_47 [1, 2] : vector<1x512x512xf32> to vector<1xf32>
    %reduce_sum3A_49 = vector.shape_cast %reduce_sum3A_48 : vector<1xf32> to vector<1x1x1xf32>
    %reduce_sum3A_50 = vector.extract %reduce_sum3A_49[0, 0, 0] : f32 from vector<1x1x1xf32>
    %swap3A_51 = arith.constant 0 : index
    %swap3A_52 = arith.constant 0 : index
    %swap3A_53 = arith.constant 2 : index
    %swap3A_54 = memref.load %arg3[%swap3A_51, %swap3A_52, %swap3A_53] : memref<1x1x4xf32, #tpu.memory_space<smem>>
    memref.store %reduce_sum3A_50, %arg3[%swap3A_51, %swap3A_52, %swap3A_53] : memref<1x1x4xf32, #tpu.memory_space<smem>>
    %reduce_sum3A_55 = vector.shape_cast %get3A_10 : vector<512x512xf32> to vector<1x512x512xf32>
    %reduce_sum3A_56 = arith.constant dense<0.000000e+00> : vector<1xf32>
    %reduce_sum3A_57 = vector.multi_reduction <add>, %reduce_sum3A_55, %reduce_sum3A_56 [1, 2] : vector<1x512x512xf32> to vector<1xf32>
    %reduce_sum3A_58 = vector.shape_cast %reduce_sum3A_57 : vector<1xf32> to vector<1x1x1xf32>
    %reduce_sum3A_59 = vector.extract %reduce_sum3A_58[0, 0, 0] : f32 from vector<1x1x1xf32>
    %swap3A_60 = arith.constant 0 : index
    %swap3A_61 = arith.constant 0 : index
    %swap3A_62 = arith.constant 3 : index
    %swap3A_63 = memref.load %arg3[%swap3A_60, %swap3A_61, %swap3A_62] : memref<1x1x4xf32, #tpu.memory_space<smem>>
    memref.store %reduce_sum3A_59, %arg3[%swap3A_60, %swap3A_61, %swap3A_62] : memref<1x1x4xf32, #tpu.memory_space<smem>>
    return
  }
  func.func @transform_0(%arg0: i32) -> (i32, i32, i32, i32) {
    %add3A = arith.constant 5 : i32
    %add3A_0 = arith.addi %arg0, %add3A : i32
    %c0_i32 = arith.constant 0 : i32
    %c0_i32_1 = arith.constant 0 : i32
    %c0_i32_2 = arith.constant 0 : i32
    %c0_i32_3 = arith.constant 0 : i32
    return %add3A_0, %c0_i32, %c0_i32_1, %c0_i32_2 : i32, i32, i32, i32
  }
  func.func @transform_1(%arg0: i32) -> (i32, i32, i32, i32) {
    %add3A = arith.constant 5 : i32
    %add3A_0 = arith.addi %arg0, %add3A : i32
    %c0_i32 = arith.constant 0 : i32
    %c0_i32_1 = arith.constant 0 : i32
    %c0_i32_2 = arith.constant 0 : i32
    %c0_i32_3 = arith.constant 0 : i32
    return %add3A_0, %c0_i32, %c0_i32_1, %c0_i32_2 : i32, i32, i32, i32
  }
  func.func @transform_2(%arg0: i32) -> (i32, i32, i32) {
    %c0_i32 = arith.constant 0 : i32
    %c0_i32_0 = arith.constant 0 : i32
    %c0_i32_1 = arith.constant 0 : i32
    return %arg0, %c0_i32, %c0_i32_0 : i32, i32, i32
  }
}

</mosaic_0001>

<sc_bundles>
// kernel: kernel.4.cloned.1.call-start
scs
__scs_entry_jumppad:
0x0: {  	(pc) =	sbr.rel $0x88, $3  }
0x1: {  	(tag) =	ssettag $0x0;
	lr =	simm.s32 $0x1  }
0x2: {  	[smem:$0x3F9F] =	sst lr;
	_ =	strace $0xD0000000  }
0x3: {  	_ = 	snop  }
0x4: {  	_ = 	snop  }
0x5: {  	_ = 	snop  }
0x6: {  	_ = 	snop  }
0x7: {  	_ = 	snop  }
__scs_overlays_trampoline_lowered:
0x8: {  	[smem:$0x3FAE] =	sst s0  }
0x9: {  	[smem:$0x3FAF] =	sst s1  }
0xa: {  	[smem:$0x3FB0] =	sst s2  }
0xb: {  	[smem:$0x3FB1] =	sst s3  }
0xc: {  	[smem:$0x3FB2] =	sst s4  }
0xd: {  	[smem:$0x3FB3] =	sst s5  }
0xe: {  	[smem:$0x3FB4] =	sst s6  }
0xf: {  	[smem:$0x3FB5] =	sst s7  }
0x10: {  	[smem:$0x3FB6] =	sst s8  }
0x11: {  	[smem:$0x3FB7] =	sst s9;
	s0 =	simm.s32 @!p0 $0x0  }
0x12: {  	s1 =	sld [smem:$0x3F9D];
	s0 =	simm.s32 @p0 $0x1  }
0x13: {  	[smem:$0x3FB8] =	sst s0;
	s0 =	simm.s32 @!p1 $0x0  }
0x14: {  	s2 =	sld [smem:$0x3F9C];
	s0 =	simm.s32 @p1 $0x1  }
0x15: {  	[smem:$0x3FB9] =	sst s0;
	s0 =	simm.s32 @!p2 $0x0  }
0x16: {  	s3 =	sld [smem:$0x3FDB];
	s0 =	simm.s32 @p2 $0x1  }
0x17: {  	s4 =	simm.s32 $0x1BF5;
	[smem:$0x3FBB] =	sst s0  }
0x18: {  	s0 =	sld [smem:$0x3F9E];
	_ =	swait.ge [sflag:s4], $0x0  }
0x19: {  	s7 =	sld [smem:$0x3F9F]  }
0x1a: {  	s8 =	sadd.s32 $0xFFFFE003, lr  }
0x1b: {  	s9 =	sadd.s32 $0xFFFFFEF7, lr;
	s5 =	simm.s32 $0xFFFFFFFF;
	p2 =	slt.u32 s8, $0xFFFFF086  }
0x1c: {  	p1 =	slt.u32 s9, $0xF7A;
	s5 =	simm.s32 @!p2 $0x0  }
0x1d: {  	s5 =	simm.s32 @p1 $0x1;
	p0 =	seq.s32 s7, s2  }
0x1e: {  	s7 =	smul.u32 @!p0 $0xF7A, s2;
	p2 =	seq.s32 @!p0 s5, $0x0  }
0x1f: {  	s9 =	smul.u32 $0xF7A, s1;
	s8 =	simm.s32 @!p0 $0x1BF5;
	p2 =	por !p2, p0  }
0x20: {  	[sflag:s8] =	ssyncset.s32 @!p0 $0xFFFFF086;
	s6 =	sadd.s32 @!p0 s3, s7;
	s7 =	simm.s32 @!p0 $0x108  }
0x21: {  	s3 =	sadd.s32 s3, s9;
	s6 =	sadd.s32 @!p0 $0x88, s6;
	s7 =	simm.s32 @p2 $0x1082  }
0x22: {  	[simem:s7], [sflag:s8] =	dma.local @!p0 [hbm:s6], $0xF7A  }
0x23: {  	s9 =	sor.u32 $0xD0000000, s2;
	s6 =	simm.s32 $0x108;
	_ =	swait.ge @!p0 [sflag:s8], $0x0  }
0x24: {  	s3 =	sadd.s32 $0x88, s3;
	s6 =	simm.s32 @!p1 $0x1082;
	[sflag:s4] =	ssyncset.s32 $0xFFFFF086  }
0x25: {  	[simem:s6], [sflag:s4] =	dma.local [hbm:s3], $0xF7A  }
0x26: {  	[smem:$0x3F9F] =	sst s1;
	(tag) =	ssettag s2;
	_ =	strace s9  }
0x27: {  	s1 =	sld [smem:$0x3FAF]  }
0x28: {  	s2 =	sld [smem:$0x3FB0]  }
0x29: {  	s4 =	sld [smem:$0x3FB2]  }
0x2a: {  	p0 =	seq.s32 s5, $0x0;
	s5 =	sld [smem:$0x3FB3]  }
0x2b: {  	s6 =	sld [smem:$0x3FB4]  }
0x2c: {  	s7 =	sld [smem:$0x3FB5]  }
0x2d: {  	s3 =	simm.s32 $0x108;
	s8 =	sld [smem:$0x3FB6]  }
0x2e: {  	s3 =	simm.s32 @!p0 $0x1082;
	s9 =	sld [smem:$0x3FB7]  }
0x2f: {  	lr =	sadd.s32 s0, s3;
	s0 =	sld [smem:$0x3FAE]  }
0x30: {  	s3 =	sld [smem:$0x3FB1]  }
0x31: {  	[smem:$0x3FBA] =	sst s10  }
0x32: {  	s10 =	sld [smem:$0x3FB8];
	_ =	sdelay $0x3  }
0x33: {  	p0 =	seq.s32 s10, $0x1;
	s10 =	sld [smem:$0x3FBA];
	_ =	sdelay $0x3  }
0x34: {  	[smem:$0x3FBA] =	sst s10  }
0x35: {  	s10 =	sld [smem:$0x3FB9];
	_ =	sdelay $0x3  }
0x36: {  	p1 =	seq.s32 s10, $0x1;
	s10 =	sld [smem:$0x3FBA];
	_ =	sdelay $0x3  }
0x37: {  	[smem:$0x3FBA] =	sst s10  }
0x38: {  	s10 =	sld [smem:$0x3FBB]  }
0x39: {  	_ = 	snop;
	(pc) =	sbr.ind lr, $3  }
0x3a: {  	_ = 	snop  }
0x3b: {  	_ = 	snop  }
0x3c: {  	p2 =	seq.s32 s10, $0x1;
	s10 =	sld [smem:$0x3FBA]  }
0x3d: {  	_ =	shalt  }
0x3e: {  	_ =	shalt  }
0x3f: {  	_ =	shalt  }
0x40: {  	_ =	shalt  }
0x41: {  	_ =	shalt  }
0x42: {  	_ =	shalt  }
0x43: {  	_ =	shalt  }
0x44: {  	_ =	shalt  }
0x45: {  	_ =	shalt  }
0x46: {  	_ =	shalt  }
0x47: {  	_ =	shalt  }
0x48: {  	_ =	shalt  }
0x49: {  	_ =	shalt  }
0x4a: {  	_ =	shalt  }
0x4b: {  	_ =	shalt  }
0x4c: {  	_ =	shalt  }
0x4d: {  	_ =	shalt  }
0x4e: {  	_ =	shalt  }
0x4f: {  	_ =	shalt  }
0x50: {  	_ =	shalt  }
0x51: {  	_ =	shalt  }
0x52: {  	_ =	shalt  }
0x53: {  	_ =	shalt  }
0x54: {  	_ =	shalt  }
0x55: {  	_ =	shalt  }
0x56: {  	_ =	shalt  }
0x57: {  	_ =	shalt  }
0x58: {  	_ =	shalt  }
0x59: {  	_ =	shalt  }
0x5a: {  	_ =	shalt  }
0x5b: {  	_ =	shalt  }
0x5c: {  	_ =	shalt  }
0x5d: {  	_ =	shalt  }
0x5e: {  	_ =	shalt  }
0x5f: {  	_ =	shalt  }
0x60: {  	_ =	shalt  }
0x61: {  	_ =	shalt  }
0x62: {  	_ =	shalt  }
0x63: {  	_ =	shalt  }
0x64: {  	_ =	shalt  }
0x65: {  	_ =	shalt  }
0x66: {  	_ =	shalt  }
0x67: {  	_ =	shalt  }
0x68: {  	_ =	shalt  }
0x69: {  	_ =	shalt  }
0x6a: {  	_ =	shalt  }
0x6b: {  	_ =	shalt  }
0x6c: {  	_ =	shalt  }
0x6d: {  	_ =	shalt  }
0x6e: {  	_ =	shalt  }
0x6f: {  	_ =	shalt  }
0x70: {  	_ =	shalt  }
0x71: {  	_ =	shalt  }
0x72: {  	_ =	shalt  }
0x73: {  	_ =	shalt  }
0x74: {  	_ =	shalt  }
0x75: {  	_ =	shalt  }
0x76: {  	_ =	shalt  }
0x77: {  	_ =	shalt  }
0x78: {  	_ =	shalt  }
0x79: {  	_ =	shalt  }
0x7a: {  	_ =	shalt  }
0x7b: {  	_ =	shalt  }
0x7c: {  	_ =	shalt  }
0x7d: {  	_ =	shalt  }
0x7e: {  	_ =	shalt  }
0x7f: {  	_ =	shalt  }
0x80: {  	_ =	shalt  }
0x81: {  	_ =	shalt  }
0x82: {  	_ =	shalt  }
0x83: {  	_ =	shalt  }
0x84: {  	_ =	shalt  }
0x85: {  	_ =	shalt  }
0x86: {  	_ =	shalt  }
0x87: {  	_ =	shalt  }
.Lfunc_end0:
.L_simem_size_0:
called_computation_lowered:
.L_overlay_start_0:
0x88: {  	s2 =	sld [smem:$0x3FD9]  }
0x89: {  	s3 =	sld [smem:$0x3FFE];
	_ =	sdelay $0x1  }
0x8a: {  	s1 =	srdreg.scid  }
0x8b: {  	s0 =	sand.u32 $0x1, s1  }
0x8c: {  	s17 =	sshll.u32 s0, $0xA;
	s2 =	sadd.s32 s3, s2  }
0x8d: {  	s2 =	sadd.s32 s2, s17  }
0x8e: {  	[smem:$0x3FC6] =	sst s2  }
0x8f: {  	_ = 	snop  }
0x90: {  	s2 =	sld [smem:$0x3FC9]  }
0x91: {  	s18 =	sld [smem:$0x3FC8];
	(tm) =	ssettm $0x1  }
0x92: {  	s4 =	sld [smem:$0x3FFB];
	_ =	sdelay $0x3  }
0x93: {  	_ =	strace s4  }
0x94: {  	s4 =	sld [smem:$0x3FFC];
	_ =	sdelay $0x3  }
0x95: {  	_ =	strace s4  }
0x96: {  	s4 =	sld [smem:$0x3FFD];
	_ =	sdelay $0x3  }
0x97: {  	_ =	strace s4  }
0x98: {  	_ =	strace $0x8FFFFFFF  }
0x99: {  	s19 =	sld [smem:$0x3FDB];
	_ =	sdelay $0x1  }
0x9a: {  	s5 =	simm.s32 $_scs_section_size  }
0x9b: {  	s6 =	simm.s32 $_size__tile_overlayer_lowered;
	s7 =	simm.s32 $_tile_overlayer_lowered  }
0x9c: {  	s22 =	simm.s32 $0x1BFF;
	s21 =	sshll.u32 s7, $0x1;
	s4 =	sadd.s32 s5, s19  }
0x9d: {  	s8 =	simm.s32 $0x0;
	s20 =	sshll.u32 s6, $0x1;
	s6 =	sadd.s32 s21, s4  }
0x9e: {  	[timem:s8], [sflag:s22] =	dma.local [hbm:s6], s20  }
0x9f: {  	_ =	swait.ge [sflag:s22], s20  }
0xa0: {  	s5 =	ssub.s32 $0x0, s20;
	[sflag:s22] =	ssyncset.done $0x0  }
0xa1: {  	[sflag:s22] =	ssyncadd.s32 s5;
	_ =	sdelay $0x1  }
0xa2: {  	s23 =	simm.s32 $0x1B8B  }
0xa3: {  	_ =	swait.ge [sflag:s23], $0x1  }
0xa4: {  	[sflag:s23] =	ssyncset.done $0x0  }
0xa5: {  	s25 =	simm.s32 $0x1B8E;
	s24 =	sld [smem:$0x3FFE];
	[sflag:s23] =	ssyncadd.s32 $0xFFFFFFFF  }
0xa6: {  	s26 =	simm.s32 $execute0_lowered;
	[smem:$0x3FD2] =	sst s25  }
0xa7: {  	s6 =	sshll.u32 s26, $0x1;
	_ =	strace $0x80000046;
	[dreg:$0x1] =	wrdreg $0xFFFFFFFF  }
0xa8: {  	s28 =	simm.s32 $_size_execute0_lowered;
	s4 =	sadd.s32 s4, s6;
	[dreg:$0x0] =	wrdreg $0x0  }
0xa9: {  	s6 =	sshll.u32 s28, $0x1;
	[dreg:$0x2] =	wrdreg s4  }
0xaa: {  	[dreg:$0x3] =	wrdreg s6  }
0xab: {  	[dreg:$0x4] =	wrdreg $0xC0  }
0xac: {  	_ =	task [dreg:s8], $0x5FFFF  }
0xad: {  	[dreg:$0x1] =	wrdreg $0xFFFFFFFF  }
0xae: {  	[dreg:$0x0] =	wrdreg $0x60  }
0xaf: {  	[dreg:$0x2] =	wrdreg s2  }
0xb0: {  	[dreg:$0x3] =	wrdreg s18  }
0xb1: {  	[dreg:$0x4] =	wrdreg s24  }
0xb2: {  	[dreg:$0x5] =	wrdreg $0x9  }
0xb3: {  	_ =	task.clear_ibuf [dreg:s8], $0x6FFFF;
	_ =	strace $0x90000046  }
0xb4: {  	s29 =	simm.s32 $0x9;
	_ =	strace $0x80000048  }
0xb5: {  	_ =	swait.ge [sflag:s29], $0x1  }
0xb6: {  	[sflag:s29] =	ssyncadd.s32 $0xFFFFFFFF  }
0xb7: {  	_ =	strace $0x90000048  }
0xb8: {  	_ =	sfence  }
0xb9: {  	s30 =	sld [smem:$0x0];
	_ =	sdelay $0x2  }
0xba: {  	s31 =	sshll.u32 s1, $0xD;
	s1 =	sshrl.u32 s1, $0x2  }
0xbb: {  	s3 =	sand.u32 $0x4000, s31;
	s1 =	sadd.s32 s1, s30  }
0xbc: {  	s0 =	sor.u32 s3, s0;
	s1 =	sshll.u32 s1, $0x11  }
0xbd: {  	s0 =	sor.u32 s1, s0  }
0xbe: {  	s0 =	sadd.s32 $0x8F2B, s0  }
0xbf: {  	[sflag:s0] =	ssyncadd.remote.s32 $0x1  }
0xc0: {  	_ =	sfence.sel $0xFFFF  }
0xc1: {  	[dreg:$0x0] =	wrdreg $0xFFFFFFFF;
	(pc) =	sbr.abs _section_cstart, $3  }
0xc2: {  	[dreg:$0x1] =	wrdreg $0xFFFFFFFF  }
0xc3: {  	_ =	task.clear_ibuf [dreg:s8], $0x2FFFF;
	_ =	strace $0x9FFFFFFF  }
0xc4: {  	(tm) =	ssettm $0x7FFFFFFF  }
0xc5: {  	_ =	shalt  }
tec
execute0_lowered:
.L_overlay_start_1:
0x0: {  	(tag) =	ssettag $0x1  }
0x1: {  	s11 =	rddreg [dreg:$0x0]  }
0x2: {  	s1 =	srdreg.scid;
	s12 =	rddreg [dreg:$0x1]  }
0x3: {  	s0 =	stileid.u32;
	s14 =	rddreg [dreg:$0x2]  }
0x4: {  	s2 =	simm.s32 $0x0;
	s3 =	sand.u32 $0x1, s1;
	s17 =	sshll.u32 s0, $0x1  }
0x5: {  	[smem:$0x7FF] =	sst s2;
	s13 =	sor.u32 s3, s17  }
0x6: {  	_ =	strace $0x80000047;
	s3 =	ssub.s32 $0x2, s3;
	s7 =	smul.u32 $0x50, s13  }
0x7: {  	s5 =	smul.u32 $0xA000, s13;
	s6 =	sshrl.u32 s3, $0x1;
	s13 =	sshll.u32 s13, $0x4  }
0x8: {  	s15 =	ssub.s32 s3, s6;
	s13 =	sadd.s32 s14, s13;
	s4 =	sshrl.u32 s7, $0x9  }
0x9: {  	s5 =	sand.u32 $0x3E000, s5;
	s8 =	sadd.s32 $0x10, s7;
	s9 =	sadd.s32 $0x20, s7  }
0xa: {  	s16 =	sadd.s32 $0x30, s7;
	s7 =	sadd.s32 $0x40, s7;
	s14 =	smax.u32 s15, $0x1  }
0xb: {  	s15 =	simm.s32 $0x4000;
	s4 =	smul.u32 $0xC0000, s4;
	s19 =	sshrl.u32 s8, $0x9  }
0xc: {  	s21 =	sshll.u32 s8, $0x9;
	s23 =	sshrl.u32 s9, $0x9;
	s24 =	sshll.u32 s9, $0x9  }
0xd: {  	s26 =	sshrl.u32 s16, $0x9;
	s28 =	sshll.u32 s16, $0x9;
	s20 =	smul.u32 $0xC0000, s19  }
0xe: {  	s29 =	sshrl.u32 s7, $0x9;
	s31 =	sshll.u32 s7, $0x9;
	s10 =	smul.u32 $0xC0000, s23  }
0xf: {  	s8 =	sand.u32 $0x3E000, s21;
	s9 =	sand.u32 $0x3E000, s24;
	s30 =	smul.u32 $0xC0000, s29  }
0x10: {  	s16 =	sand.u32 $0x3E000, s31;
	s19 =	simm.s32 $0x6000;
	s21 =	simm.s32 $0x2  }
0x11: {  	s23 =	simm.s32 $0x9000;
	s24 =	simm.s32 $0x5;
	s18 =	sor.u32 s5, s4  }
0x12: {  	s5 =	sshrl.u32 s18, $0x3;
	s22 =	sor.u32 s8, s20;
	s25 =	sor.u32 s9, s10  }
0x13: {  	s9 =	smul.u32 $0xC0000, s26;
	s10 =	sand.u32 $0x3E000, s28;
	s16 =	sor.u32 s16, s30  }
0x14: {  	s18 =	simm.s32 $0x2000;
	s20 =	simm.s32 $0x8000;
	s3 =	sadd.s32 s11, s5  }
0x15: {  	s4 =	sadd.s32 s12, s5;
	s8 =	sshrl.u32 s22, $0x3;
	s16 =	sshrl.u32 s16, $0x3  }
0x16: {  	s22 =	simm.s32 $0x4;
	s5 =	sadd.s32 s11, s8;
	s6 =	sadd.s32 s12, s8  }
0x17: {  	s8 =	sshrl.u32 s25, $0x3;
	s9 =	sor.u32 s10, s9;
	s25 =	simm.s32 $0x0  }
0x18: {  	s7 =	sadd.s32 s11, s8;
	s17 =	sshrl.u32 s9, $0x3;
	s8 =	sadd.s32 s12, s8  }
0x19: {  	s9 =	sadd.s32 s11, s17;
	s10 =	sadd.s32 s12, s17;
	s11 =	sadd.s32 s11, s16  }
0x1a: {  	v0 =	vlaneseq.u32;
	s12 =	sadd.s32 s12, s16;
	s16 =	simm.s32 $0x1;
	s17 =	simm.s32 $0x3  }
.LBB2_1:
0x1b: {  	v1 =	vor.u32 s2, v0  }
0x1c: {  	v1 =	vcvt.s32.f32 v1;
	_ =	sdelay $0x1  }
0x1d: {  	v1 =	vadd.f32 $-2.048000000e+03, v1;
	_ =	sdelay $0x1  }
0x1e: {  	v5 =	vmul.f32 $7.812500000e-03, v1  }
0x1f: {  	s26 =	simm.s32 $0x10  }
0x20: {  	v1 =	vor.u32 s26, v0;
	v2 =	vand.u32 $0x7FFFFFFF, v5  }
0x21: {  	v1 =	vcvt.s32.f32 v1;
	v2 =	vsub.f32 $0.0e+00, v2;
	_ =	sdelay $0x1  }
0x22: {  	v1 =	vadd.f32 $-2.048000000e+03, v1;
	v2 =	vmul.f32 $1.442695020e+00, v2;
	_ =	sdelay $0x1  }
0x23: {  	v8 =	vmul.f32 $7.812500000e-03, v1;
	(erf) = vpow2.f32 v2;
	_ =	sdelay $0x1  }
0x24: {  	s31 =	simm.s32 $0x20;
	v2 =	vand.u32 $0x7FFFFFFF, v8  }
0x25: {  	v1 =	vor.u32 s31, v0;
	v2 =	vsub.f32 $0.0e+00, v2  }
0x26: {  	v1 =	vcvt.s32.f32 v1  }
0x27: {  	v2 =	vmul.f32 $1.442695020e+00, v2  }
0x28: {  	v1 =	vadd.f32 $-2.048000000e+03, v1  }
0x29: {  	(erf) = vpow2.f32 v2  }
0x2a: {  	s0 =	simm.s32 $0x30;
	v1 =	vmul.f32 $7.812500000e-03, v1  }
0x2b: {  	v2 =	vor.u32 s0, v0;
	v4 =	vpop (erf)  }
0x2c: {  	v3 =	vand.u32 $0x7FFFFFFF, v1;
	v2 =	vcvt.s32.f32 v2;
	v6 =	vmul.f32 $2.980876530e-02, v4  }
0x2d: {  	v3 =	vsub.f32 $0.0e+00, v3  }
0x2e: {  	v2 =	vadd.f32 $-2.048000000e+03, v2;
	v6 =	vadd.f32 $-1.299571990e-01, v6  }
0x2f: {  	v3 =	vmul.f32 $1.442695020e+00, v3  }
0x30: {  	s1 =	simm.s32 $0x40;
	v2 =	vmul.f32 $7.812500000e-03, v2;
	v6 =	vmul.f32 v6, v4  }
0x31: {  	(erf) = vpow2.f32 v3;
	v3 =	vor.u32 s1, v0  }
0x32: {  	v3 =	vcvt.s32.f32 v3;
	v7 =	vand.u32 $0x7FFFFFFF, v2;
	v9 =	vpop (erf);
	v6 =	vadd.f32 $2.838231920e-01, v6  }
0x33: {  	v7 =	vsub.f32 $0.0e+00, v7;
	v10 =	vmul.f32 $2.980876530e-02, v9  }
0x34: {  	v3 =	vadd.f32 $-2.048000000e+03, v3;
	v6 =	vmul.f32 v6, v4  }
0x35: {  	v7 =	vmul.f32 $1.442695020e+00, v7;
	v10 =	vadd.f32 $-1.299571990e-01, v10  }
0x36: {  	v3 =	vmul.f32 $7.812500000e-03, v3;
	v6 =	vadd.f32 $-4.896990950e-01, v6  }
0x37: {  	(erf) = vpow2.f32 v7;
	v7 =	vmul.f32 v10, v9  }
0x38: {  	s29 =	simm.s32 $0x50  }
0x39: {  	v11 =	vor.u32 s29, v0;
	v12 =	vand.u32 $0x7FFFFFFF, v3;
	v7 =	vadd.f32 $2.838231920e-01, v7  }
0x3a: {  	v12 =	vsub.f32 $0.0e+00, v12;
	v10 =	vcvt.s32.f32 v11;
	v11 =	vmul.f32 v6, v4;
	v6 =	vpop (erf)  }
0x3b: {  	v7 =	vmul.f32 v7, v9;
	v13 =	vmul.f32 $2.980876530e-02, v6  }
0x3c: {  	v12 =	vmul.f32 $1.442695020e+00, v12;
	v10 =	vadd.f32 $-2.048000000e+03, v10;
	v11 =	vadd.f32 $9.991664290e-01, v11  }
0x3d: {  	v7 =	vadd.f32 $-4.896990950e-01, v7;
	v13 =	vadd.f32 $-1.299571990e-01, v13  }
0x3e: {  	s30 =	simm.s32 $0x60;
	(erf) = vpow2.f32 v12;
	v11 =	vmul.f32 v11, v4  }
0x3f: {  	v4 =	vmul.f32 $7.812500000e-03, v10;
	v10 =	vor.u32 s30, v0;
	v12 =	vmul.f32 v13, v6  }
0x40: {  	v5 =	vmax.f32 v5, $0.0e+00;
	v10 =	vcvt.s32.f32 v10;
	v13 =	vmul.f32 v7, v9  }
0x41: {  	v11 =	vadd.f32 $1.144709770e-05, v11;
	v14 =	vand.u32 $0x7FFFFFFF, v4;
	v7 =	vpop (erf);
	v12 =	vadd.f32 $2.838231920e-01, v12  }
0x42: {  	v14 =	vsub.f32 $0.0e+00, v14;
	v15 =	vmul.f32 $2.980876530e-02, v7;
	v13 =	vadd.f32 $9.991664290e-01, v13  }
0x43: {  	v11 =	vadd.f32 v11, v5;
	v5 =	vadd.f32 $-2.048000000e+03, v10;
	v10 =	vmul.f32 v12, v6  }
0x44: {  	s31 =	simm.s32 $0x70;
	v12 =	vmul.f32 $1.442695020e+00, v14;
	v14 =	vadd.f32 $-1.299571990e-01, v15;
	v9 =	vmul.f32 v13, v9  }
0x45: {  	v5 =	vmul.f32 $7.812500000e-03, v5;
	v13 =	vor.u32 s31, v0;
	v10 =	vadd.f32 $-4.896990950e-01, v10  }
0x46: {  	(erf) = vpow2.f32 v12;
	v14 =	vmul.f32 v14, v7;
	v9 =	vadd.f32 $1.144709770e-05, v9  }
0x47: {  	v15 =	vmax.f32 v8, $0.0e+00;
	v12 =	vcvt.s32.f32 v13;
	v10 =	vmul.f32 v10, v6  }
0x48: {  	s28 =	simm.s32 $0x80;
	s26 =	simm.s32 $0x8000;
	[tilespmem:s20+$0x0] =	vst v11;
	v8 =	vpop (erf);
	v13 =	vand.u32 $0x7FFFFFFF, v5;
	v11 =	vadd.f32 $2.838231920e-01, v14;
	v9 =	vadd.f32 v9, v15  }
.LBB2_2:
0x49: {  	p0 =	sne.s32 s28, $0xFF0;
	v13 =	vsub.f32 $0.0e+00, v13;
	v14 =	vmul.f32 $2.980876530e-02, v8;
	v10 =	vadd.f32 $9.991664290e-01, v10;
	s26 =	sadd.s32 $0x10, s26;
	v15 =	vmovc v3;
	v3 =	vmovc v4  }
0x4a: {  	v12 =	vadd.f32 $-2.048000000e+03, v12;
	v4 =	vmov v5;
	v11 =	vmul.f32 v11, v7;
	[tilespmem:s26+$0x0] =	vst v9  }
.Ltmp0:
0x4b: {  	v9 =	vmul.f32 $1.442695020e+00, v13;
	v13 =	vadd.f32 $-1.299571990e-01, v14;
	v10 =	vmul.f32 v10, v6;
	v6 =	vmovc v7;
	v7 =	vmovc v8;
	(pc) =	sbr.rel @p0 .LBB2_2-.Ltmp0, $4  }
0x4c: {  	v8 =	vor.u32 s28, v0;
	v5 =	vmul.f32 $7.812500000e-03, v12;
	v11 =	vadd.f32 $-4.896990950e-01, v11  }
0x4d: {  	(erf) = vpow2.f32 v9;
	v9 =	vmul.f32 v13, v7;
	v14 =	vadd.f32 $1.144709770e-05, v10  }
0x4e: {  	v16 =	vmax.f32 v1, $0.0e+00;
	v1 =	vmovc v2;
	v2 =	vmovc v15;
	v12 =	vcvt.s32.f32 v8;
	v10 =	vmul.f32 v11, v6  }
0x4f: {  	s28 =	sadd.s32 $0x10, s28;
	v13 =	vand.u32 $0x7FFFFFFF, v5;
	v8 =	vpop (erf);
	v11 =	vadd.f32 $2.838231920e-01, v9;
	v9 =	vadd.f32 v14, v16  }
0x50: {  	v12 =	vadd.f32 $-2.048000000e+03, v12;
	_ =	sdelay $0x1  }
0x51: {  	v12 =	vmul.f32 $7.812500000e-03, v12;
	_ =	sdelay $0x1  }
0x52: {  	v13 =	vsub.f32 $0.0e+00, v13;
	v14 =	vand.u32 $0x7FFFFFFF, v12  }
0x53: {  	v14 =	vsub.f32 $0.0e+00, v14  }
0x54: {  	v13 =	vmul.f32 $1.442695020e+00, v13  }
0x55: {  	v14 =	vmul.f32 $1.442695020e+00, v14  }
0x56: {  	(erf) = vpow2.f32 v13  }
0x57: {  	(erf) = vpow2.f32 v14;
	_ =	sdelay $0x6  }
0x58: {  	v13 =	vpop (erf);
	v14 =	vmul.f32 $2.980876530e-02, v8  }
0x59: {  	v15 =	vmul.f32 $2.980876530e-02, v13;
	v16 =	vpop (erf)  }
0x5a: {  	v14 =	vadd.f32 $-1.299571990e-01, v14;
	v17 =	vmul.f32 $2.980876530e-02, v16;
	v18 =	vpop (erf)  }
0x5b: {  	v15 =	vadd.f32 $-1.299571990e-01, v15;
	v19 =	vmul.f32 $2.980876530e-02, v18  }
0x5c: {  	v14 =	vmul.f32 v14, v8;
	v17 =	vadd.f32 $-1.299571990e-01, v17  }
0x5d: {  	v15 =	vmul.f32 v15, v13;
	v19 =	vadd.f32 $-1.299571990e-01, v19  }
0x5e: {  	v11 =	vmul.f32 v11, v7;
	v14 =	vadd.f32 $2.838231920e-01, v14;
	v17 =	vmul.f32 v17, v16  }
0x5f: {  	v10 =	vadd.f32 $9.991664290e-01, v10;
	v15 =	vadd.f32 $2.838231920e-01, v15;
	v19 =	vmul.f32 v19, v18  }
0x60: {  	v11 =	vadd.f32 $-4.896990950e-01, v11;
	v14 =	vmul.f32 v14, v8;
	v17 =	vadd.f32 $2.838231920e-01, v17  }
0x61: {  	v6 =	vmul.f32 v10, v6;
	v10 =	vmul.f32 v15, v13;
	v15 =	vadd.f32 $2.838231920e-01, v19  }
0x62: {  	v11 =	vmul.f32 v11, v7;
	v14 =	vadd.f32 $-4.896990950e-01, v14;
	v17 =	vmul.f32 v17, v16  }
0x63: {  	v1 =	vmax.f32 v1, $0.0e+00;
	v10 =	vadd.f32 $-4.896990950e-01, v10;
	v15 =	vmul.f32 v15, v18  }
0x64: {  	v11 =	vadd.f32 $9.991664290e-01, v11;
	v14 =	vmul.f32 v14, v8;
	v17 =	vadd.f32 $-4.896990950e-01, v17  }
0x65: {  	v6 =	vadd.f32 $1.144709770e-05, v6;
	v10 =	vmul.f32 v10, v13;
	v15 =	vadd.f32 $-4.896990950e-01, v15  }
0x66: {  	v7 =	vmul.f32 v11, v7;
	v11 =	vadd.f32 $9.991664290e-01, v14;
	v14 =	vmul.f32 v17, v16  }
0x67: {  	v1 =	vadd.f32 v6, v1;
	v6 =	vadd.f32 $9.991664290e-01, v10;
	v10 =	vmul.f32 v15, v18  }
0x68: {  	v7 =	vadd.f32 $1.144709770e-05, v7;
	v8 =	vmul.f32 v11, v8;
	v11 =	vadd.f32 $9.991664290e-01, v14  }
0x69: {  	v2 =	vmax.f32 v2, $0.0e+00;
	v6 =	vmul.f32 v6, v13;
	v10 =	vadd.f32 $9.991664290e-01, v10  }
0x6a: {  	s26 =	sadd.s32 $0x10, s26;
	v2 =	vadd.f32 v7, v2;
	v7 =	vadd.f32 $1.144709770e-05, v8;
	v8 =	vmul.f32 v11, v16  }
0x6b: {  	v3 =	vmax.f32 v3, $0.0e+00;
	[tilespmem:s26+$0x0] =	vst v9;
	s26 =	sadd.s32 $0x10, s26;
	v6 =	vadd.f32 $1.144709770e-05, v6;
	v9 =	vmul.f32 v10, v18  }
0x6c: {  	[tilespmem:s26+$0x0] =	vst v1;
	s26 =	sadd.s32 $0x10, s26;
	v1 =	vadd.f32 v7, v3;
	v3 =	vmax.f32 v4, $0.0e+00;
	v4 =	vadd.f32 $1.144709770e-05, v8  }
0x6d: {  	[tilespmem:s26+$0x0] =	vst v2;
	s26 =	sadd.s32 $0x10, s26;
	v2 =	vadd.f32 v6, v3;
	v3 =	vmax.f32 v5, $0.0e+00;
	v5 =	vadd.f32 $1.144709770e-05, v9  }
0x6e: {  	[tilespmem:s26+$0x0] =	vst v1;
	s26 =	sadd.s32 $0x10, s26;
	v1 =	vadd.f32 v4, v3;
	v3 =	vmax.f32 v12, $0.0e+00  }
0x6f: {  	[tilespmem:s26+$0x0] =	vst v2;
	s26 =	sadd.s32 $0x10, s26;
	v2 =	vadd.f32 v5, v3  }
0x70: {  	[tilespmem:s26+$0x0] =	vst v1;
	s26 =	sadd.s32 $0x10, s26  }
0x71: {  	s30 =	simm.s32 $0x0;
	[tilespmem:s26+$0x0] =	vst v2  }
0x72: {  	[tilespmem:s30], [sflag:$0x1] =	stream.linear.gather [hbm4b:s3+s30], $0x2000, $0x38;
	[tilespmem:$0x9080] =	vst v63  }
0x73: {  	_ = 	snop  }
0x74: {  	[tilespmem:s15], [sflag:$0x3] =	stream.linear.gather [hbm4b:s4+s30], $0x2000, $0x38;
	[tilespmem:$0x9080] =	vst v63  }
0x75: {  	_ =	swait.ge [sflag:s16], $0x2000  }
0x76: {  	[sflag:s16] =	ssyncset.done $0x0  }
0x77: {  	[sflag:s16] =	ssyncadd.s32 $0xFFFFE000  }
0x78: {  	_ =	swait.ge [sflag:s17], $0x2000  }
0x79: {  	s28 =	sand.u32 $0x1000, s30;
	s29 =	sand.u32 $0xC00, s30;
	[sflag:s17] =	ssyncset.done $0x0  }
0x7a: {  	s28 =	sor.u32 s29, s28;
	s26 =	sand.u32 $0x380, s30;
	[sflag:s17] =	ssyncadd.s32 $0xFFFFE000  }
0x7b: {  	[tilespmem:s18], [sflag:$0x2] =	stream.linear.gather [hbm4b:s5+s30], $0x2000, $0x38;
	[tilespmem:$0x9080] =	vst v63  }
0x7c: {  	s26 =	sor.u32 s26, s28  }
0x7d: {  	[tilespmem:s19], [sflag:$0x4] =	stream.linear.gather [hbm4b:s6+s30], $0x2000, $0x38;
	[tilespmem:$0x9080] =	vst v63  }
0x7e: {  	v5 =	vld [tilespmem:s26+$0x4010]  }
0x7f: {  	v1 =	vld [tilespmem:s26+$0x20]  }
0x80: {  	v2 =	vld [tilespmem:s26+$0x10]  }
0x81: {  	v9 =	vld [tilespmem:s26+$0x4050]  }
0x82: {  	v3 =	vld [tilespmem:s26+$0x30]  }
0x83: {  	v4 =	vld [tilespmem:s26+$0x50]  }
0x84: {  	v10 =	vld [tilespmem:s26+$0x40]  }
0x85: {  	v11 =	vld [tilespmem:s26+$0x70]  }
0x86: {  	v14 =	vld [tilespmem:s26+$0x0]  }
0x87: {  	v17 =	vld [tilespmem:s26+$0x60]  }
0x88: {  	v19 =	vld [tilespmem:s26+$0x4030];
	v7 =	vmul.f32 $1.280000000e+02, v1  }
0x89: {  	v20 =	vld [tilespmem:s26+$0x4000];
	v8 =	vmul.f32 v5, v2;
	v2 =	vmul.f32 $1.280000000e+02, v2  }
0x8a: {  	v6 =	vimm.f32 $0.0e+00;
	v22 =	vld [tilespmem:s26+$0x4070];
	v13 =	vmul.f32 $1.280000000e+02, v3;
	v15 =	vmul.f32 v9, v4  }
0x8b: {  	v16 =	vmul.f32 $1.280000000e+02, v10;
	v18 =	vmul.f32 $1.280000000e+02, v11;
	v7 =	vadd.f32 $2.048500000e+03, v7  }
0x8c: {  	v12 =	vadd.f32 v5, v6;
	v4 =	vmul.f32 $1.280000000e+02, v4;
	v23 =	vmul.f32 $1.280000000e+02, v17  }
0x8d: {  	v24 =	vmul.f32 v19, v3;
	v2 =	vadd.f32 $2.048500000e+03, v2;
	v7 =	vmax.f32 v7, $0.0e+00  }
0x8e: {  	v27 =	vld [tilespmem:s26+$0x4040];
	v25 =	vmul.f32 $1.280000000e+02, v14;
	v14 =	vmul.f32 v20, v14;
	v7 =	vmin.f32 v7, $4.095000000e+03  }
0x8f: {  	v11 =	vmul.f32 v22, v11;
	v2 =	vmax.f32 v2, $0.0e+00;
	v7 =	vtrunc.f32 v7  }
0x90: {  	v8 =	vadd.f32 v8, v6;
	v2 =	vmin.f32 v2, $4.095000000e+03;
	v7 =	vcvt.f32.s32 v7  }
0x91: {  	v13 =	vadd.f32 $2.048500000e+03, v13;
	v16 =	vadd.f32 $2.048500000e+03, v16;
	v2 =	vtrunc.f32 v2  }
0x92: {  	v21 =	vld [tilespmem:s26+$0x4020];
	v4 =	vadd.f32 $2.048500000e+03, v4;
	v12 =	vadd.f32 v19, v12;
	v2 =	vcvt.f32.s32 v2  }
0x93: {  	v31 =	vmul.f32 v27, v10;
	v18 =	vadd.f32 $2.048500000e+03, v18;
	v14 =	vadd.f32 v14, v6  }
0x94: {  	v3 =	vld [tilespmem:s26+$0x4060];
	v13 =	vmax.f32 v13, $0.0e+00;
	v4 =	vmax.f32 v4, $0.0e+00;
	v10 =	vadd.f32 v9, v12  }
0x95: {  	s29 =	simm.s32 $0x80;
	s28 =	simm.s32 $0x400;
	v16 =	vmax.f32 v16, $0.0e+00;
	v13 =	vmin.f32 v13, $4.095000000e+03;
	v4 =	vmin.f32 v4, $4.095000000e+03  }
0x96: {  	s29 =	sand.u32 $0x1000, s29;
	s28 =	sand.u32 $0xC00, s28;
	s30 =	simm.s32 $0x20;
	v13 =	vtrunc.f32 v13;
	v10 =	vadd.f32 v22, v10;
	v26 =	vld.idx.msk [tilespmem:v7+s20+$0x0], $0xffff;
	v7 =	vmax.f32 v18, $0.0e+00  }
0x97: {  	s28 =	sor.u32 s28, s29;
	s29 =	sand.u32 $0x380, s30;
	v13 =	vcvt.f32.s32 v13;
	v18 =	vmul.f32 v21, v1;
	v1 =	vmin.f32 v7, $4.095000000e+03  }
0x98: {  	s26 =	sor.u32 s29, s28;
	v7 =	vadd.f32 v24, v8;
	v8 =	vtrunc.f32 v4;
	v24 =	vld.idx.msk [tilespmem:v2+s20+$0x0], $0xffff;
	v1 =	vtrunc.f32 v1  }
0x99: {  	v2 =	vld [tilespmem:s26+$0x4010];
	v4 =	vmul.f32 v3, v17;
	v14 =	vadd.f32 v18, v14;
	v28 =	vcvt.f32.s32 v1  }
0x9a: {  	v1 =	vmin.f32 v16, $4.095000000e+03;
	v16 =	vld [tilespmem:s26+$0x10];
	v7 =	vadd.f32 v15, v7;
	v15 =	vadd.f32 $2.048500000e+03, v25  }
0x9b: {  	v25 =	vcvt.f32.s32 v8;
	v8 =	vld [tilespmem:s26+$0x20];
	v17 =	vtrunc.f32 v1;
	v14 =	vadd.f32 v31, v14  }
0x9c: {  	v29 =	vld [tilespmem:s26+$0x50];
	v30 =	vmul.f32 v26, v21;
	v17 =	vcvt.f32.s32 v17;
	v11 =	vadd.f32 v11, v7  }
0x9d: {  	v32 =	vld [tilespmem:s26+$0x30];
	v7 =	vmax.f32 v15, $0.0e+00;
	v15 =	vadd.f32 v20, v6;
	v12 =	vmul.f32 v24, v5  }
0x9e: {  	v1 =	vld [tilespmem:s26+$0x4050];
	v5 =	vadd.f32 $2.048500000e+03, v23;
	v7 =	vmin.f32 v7, $4.095000000e+03;
	v23 =	vadd.f32 v24, v6  }
0x9f: {  	v24 =	vld.idx.msk [tilespmem:v13+s20+$0x0], $0xffff;
	v7 =	vtrunc.f32 v7;
	v15 =	vadd.f32 v21, v15;
	v13 =	vmul.f32 v2, v16  }
0xa0: {  	v33 =	vmax.f32 v5, $0.0e+00;
	v34 =	vcvt.f32.s32 v7;
	v61 =	vmul.f32 $1.280000000e+02, v8  }
0xa1: {  	v5 =	vld [tilespmem:s26+$0x40];
	v16 =	vmul.f32 $1.280000000e+02, v16;
	v12 =	vadd.f32 v12, v6;
	v33 =	vmin.f32 v33, $4.095000000e+03  }
0xa2: {  	v25 =	vld.idx.msk [tilespmem:v25+s20+$0x0], $0xffff;
	v15 =	vadd.f32 v27, v15;
	v13 =	vadd.f32 v13, v11;
	v18 =	vtrunc.f32 v33  }
0xa3: {  	v28 =	vld.idx.msk [tilespmem:v28+s20+$0x0], $0xffff;
	v11 =	vadd.f32 v2, v10;
	v10 =	vmul.f32 v1, v29;
	v21 =	vadd.f32 $2.048500000e+03, v61  }
0xa4: {  	v23 =	vadd.f32 v24, v23;
	v19 =	vmul.f32 v24, v19;
	v24 =	vmul.f32 $1.280000000e+02, v32  }
0xa5: {  	v16 =	vadd.f32 $2.048500000e+03, v16;
	v18 =	vcvt.f32.s32 v18;
	v36 =	vld.idx.msk [tilespmem:v17+s20+$0x0], $0xffff;
	v21 =	vmax.f32 v21, $0.0e+00  }
0xa6: {  	v31 =	vmul.f32 $1.280000000e+02, v5;
	v24 =	vadd.f32 $2.048500000e+03, v24;
	v17 =	vmin.f32 v21, $4.095000000e+03;
	v62 =	vld.idx.msk [tilespmem:v34+s20+$0x0], $0xffff  }
0xa7: {  	v19 =	vadd.f32 v19, v12;
	v35 =	vadd.f32 v25, v23;
	v17 =	vtrunc.f32 v17  }
0xa8: {  	v9 =	vmul.f32 v25, v9;
	v37 =	vmul.f32 v28, v22;
	v21 =	vadd.f32 $2.048500000e+03, v31  }
0xa9: {  	v7 =	vld [tilespmem:s26+$0x70];
	v31 =	vmax.f32 v16, $0.0e+00;
	v12 =	vmax.f32 v24, $0.0e+00;
	v24 =	vmul.f32 $1.280000000e+02, v29  }
0xaa: {  	v16 =	vld [tilespmem:s26+$0x60];
	v29 =	vcvt.f32.s32 v17;
	v12 =	vmin.f32 v12, $4.095000000e+03;
	v23 =	vmul.f32 v36, v27  }
0xab: {  	v9 =	vadd.f32 v9, v19;
	v25 =	vtrunc.f32 v12;
	v12 =	vld [tilespmem:s26+$0x4030];
	v22 =	vadd.f32 v62, v6  }
0xac: {  	v19 =	vadd.f32 v28, v35;
	v27 =	vmin.f32 v31, $4.095000000e+03;
	v33 =	vmul.f32 v62, v20;
	v20 =	vld [tilespmem:s26+$0x0]  }
0xad: {  	v17 =	vtrunc.f32 v27;
	v24 =	vadd.f32 $2.048500000e+03, v24;
	v31 =	vadd.f32 v26, v22;
	v22 =	vld.idx.msk [tilespmem:v18+s20+$0x0], $0xffff  }
0xae: {  	v28 =	vadd.f32 v33, v6;
	v26 =	vcvt.f32.s32 v17;
	v17 =	vadd.f32 v37, v9;
	v9 =	vld [tilespmem:s26+$0x4000]  }
0xaf: {  	v15 =	vadd.f32 v3, v15;
	v63 =	vmul.f32 $1.280000000e+02, v7;
	v27 =	vmax.f32 v21, $0.0e+00;
	v18 =	vld [tilespmem:s26+$0x4020]  }
0xb0: {  	v21 =	vmax.f32 v24, $0.0e+00;
	v24 =	vmul.f32 $1.280000000e+02, v16;
	v30 =	vadd.f32 v30, v28  }
0xb1: {  	s31 =	simm.s32 $0x800;
	s28 =	simm.s32 $0x40;
	s29 =	simm.s32 $0x100;
	v6 =	vld [tilespmem:s26+$0x4070];
	v28 =	vmul.f32 v12, v32;
	v32 =	vadd.f32 $2.048500000e+03, v63;
	v31 =	vadd.f32 v36, v31  }
.LBB2_4:
0xb2: {  	s30 =	smov.u32 s31  }
0xb3: {  	s1 =	sand.u32 $0x1000, s29;
	s0 =	sand.u32 $0xC00, s31;
	v33 =	vmul.f32 $1.280000000e+02, v20;
	v20 =	vmul.f32 v9, v20;
	v34 =	vmin.f32 v21, $4.095000000e+03;
	v35 =	vld [tilespmem:s26+$0x4060];
	s30 =	sadd.s32 $0x400, s31  }
0xb4: {  	p0 =	sne.s32 s31, $0xFC00;
	v23 =	vadd.f32 v23, v30;
	s0 =	sor.u32 s0, s1;
	s1 =	sand.u32 $0x380, s28;
	v21 =	vld.idx.msk [tilespmem:v29+s20+$0x0], $0xffff;
	v29 =	vmul.f32 v18, v8;
	v8 =	vmax.f32 v32, $0.0e+00  }
0xb5: {  	v25 =	vcvt.f32.s32 v25;
	v31 =	vadd.f32 v22, v31;
	v30 =	vld [tilespmem:s26+$0x4040];
	s26 =	sor.u32 s1, s0;
	v8 =	vmin.f32 v8, $4.095000000e+03  }
0xb6: {  	v37 =	vmul.f32 v22, v3;
	v13 =	vadd.f32 v28, v13;
	v32 =	vld [tilespmem:s26+$0x4010];
	v8 =	vtrunc.f32 v8  }
0xb7: {  	v4 =	vadd.f32 v4, v14;
	v22 =	vld.idx.msk [tilespmem:v26+s20+$0x0], $0xffff;
	v26 =	vtrunc.f32 v34;
	v28 =	vcvt.f32.s32 v8  }
0xb8: {  	v36 =	vadd.f32 v37, v23;
	v8 =	vadd.f32 v12, v11;
	v11 =	vmul.f32 v6, v7;
	v3 =	vmovc v35;
	v34 =	vld [tilespmem:s26+$0x4050]  }
0xb9: {  	v23 =	vadd.f32 v20, v4;
	v7 =	vmin.f32 v27, $4.095000000e+03;
	v4 =	vmul.f32 v3, v16;
	v14 =	vld [tilespmem:s26+$0x10]  }
0xba: {  	v10 =	vadd.f32 v10, v13;
	v20 =	vtrunc.f32 v7;
	v35 =	vmul.f32 v21, v18;
	v16 =	vld [tilespmem:s26+$0x50]  }
0xbb: {  	v13 =	vadd.f32 $2.048500000e+03, v33;
	v26 =	vcvt.f32.s32 v26;
	v27 =	vcvt.f32.s32 v20;
	v7 =	vld [tilespmem:s26+$0x70]  }
0xbc: {  	v38 =	vadd.f32 v1, v8;
	v10 =	vadd.f32 v11, v10;
	v37 =	vmul.f32 v30, v5;
	v33 =	vld [tilespmem:s26+$0x30]  }
0xbd: {  	v11 =	vadd.f32 $2.048500000e+03, v24;
	v5 =	vmax.f32 v13, $0.0e+00;
	v39 =	vmul.f32 v22, v2;
	v2 =	vmovc v32;
	v8 =	vld [tilespmem:s26+$0x20]  }
0xbe: {  	v15 =	vadd.f32 v9, v15;
	v13 =	vmin.f32 v5, $4.095000000e+03;
	v19 =	vadd.f32 v22, v19;
	v22 =	vld.idx.msk [tilespmem:v25+s20+$0x0], $0xffff  }
0xbf: {  	v11 =	vmax.f32 v11, $0.0e+00;
	v13 =	vtrunc.f32 v13;
	v24 =	vmul.f32 v2, v14;
	v5 =	vld [tilespmem:s26+$0x40]  }
0xc0: {  	v11 =	vmin.f32 v11, $4.095000000e+03;
	v32 =	vadd.f32 v6, v38;
	v25 =	vcvt.f32.s32 v13;
	v20 =	vld [tilespmem:s26+$0x0]  }
0xc1: {  	v23 =	vadd.f32 v29, v23;
	v13 =	vadd.f32 v24, v10;
	v24 =	vld.idx.msk [tilespmem:v26+s20+$0x0], $0xffff;
	v26 =	vtrunc.f32 v11  }
0xc2: {  	v15 =	vadd.f32 v18, v15;
	v11 =	vadd.f32 v2, v32;
	v29 =	vmul.f32 $1.280000000e+02, v8;
	v32 =	vld [tilespmem:s26+$0x4070]  }
0xc3: {  	v18 =	vmul.f32 $1.280000000e+02, v14;
	v14 =	vadd.f32 v37, v23;
	v10 =	vmul.f32 v34, v16;
	v28 =	vld.idx.msk [tilespmem:v28+s20+$0x0], $0xffff  }
0xc4: {  	v19 =	vadd.f32 v22, v19;
	v12 =	vmul.f32 v22, v12;
	v23 =	vadd.f32 $2.048500000e+03, v29;
	v37 =	vld.idx.msk [tilespmem:v27+s20+$0x0], $0xffff  }
0xc5: {  	v17 =	vadd.f32 v39, v17;
	v22 =	vmul.f32 $1.280000000e+02, v33;
	v27 =	vmul.f32 $1.280000000e+02, v5  }
0xc6: {  	v15 =	vadd.f32 v30, v15;
	v26 =	vcvt.f32.s32 v26;
	v23 =	vmax.f32 v23, $0.0e+00;
	v29 =	vld.idx.msk [tilespmem:v25+s20+$0x0], $0xffff  }
0xc7: {  	v38 =	vmul.f32 $1.280000000e+02, v7;
	v22 =	vadd.f32 $2.048500000e+03, v22;
	v19 =	vadd.f32 v24, v19  }
0xc8: {  	v18 =	vadd.f32 $2.048500000e+03, v18;
	v27 =	vadd.f32 $2.048500000e+03, v27;
	v23 =	vmin.f32 v23, $4.095000000e+03  }
0xc9: {  	v15 =	vadd.f32 v3, v15;
	v17 =	vadd.f32 v12, v17;
	v39 =	vtrunc.f32 v23  }
0xca: {  	v18 =	vmax.f32 v18, $0.0e+00;
	v24 =	vmul.f32 v24, v1;
	v1 =	vmovc v34;
	v12 =	vmax.f32 v22, $0.0e+00  }
0xcb: {  	v34 =	vmul.f32 $1.280000000e+02, v16;
	v12 =	vmin.f32 v12, $4.095000000e+03;
	v40 =	vmul.f32 v28, v6;
	v6 =	vmovc v32;
	v16 =	vld [tilespmem:s26+$0x60]  }
0xcc: {  	v25 =	vtrunc.f32 v12;
	v31 =	vadd.f32 v29, v31;
	v32 =	vmul.f32 v29, v9;
	v22 =	vld.idx.msk [tilespmem:v26+s20+$0x0], $0xffff  }
0xcd: {  	v17 =	vadd.f32 v24, v17;
	v19 =	vadd.f32 v28, v19;
	v23 =	vmul.f32 v37, v30;
	v12 =	vld [tilespmem:s26+$0x4030]  }
.Ltmp1:
0xce: {  	v18 =	vmin.f32 v18, $4.095000000e+03;
	v29 =	vcvt.f32.s32 v39;
	v28 =	vadd.f32 v32, v36;
	v9 =	vld [tilespmem:s26+$0x4000];
	(pc) =	sbr.rel @p0 .LBB2_4-.Ltmp1, $4  }
0xcf: {  	v24 =	vtrunc.f32 v18;
	v30 =	vadd.f32 $2.048500000e+03, v34;
	v31 =	vadd.f32 v21, v31;
	v18 =	vld [tilespmem:s26+$0x4020]  }
0xd0: {  	v27 =	vmax.f32 v27, $0.0e+00;
	v17 =	vadd.f32 v40, v17;
	v26 =	vcvt.f32.s32 v24  }
0xd1: {  	v21 =	vmax.f32 v30, $0.0e+00;
	v30 =	vadd.f32 v35, v28;
	v24 =	vmul.f32 $1.280000000e+02, v16  }
0xd2: {  	s29 =	sadd.s32 $0x80, s29;
	s28 =	sadd.s32 $0x20, s28;
	s31 =	smov.u32 s30;
	v32 =	vadd.f32 $2.048500000e+03, v38;
	v31 =	vadd.f32 v37, v31;
	v28 =	vmul.f32 v12, v33  }
0xd3: {  	v33 =	vmul.f32 $1.280000000e+02, v20  }
0xd4: {  	v21 =	vmin.f32 v21, $4.095000000e+03;
	v25 =	vcvt.f32.s32 v25;
	v24 =	vadd.f32 $2.048500000e+03, v24  }
0xd5: {  	v27 =	vmin.f32 v27, $4.095000000e+03;
	v32 =	vmax.f32 v32, $0.0e+00;
	v21 =	vtrunc.f32 v21  }
0xd6: {  	v27 =	vtrunc.f32 v27;
	v32 =	vmin.f32 v32, $4.095000000e+03;
	v33 =	vadd.f32 $2.048500000e+03, v33  }
0xd7: {  	v21 =	vcvt.f32.s32 v21;
	v24 =	vmax.f32 v24, $0.0e+00;
	v27 =	vcvt.f32.s32 v27  }
0xd8: {  	v34 =	vld [tilespmem:s26+$0x4060];
	v32 =	vtrunc.f32 v32;
	v24 =	vmin.f32 v24, $4.095000000e+03;
	v33 =	vmax.f32 v33, $0.0e+00  }
0xd9: {  	v29 =	vld.idx.msk [tilespmem:v29+s20+$0x0], $0xffff;
	v32 =	vcvt.f32.s32 v32;
	v24 =	vtrunc.f32 v24;
	v33 =	vmin.f32 v33, $4.095000000e+03  }
0xda: {  	v35 =	vld [tilespmem:s26+$0x4040];
	v24 =	vcvt.f32.s32 v24;
	v33 =	vtrunc.f32 v33  }
0xdb: {  	v26 =	vld.idx.msk [tilespmem:v26+s20+$0x0], $0xffff;
	v33 =	vcvt.f32.s32 v33  }
0xdc: {  	v25 =	vld.idx.msk [tilespmem:v25+s20+$0x0], $0xffff  }
0xdd: {  	v21 =	vld.idx.msk [tilespmem:v21+s20+$0x0], $0xffff  }
0xde: {  	v27 =	vld.idx.msk [tilespmem:v27+s20+$0x0], $0xffff  }
0xdf: {  	v32 =	vld.idx.msk [tilespmem:v32+s20+$0x0], $0xffff  }
0xe0: {  	v24 =	vld.idx.msk [tilespmem:v24+s20+$0x0], $0xffff  }
0xe1: {  	v33 =	vld.idx.msk [tilespmem:v33+s20+$0x0], $0xffff;
	_ =	swait.ge [sflag:s21], $0x2000  }
0xe2: {  	[sflag:s21] =	ssyncset.done $0x0  }
0xe3: {  	[sflag:s21] =	ssyncadd.s32 $0xFFFFE000  }
0xe4: {  	v20 =	vmul.f32 v9, v20;
	v4 =	vadd.f32 v4, v14;
	_ =	swait.ge [sflag:s22], $0x2000  }
0xe5: {  	v23 =	vadd.f32 v23, v30;
	v13 =	vadd.f32 v28, v13;
	[sflag:s22] =	ssyncset.done $0x0  }
0xe6: {  	v11 =	vadd.f32 v12, v11;
	s0 =	simm.s32 $0x0;
	v8 =	vmul.f32 v18, v8;
	v4 =	vadd.f32 v20, v4;
	[sflag:s22] =	ssyncadd.s32 $0xFFFFE000  }
0xe7: {  	v7 =	vmul.f32 v6, v7;
	v30 =	vadd.f32 v22, v31;
	v10 =	vadd.f32 v10, v13;
	[tilespmem:s0], [sflag:$0x1] =	stream.linear.gather [hbm4b:s7+s0], $0x2000, $0x38;
	[tilespmem:$0x9080] =	vst v63  }
0xe8: {  	s1 =	sand.u32 $0x1000, s0;
	s30 =	sand.u32 $0xC00, s0;
	v11 =	vadd.f32 v1, v11;
	v4 =	vadd.f32 v8, v4  }
0xe9: {  	v7 =	vadd.f32 v7, v10;
	v10 =	vadd.f32 v9, v15;
	v5 =	vmul.f32 v35, v5;
	[tilespmem:s15], [sflag:$0x3] =	stream.linear.gather [hbm4b:s8+s0], $0x2000, $0x38;
	[tilespmem:$0x9080] =	vst v63  }
0xea: {  	s1 =	sor.u32 s30, s1;
	v8 =	vadd.f32 v6, v11;
	v13 =	vadd.f32 v26, v19;
	v2 =	vmul.f32 v26, v2;
	s0 =	sand.u32 $0x380, s0  }
0xeb: {  	v3 =	vmul.f32 v22, v3;
	v10 =	vadd.f32 v18, v10;
	v4 =	vadd.f32 v5, v4;
	s26 =	sor.u32 s0, s1  }
0xec: {  	v2 =	vadd.f32 v2, v17;
	v5 =	vadd.f32 v25, v13;
	v11 =	vmul.f32 v25, v12;
	v13 =	vld [tilespmem:s26+$0x6010]  }
0xed: {  	v3 =	vadd.f32 v3, v23;
	v10 =	vadd.f32 v35, v10;
	v15 =	vld [tilespmem:s26+$0x2020]  }
0xee: {  	v12 =	vmul.f32 v29, v18;
	v2 =	vadd.f32 v11, v2;
	v9 =	vmul.f32 v33, v9;
	v11 =	vld [tilespmem:s26+$0x2010]  }
0xef: {  	v10 =	vadd.f32 v34, v10;
	v1 =	vmul.f32 v21, v1;
	v14 =	vadd.f32 v33, v30;
	v19 =	vld [tilespmem:s26+$0x2040]  }
0xf0: {  	v5 =	vadd.f32 v21, v5;
	v17 =	vmul.f32 v27, v35;
	v3 =	vadd.f32 v9, v3;
	v20 =	vld [tilespmem:s26+$0x2070]  }
0xf1: {  	v1 =	vadd.f32 v1, v2;
	v9 =	vmul.f32 v32, v6;
	v14 =	vadd.f32 v29, v14;
	v22 =	vld [tilespmem:s26+$0x2060]  }
0xf2: {  	v5 =	vadd.f32 v32, v5;
	v2 =	vadd.f32 v12, v3;
	v3 =	vmul.f32 v34, v16;
	v6 =	vld [tilespmem:s26+$0x6050]  }
0xf3: {  	v12 =	vadd.f32 v27, v14;
	v16 =	vadd.f32 v9, v1;
	v14 =	vld [tilespmem:s26+$0x2030];
	v9 =	vmul.f32 $1.280000000e+02, v15  }
0xf4: {  	v1 =	vadd.f32 v17, v2;
	v2 =	vld [tilespmem:s26+$0x2050];
	v17 =	vmul.f32 v24, v34;
	v4 =	vadd.f32 v3, v4  }
0xf5: {  	v18 =	vmul.f32 v13, v11;
	v21 =	vmul.f32 $1.280000000e+02, v19;
	v3 =	vadd.f32 $2.048500000e+03, v9  }
0xf6: {  	v12 =	vadd.f32 v24, v12;
	v24 =	vld [tilespmem:s26+$0x6030];
	v23 =	vmul.f32 $1.280000000e+02, v20;
	v29 =	vmul.f32 $1.280000000e+02, v22  }
0xf7: {  	v9 =	vadd.f32 v17, v1;
	v1 =	vadd.f32 v18, v7;
	v3 =	vmax.f32 v3, $0.0e+00  }
0xf8: {  	v7 =	vmul.f32 $1.280000000e+02, v11;
	v11 =	vmul.f32 $1.280000000e+02, v14;
	v3 =	vmin.f32 v3, $4.095000000e+03  }
0xf9: {  	v8 =	vadd.f32 v13, v8;
	v18 =	vmul.f32 v6, v2;
	v3 =	vtrunc.f32 v3  }
0xfa: {  	v2 =	vmul.f32 $1.280000000e+02, v2;
	v7 =	vadd.f32 $2.048500000e+03, v7;
	v25 =	vcvt.f32.s32 v3  }
0xfb: {  	v26 =	vld [tilespmem:s26+$0x6000];
	v23 =	vadd.f32 $2.048500000e+03, v23;
	v14 =	vmul.f32 v24, v14;
	v11 =	vadd.f32 $2.048500000e+03, v11  }
0xfc: {  	v17 =	vld [tilespmem:s26+$0x2000];
	v8 =	vadd.f32 v24, v8;
	v2 =	vadd.f32 $2.048500000e+03, v2;
	v7 =	vmax.f32 v7, $0.0e+00  }
0xfd: {  	v28 =	vld [tilespmem:s26+$0x6070];
	v23 =	vmax.f32 v23, $0.0e+00;
	v3 =	vmax.f32 v11, $0.0e+00;
	v7 =	vmin.f32 v7, $4.095000000e+03  }
0xfe: {  	s30 =	simm.s32 $0x80;
	s0 =	simm.s32 $0x400;
	v11 =	vadd.f32 $2.048500000e+03, v21;
	v21 =	vld [tilespmem:s26+$0x6020];
	v3 =	vmin.f32 v3, $4.095000000e+03;
	v7 =	vtrunc.f32 v7  }
0xff: {  	s28 =	simm.s32 $0x20;
	s1 =	sand.u32 $0x1000, s30;
	s0 =	sand.u32 $0xC00, s0;
	v23 =	vmin.f32 v23, $4.095000000e+03;
	v27 =	vtrunc.f32 v3;
	v7 =	vcvt.f32.s32 v7;
	v3 =	vld [tilespmem:s26+$0x6060]  }
0x100: {  	s30 =	sand.u32 $0x380, s28;
	s0 =	sor.u32 s0, s1;
	v1 =	vadd.f32 v14, v1;
	v2 =	vmax.f32 v2, $0.0e+00;
	v14 =	vtrunc.f32 v23;
	v31 =	vld.idx.msk [tilespmem:v25+s20+$0x0], $0xffff  }
0x101: {  	v30 =	vmul.f32 $1.280000000e+02, v17;
	v2 =	vmin.f32 v2, $4.095000000e+03;
	v25 =	vcvt.f32.s32 v27;
	v27 =	vld [tilespmem:s26+$0x6040];
	s26 =	sor.u32 s30, s0  }
0x102: {  	v56 =	vadd.f32 v6, v8;
	v17 =	vmul.f32 v26, v17;
	v23 =	vtrunc.f32 v2;
	v2 =	vld [tilespmem:s26+$0x6010]  }
0x103: {  	v54 =	vcvt.f32.s32 v14;
	v14 =	vmul.f32 v28, v20;
	v11 =	vmax.f32 v11, $0.0e+00;
	v20 =	vld [tilespmem:s26+$0x2010]  }
0x104: {  	v10 =	vadd.f32 v26, v10;
	v18 =	vadd.f32 v18, v1;
	v11 =	vmin.f32 v11, $4.095000000e+03;
	v8 =	vld [tilespmem:s26+$0x2020]  }
0x105: {  	v34 =	vadd.f32 v28, v56;
	v17 =	vadd.f32 v17, v4;
	v11 =	vtrunc.f32 v11;
	v7 =	vld.idx.msk [tilespmem:v7+s20+$0x0], $0xffff  }
0x106: {  	v15 =	vmul.f32 v21, v15;
	v4 =	vmul.f32 v3, v22;
	v1 =	vld [tilespmem:s26+$0x6050];
	v22 =	vadd.f32 $2.048500000e+03, v30  }
0x107: {  	v14 =	vadd.f32 v14, v18;
	v30 =	vcvt.f32.s32 v11;
	v11 =	vcvt.f32.s32 v23;
	v23 =	vld [tilespmem:s26+$0x2050]  }
0x108: {  	v18 =	vmax.f32 v22, $0.0e+00;
	v55 =	vmul.f32 v31, v21;
	v19 =	vmul.f32 v27, v19  }
0x109: {  	v57 =	vld [tilespmem:s26+$0x2030];
	v18 =	vmin.f32 v18, $4.095000000e+03;
	v36 =	vmul.f32 v2, v20;
	v58 =	vmul.f32 $1.280000000e+02, v8  }
0x10a: {  	v21 =	vadd.f32 v21, v10;
	v25 =	vld.idx.msk [tilespmem:v25+s20+$0x0], $0xffff;
	v20 =	vmul.f32 $1.280000000e+02, v20;
	v22 =	vmul.f32 v7, v13  }
0x10b: {  	v13 =	vadd.f32 $2.048500000e+03, v29;
	v29 =	vadd.f32 v7, v5;
	v7 =	vtrunc.f32 v18;
	v5 =	vld [tilespmem:s26+$0x2040]  }
0x10c: {  	v10 =	vmul.f32 v1, v23;
	v21 =	vadd.f32 v27, v21;
	v18 =	vcvt.f32.s32 v7;
	v7 =	vld [tilespmem:s26+$0x2070]  }
0x10d: {  	v20 =	vadd.f32 $2.048500000e+03, v20;
	v13 =	vmax.f32 v13, $0.0e+00;
	v16 =	vadd.f32 v22, v16;
	v22 =	vld.idx.msk [tilespmem:v54+s20+$0x0], $0xffff  }
0x10e: {  	v37 =	vmin.f32 v13, $4.095000000e+03;
	v13 =	vadd.f32 v36, v14;
	v14 =	vadd.f32 v15, v17;
	v17 =	vld.idx.msk [tilespmem:v11+s20+$0x0], $0xffff  }
0x10f: {  	v15 =	vtrunc.f32 v37;
	v29 =	vadd.f32 v25, v29;
	v24 =	vmul.f32 v25, v24  }
0x110: {  	v25 =	vmul.f32 $1.280000000e+02, v57;
	v14 =	vadd.f32 v19, v14;
	v19 =	vadd.f32 $2.048500000e+03, v58  }
0x111: {  	v11 =	vadd.f32 v2, v34;
	v59 =	vmul.f32 $1.280000000e+02, v5;
	v60 =	vcvt.f32.s32 v15  }
0x112: {  	v25 =	vadd.f32 $2.048500000e+03, v25;
	v61 =	vmul.f32 $1.280000000e+02, v7;
	v19 =	vmax.f32 v19, $0.0e+00;
	v18 =	vld.idx.msk [tilespmem:v18+s20+$0x0], $0xffff  }
0x113: {  	v62 =	vld.idx.msk [tilespmem:v30+s20+$0x0], $0xffff;
	v30 =	vadd.f32 $2.048500000e+03, v59;
	v28 =	vmul.f32 v22, v28;
	v29 =	vadd.f32 v17, v29  }
0x114: {  	v15 =	vmin.f32 v19, $4.095000000e+03;
	v19 =	vadd.f32 v24, v16;
	v6 =	vmul.f32 v17, v6  }
0x115: {  	v16 =	vmax.f32 v25, $0.0e+00;
	v24 =	vmul.f32 $1.280000000e+02, v23;
	v63 =	vtrunc.f32 v15  }
0x116: {  	v15 =	vadd.f32 v3, v21;
	v21 =	vmax.f32 v20, $0.0e+00;
	v17 =	vmin.f32 v16, $4.095000000e+03  }
0x117: {  	v16 =	vld [tilespmem:s26+$0x2060];
	v25 =	vtrunc.f32 v17;
	v17 =	vadd.f32 v18, v12;
	v18 =	vmul.f32 v18, v26  }
0x118: {  	v23 =	vmul.f32 v62, v27;
	v38 =	vadd.f32 v6, v19;
	v21 =	vmin.f32 v21, $4.095000000e+03;
	v12 =	vld [tilespmem:s26+$0x6030]  }
0x119: {  	v20 =	vld [tilespmem:s26+$0x2000];
	v19 =	vadd.f32 v22, v29;
	v18 =	vadd.f32 v18, v9;
	v9 =	vtrunc.f32 v21  }
0x11a: {  	v29 =	vcvt.f32.s32 v63;
	v21 =	vadd.f32 $2.048500000e+03, v24;
	v26 =	vcvt.f32.s32 v9;
	v9 =	vld [tilespmem:s26+$0x6000]  }
0x11b: {  	v27 =	vmax.f32 v30, $0.0e+00;
	v31 =	vadd.f32 v31, v17;
	v30 =	vadd.f32 v55, v18;
	v18 =	vld [tilespmem:s26+$0x6020]  }
0x11c: {  	v32 =	vadd.f32 $2.048500000e+03, v61;
	v22 =	vld.idx.msk [tilespmem:v60+s20+$0x0], $0xffff;
	v17 =	vadd.f32 v28, v38;
	v24 =	vmul.f32 $1.280000000e+02, v16  }
0x11d: {  	s31 =	simm.s32 $0x800;
	s29 =	simm.s32 $0x100;
	s28 =	simm.s32 $0x40;
	v6 =	vld [tilespmem:s26+$0x6070];
	v21 =	vmax.f32 v21, $0.0e+00;
	v31 =	vadd.f32 v62, v31;
	v28 =	vmul.f32 v12, v57  }
.LBB2_6:
0x11e: {  	s30 =	smov.u32 s31  }
0x11f: {  	s0 =	sand.u32 $0x1000, s29;
	s1 =	sand.u32 $0xC00, s31;
	v33 =	vmul.f32 $1.280000000e+02, v20;
	v20 =	vmul.f32 v9, v20;
	v34 =	vmin.f32 v21, $4.095000000e+03;
	v35 =	vld [tilespmem:s26+$0x6060];
	s30 =	sadd.s32 $0x400, s31  }
0x120: {  	p0 =	sne.s32 s31, $0xFC00;
	v23 =	vadd.f32 v23, v30;
	s0 =	sor.u32 s1, s0;
	s1 =	sand.u32 $0x380, s28;
	v21 =	vld.idx.msk [tilespmem:v29+s20+$0x0], $0xffff;
	v29 =	vmul.f32 v18, v8;
	v8 =	vmax.f32 v32, $0.0e+00  }
0x121: {  	v25 =	vcvt.f32.s32 v25;
	v31 =	vadd.f32 v22, v31;
	v30 =	vld [tilespmem:s26+$0x6040];
	s26 =	sor.u32 s1, s0;
	v8 =	vmin.f32 v8, $4.095000000e+03  }
0x122: {  	v37 =	vmul.f32 v22, v3;
	v13 =	vadd.f32 v28, v13;
	v32 =	vld [tilespmem:s26+$0x6010];
	v8 =	vtrunc.f32 v8  }
0x123: {  	v4 =	vadd.f32 v4, v14;
	v22 =	vld.idx.msk [tilespmem:v26+s20+$0x0], $0xffff;
	v26 =	vtrunc.f32 v34;
	v28 =	vcvt.f32.s32 v8  }
0x124: {  	v36 =	vadd.f32 v37, v23;
	v8 =	vadd.f32 v12, v11;
	v11 =	vmul.f32 v6, v7;
	v3 =	vmovc v35;
	v34 =	vld [tilespmem:s26+$0x6050]  }
0x125: {  	v23 =	vadd.f32 v20, v4;
	v7 =	vmin.f32 v27, $4.095000000e+03;
	v4 =	vmul.f32 v3, v16;
	v14 =	vld [tilespmem:s26+$0x2010]  }
0x126: {  	v10 =	vadd.f32 v10, v13;
	v20 =	vtrunc.f32 v7;
	v35 =	vmul.f32 v21, v18;
	v16 =	vld [tilespmem:s26+$0x2050]  }
0x127: {  	v13 =	vadd.f32 $2.048500000e+03, v33;
	v26 =	vcvt.f32.s32 v26;
	v27 =	vcvt.f32.s32 v20;
	v7 =	vld [tilespmem:s26+$0x2070]  }
0x128: {  	v38 =	vadd.f32 v1, v8;
	v10 =	vadd.f32 v11, v10;
	v37 =	vmul.f32 v30, v5;
	v33 =	vld [tilespmem:s26+$0x2030]  }
0x129: {  	v11 =	vadd.f32 $2.048500000e+03, v24;
	v5 =	vmax.f32 v13, $0.0e+00;
	v39 =	vmul.f32 v22, v2;
	v2 =	vmovc v32;
	v8 =	vld [tilespmem:s26+$0x2020]  }
0x12a: {  	v15 =	vadd.f32 v9, v15;
	v13 =	vmin.f32 v5, $4.095000000e+03;
	v19 =	vadd.f32 v22, v19;
	v22 =	vld.idx.msk [tilespmem:v25+s20+$0x0], $0xffff  }
0x12b: {  	v11 =	vmax.f32 v11, $0.0e+00;
	v13 =	vtrunc.f32 v13;
	v24 =	vmul.f32 v2, v14;
	v5 =	vld [tilespmem:s26+$0x2040]  }
0x12c: {  	v11 =	vmin.f32 v11, $4.095000000e+03;
	v32 =	vadd.f32 v6, v38;
	v25 =	vcvt.f32.s32 v13;
	v20 =	vld [tilespmem:s26+$0x2000]  }
0x12d: {  	v23 =	vadd.f32 v29, v23;
	v13 =	vadd.f32 v24, v10;
	v24 =	vld.idx.msk [tilespmem:v26+s20+$0x0], $0xffff;
	v26 =	vtrunc.f32 v11  }
0x12e: {  	v15 =	vadd.f32 v18, v15;
	v11 =	vadd.f32 v2, v32;
	v29 =	vmul.f32 $1.280000000e+02, v8;
	v32 =	vld [tilespmem:s26+$0x6070]  }
0x12f: {  	v18 =	vmul.f32 $1.280000000e+02, v14;
	v14 =	vadd.f32 v37, v23;
	v10 =	vmul.f32 v34, v16;
	v28 =	vld.idx.msk [tilespmem:v28+s20+$0x0], $0xffff  }
0x130: {  	v19 =	vadd.f32 v22, v19;
	v12 =	vmul.f32 v22, v12;
	v23 =	vadd.f32 $2.048500000e+03, v29;
	v37 =	vld.idx.msk [tilespmem:v27+s20+$0x0], $0xffff  }
0x131: {  	v17 =	vadd.f32 v39, v17;
	v22 =	vmul.f32 $1.280000000e+02, v33;
	v27 =	vmul.f32 $1.280000000e+02, v5  }
0x132: {  	v15 =	vadd.f32 v30, v15;
	v26 =	vcvt.f32.s32 v26;
	v23 =	vmax.f32 v23, $0.0e+00;
	v29 =	vld.idx.msk [tilespmem:v25+s20+$0x0], $0xffff  }
0x133: {  	v38 =	vmul.f32 $1.280000000e+02, v7;
	v22 =	vadd.f32 $2.048500000e+03, v22;
	v19 =	vadd.f32 v24, v19  }
0x134: {  	v18 =	vadd.f32 $2.048500000e+03, v18;
	v27 =	vadd.f32 $2.048500000e+03, v27;
	v23 =	vmin.f32 v23, $4.095000000e+03  }
0x135: {  	v15 =	vadd.f32 v3, v15;
	v17 =	vadd.f32 v12, v17;
	v39 =	vtrunc.f32 v23  }
0x136: {  	v18 =	vmax.f32 v18, $0.0e+00;
	v24 =	vmul.f32 v24, v1;
	v1 =	vmovc v34;
	v12 =	vmax.f32 v22, $0.0e+00  }
0x137: {  	v34 =	vmul.f32 $1.280000000e+02, v16;
	v12 =	vmin.f32 v12, $4.095000000e+03;
	v40 =	vmul.f32 v28, v6;
	v6 =	vmovc v32;
	v16 =	vld [tilespmem:s26+$0x2060]  }
0x138: {  	v25 =	vtrunc.f32 v12;
	v31 =	vadd.f32 v29, v31;
	v32 =	vmul.f32 v29, v9;
	v22 =	vld.idx.msk [tilespmem:v26+s20+$0x0], $0xffff  }
0x139: {  	v17 =	vadd.f32 v24, v17;
	v19 =	vadd.f32 v28, v19;
	v23 =	vmul.f32 v37, v30;
	v12 =	vld [tilespmem:s26+$0x6030]  }
.Ltmp2:
0x13a: {  	v18 =	vmin.f32 v18, $4.095000000e+03;
	v29 =	vcvt.f32.s32 v39;
	v28 =	vadd.f32 v32, v36;
	v9 =	vld [tilespmem:s26+$0x6000];
	(pc) =	sbr.rel @p0 .LBB2_6-.Ltmp2, $4  }
0x13b: {  	v24 =	vtrunc.f32 v18;
	v30 =	vadd.f32 $2.048500000e+03, v34;
	v31 =	vadd.f32 v21, v31;
	v18 =	vld [tilespmem:s26+$0x6020]  }
0x13c: {  	v27 =	vmax.f32 v27, $0.0e+00;
	v17 =	vadd.f32 v40, v17;
	v26 =	vcvt.f32.s32 v24  }
0x13d: {  	v21 =	vmax.f32 v30, $0.0e+00;
	v30 =	vadd.f32 v35, v28;
	v24 =	vmul.f32 $1.280000000e+02, v16  }
0x13e: {  	s29 =	sadd.s32 $0x80, s29;
	s28 =	sadd.s32 $0x20, s28;
	s31 =	smov.u32 s30;
	v32 =	vadd.f32 $2.048500000e+03, v38;
	v31 =	vadd.f32 v37, v31;
	v28 =	vmul.f32 v12, v33  }
0x13f: {  	v33 =	vmul.f32 $1.280000000e+02, v20  }
0x140: {  	v21 =	vmin.f32 v21, $4.095000000e+03;
	v25 =	vcvt.f32.s32 v25;
	v24 =	vadd.f32 $2.048500000e+03, v24  }
0x141: {  	v27 =	vmin.f32 v27, $4.095000000e+03;
	v32 =	vmax.f32 v32, $0.0e+00;
	v21 =	vtrunc.f32 v21  }
0x142: {  	v27 =	vtrunc.f32 v27;
	v32 =	vmin.f32 v32, $4.095000000e+03;
	v33 =	vadd.f32 $2.048500000e+03, v33  }
0x143: {  	v21 =	vcvt.f32.s32 v21;
	v24 =	vmax.f32 v24, $0.0e+00;
	v27 =	vcvt.f32.s32 v27  }
0x144: {  	v34 =	vld [tilespmem:s26+$0x6060];
	v32 =	vtrunc.f32 v32;
	v24 =	vmin.f32 v24, $4.095000000e+03;
	v33 =	vmax.f32 v33, $0.0e+00  }
0x145: {  	v29 =	vld.idx.msk [tilespmem:v29+s20+$0x0], $0xffff;
	v32 =	vcvt.f32.s32 v32;
	v24 =	vtrunc.f32 v24;
	v33 =	vmin.f32 v33, $4.095000000e+03  }
0x146: {  	v35 =	vld [tilespmem:s26+$0x6040];
	v24 =	vcvt.f32.s32 v24;
	v33 =	vtrunc.f32 v33  }
0x147: {  	v26 =	vld.idx.msk [tilespmem:v26+s20+$0x0], $0xffff;
	v33 =	vcvt.f32.s32 v33  }
0x148: {  	v25 =	vld.idx.msk [tilespmem:v25+s20+$0x0], $0xffff  }
0x149: {  	v21 =	vld.idx.msk [tilespmem:v21+s20+$0x0], $0xffff  }
0x14a: {  	v27 =	vld.idx.msk [tilespmem:v27+s20+$0x0], $0xffff  }
0x14b: {  	v32 =	vld.idx.msk [tilespmem:v32+s20+$0x0], $0xffff  }
0x14c: {  	v24 =	vld.idx.msk [tilespmem:v24+s20+$0x0], $0xffff  }
0x14d: {  	v33 =	vld.idx.msk [tilespmem:v33+s20+$0x0], $0xffff;
	_ =	swait.ge [sflag:s16], $0x2000  }
0x14e: {  	[sflag:s16] =	ssyncset.done $0x0  }
0x14f: {  	[sflag:s16] =	ssyncadd.s32 $0xFFFFE000  }
0x150: {  	v20 =	vmul.f32 v9, v20;
	v4 =	vadd.f32 v4, v14;
	_ =	swait.ge [sflag:s17], $0x2000  }
0x151: {  	v23 =	vadd.f32 v23, v30;
	v13 =	vadd.f32 v28, v13;
	[sflag:s17] =	ssyncset.done $0x0  }
0x152: {  	v11 =	vadd.f32 v12, v11;
	s0 =	simm.s32 $0x0;
	v8 =	vmul.f32 v18, v8;
	v4 =	vadd.f32 v20, v4;
	[sflag:s17] =	ssyncadd.s32 $0xFFFFE000  }
0x153: {  	v7 =	vmul.f32 v6, v7;
	v30 =	vadd.f32 v22, v31;
	v10 =	vadd.f32 v10, v13;
	[tilespmem:s18], [sflag:$0x2] =	stream.linear.gather [hbm4b:s9+s0], $0x2000, $0x38;
	[tilespmem:$0x9080] =	vst v63  }
0x154: {  	s1 =	sand.u32 $0x1000, s0;
	s30 =	sand.u32 $0xC00, s0;
	v11 =	vadd.f32 v1, v11;
	v4 =	vadd.f32 v8, v4  }
0x155: {  	v7 =	vadd.f32 v7, v10;
	v10 =	vadd.f32 v9, v15;
	v5 =	vmul.f32 v35, v5;
	[tilespmem:s19], [sflag:$0x4] =	stream.linear.gather [hbm4b:s10+s0], $0x2000, $0x38;
	[tilespmem:$0x9080] =	vst v63  }
0x156: {  	s1 =	sor.u32 s30, s1;
	v8 =	vadd.f32 v6, v11;
	v13 =	vadd.f32 v26, v19;
	v2 =	vmul.f32 v26, v2;
	s0 =	sand.u32 $0x380, s0  }
0x157: {  	v3 =	vmul.f32 v22, v3;
	v10 =	vadd.f32 v18, v10;
	v4 =	vadd.f32 v5, v4;
	s26 =	sor.u32 s0, s1  }
0x158: {  	v2 =	vadd.f32 v2, v17;
	v5 =	vadd.f32 v25, v13;
	v11 =	vmul.f32 v25, v12;
	v13 =	vld [tilespmem:s26+$0x4010]  }
0x159: {  	v3 =	vadd.f32 v3, v23;
	v10 =	vadd.f32 v35, v10;
	v15 =	vld [tilespmem:s26+$0x20]  }
0x15a: {  	v12 =	vmul.f32 v29, v18;
	v2 =	vadd.f32 v11, v2;
	v9 =	vmul.f32 v33, v9;
	v11 =	vld [tilespmem:s26+$0x10]  }
0x15b: {  	v10 =	vadd.f32 v34, v10;
	v1 =	vmul.f32 v21, v1;
	v14 =	vadd.f32 v33, v30;
	v19 =	vld [tilespmem:s26+$0x40]  }
0x15c: {  	v5 =	vadd.f32 v21, v5;
	v17 =	vmul.f32 v27, v35;
	v3 =	vadd.f32 v9, v3;
	v20 =	vld [tilespmem:s26+$0x70]  }
0x15d: {  	v1 =	vadd.f32 v1, v2;
	v9 =	vmul.f32 v32, v6;
	v14 =	vadd.f32 v29, v14;
	v22 =	vld [tilespmem:s26+$0x60]  }
0x15e: {  	v5 =	vadd.f32 v32, v5;
	v2 =	vadd.f32 v12, v3;
	v3 =	vmul.f32 v34, v16;
	v6 =	vld [tilespmem:s26+$0x4050]  }
0x15f: {  	v12 =	vadd.f32 v27, v14;
	v16 =	vadd.f32 v9, v1;
	v14 =	vld [tilespmem:s26+$0x30];
	v9 =	vmul.f32 $1.280000000e+02, v15  }
0x160: {  	v1 =	vadd.f32 v17, v2;
	v2 =	vld [tilespmem:s26+$0x50];
	v17 =	vmul.f32 v24, v34;
	v4 =	vadd.f32 v3, v4  }
0x161: {  	v18 =	vmul.f32 v13, v11;
	v21 =	vmul.f32 $1.280000000e+02, v19;
	v3 =	vadd.f32 $2.048500000e+03, v9  }
0x162: {  	v12 =	vadd.f32 v24, v12;
	v24 =	vld [tilespmem:s26+$0x4030];
	v23 =	vmul.f32 $1.280000000e+02, v20;
	v29 =	vmul.f32 $1.280000000e+02, v22  }
0x163: {  	v9 =	vadd.f32 v17, v1;
	v1 =	vadd.f32 v18, v7;
	v3 =	vmax.f32 v3, $0.0e+00  }
0x164: {  	v7 =	vmul.f32 $1.280000000e+02, v11;
	v11 =	vmul.f32 $1.280000000e+02, v14;
	v3 =	vmin.f32 v3, $4.095000000e+03  }
0x165: {  	v8 =	vadd.f32 v13, v8;
	v18 =	vmul.f32 v6, v2;
	v3 =	vtrunc.f32 v3  }
0x166: {  	v2 =	vmul.f32 $1.280000000e+02, v2;
	v7 =	vadd.f32 $2.048500000e+03, v7;
	v25 =	vcvt.f32.s32 v3  }
0x167: {  	v26 =	vld [tilespmem:s26+$0x4000];
	v23 =	vadd.f32 $2.048500000e+03, v23;
	v14 =	vmul.f32 v24, v14;
	v11 =	vadd.f32 $2.048500000e+03, v11  }
0x168: {  	v17 =	vld [tilespmem:s26+$0x0];
	v8 =	vadd.f32 v24, v8;
	v2 =	vadd.f32 $2.048500000e+03, v2;
	v7 =	vmax.f32 v7, $0.0e+00  }
0x169: {  	v28 =	vld [tilespmem:s26+$0x4070];
	v23 =	vmax.f32 v23, $0.0e+00;
	v3 =	vmax.f32 v11, $0.0e+00;
	v7 =	vmin.f32 v7, $4.095000000e+03  }
0x16a: {  	s30 =	simm.s32 $0x80;
	s0 =	simm.s32 $0x400;
	v11 =	vadd.f32 $2.048500000e+03, v21;
	v21 =	vld [tilespmem:s26+$0x4020];
	v3 =	vmin.f32 v3, $4.095000000e+03;
	v7 =	vtrunc.f32 v7  }
0x16b: {  	s28 =	simm.s32 $0x20;
	s1 =	sand.u32 $0x1000, s30;
	s0 =	sand.u32 $0xC00, s0;
	v23 =	vmin.f32 v23, $4.095000000e+03;
	v27 =	vtrunc.f32 v3;
	v7 =	vcvt.f32.s32 v7;
	v3 =	vld [tilespmem:s26+$0x4060]  }
0x16c: {  	s30 =	sand.u32 $0x380, s28;
	s0 =	sor.u32 s0, s1;
	v1 =	vadd.f32 v14, v1;
	v2 =	vmax.f32 v2, $0.0e+00;
	v14 =	vtrunc.f32 v23;
	v31 =	vld.idx.msk [tilespmem:v25+s20+$0x0], $0xffff  }
0x16d: {  	v30 =	vmul.f32 $1.280000000e+02, v17;
	v2 =	vmin.f32 v2, $4.095000000e+03;
	v25 =	vcvt.f32.s32 v27;
	v27 =	vld [tilespmem:s26+$0x4040];
	s26 =	sor.u32 s30, s0  }
0x16e: {  	v56 =	vadd.f32 v6, v8;
	v17 =	vmul.f32 v26, v17;
	v23 =	vtrunc.f32 v2;
	v2 =	vld [tilespmem:s26+$0x4010]  }
0x16f: {  	v54 =	vcvt.f32.s32 v14;
	v14 =	vmul.f32 v28, v20;
	v11 =	vmax.f32 v11, $0.0e+00;
	v20 =	vld [tilespmem:s26+$0x10]  }
0x170: {  	v10 =	vadd.f32 v26, v10;
	v18 =	vadd.f32 v18, v1;
	v11 =	vmin.f32 v11, $4.095000000e+03;
	v8 =	vld [tilespmem:s26+$0x20]  }
0x171: {  	v34 =	vadd.f32 v28, v56;
	v17 =	vadd.f32 v17, v4;
	v11 =	vtrunc.f32 v11;
	v7 =	vld.idx.msk [tilespmem:v7+s20+$0x0], $0xffff  }
0x172: {  	v15 =	vmul.f32 v21, v15;
	v4 =	vmul.f32 v3, v22;
	v1 =	vld [tilespmem:s26+$0x4050];
	v22 =	vadd.f32 $2.048500000e+03, v30  }
0x173: {  	v14 =	vadd.f32 v14, v18;
	v30 =	vcvt.f32.s32 v11;
	v11 =	vcvt.f32.s32 v23;
	v23 =	vld [tilespmem:s26+$0x50]  }
0x174: {  	v18 =	vmax.f32 v22, $0.0e+00;
	v55 =	vmul.f32 v31, v21;
	v19 =	vmul.f32 v27, v19  }
0x175: {  	v57 =	vld [tilespmem:s26+$0x30];
	v18 =	vmin.f32 v18, $4.095000000e+03;
	v36 =	vmul.f32 v2, v20;
	v58 =	vmul.f32 $1.280000000e+02, v8  }
0x176: {  	v21 =	vadd.f32 v21, v10;
	v25 =	vld.idx.msk [tilespmem:v25+s20+$0x0], $0xffff;
	v20 =	vmul.f32 $1.280000000e+02, v20;
	v22 =	vmul.f32 v7, v13  }
0x177: {  	v13 =	vadd.f32 $2.048500000e+03, v29;
	v29 =	vadd.f32 v7, v5;
	v7 =	vtrunc.f32 v18;
	v5 =	vld [tilespmem:s26+$0x40]  }
0x178: {  	v10 =	vmul.f32 v1, v23;
	v21 =	vadd.f32 v27, v21;
	v18 =	vcvt.f32.s32 v7;
	v7 =	vld [tilespmem:s26+$0x70]  }
0x179: {  	v20 =	vadd.f32 $2.048500000e+03, v20;
	v13 =	vmax.f32 v13, $0.0e+00;
	v16 =	vadd.f32 v22, v16;
	v22 =	vld.idx.msk [tilespmem:v54+s20+$0x0], $0xffff  }
0x17a: {  	v37 =	vmin.f32 v13, $4.095000000e+03;
	v13 =	vadd.f32 v36, v14;
	v14 =	vadd.f32 v15, v17;
	v17 =	vld.idx.msk [tilespmem:v11+s20+$0x0], $0xffff  }
0x17b: {  	v15 =	vtrunc.f32 v37;
	v29 =	vadd.f32 v25, v29;
	v24 =	vmul.f32 v25, v24  }
0x17c: {  	v25 =	vmul.f32 $1.280000000e+02, v57;
	v14 =	vadd.f32 v19, v14;
	v19 =	vadd.f32 $2.048500000e+03, v58  }
0x17d: {  	v11 =	vadd.f32 v2, v34;
	v59 =	vmul.f32 $1.280000000e+02, v5;
	v60 =	vcvt.f32.s32 v15  }
0x17e: {  	v25 =	vadd.f32 $2.048500000e+03, v25;
	v61 =	vmul.f32 $1.280000000e+02, v7;
	v19 =	vmax.f32 v19, $0.0e+00;
	v18 =	vld.idx.msk [tilespmem:v18+s20+$0x0], $0xffff  }
0x17f: {  	v62 =	vld.idx.msk [tilespmem:v30+s20+$0x0], $0xffff;
	v30 =	vadd.f32 $2.048500000e+03, v59;
	v28 =	vmul.f32 v22, v28;
	v29 =	vadd.f32 v17, v29  }
0x180: {  	v15 =	vmin.f32 v19, $4.095000000e+03;
	v19 =	vadd.f32 v24, v16;
	v6 =	vmul.f32 v17, v6  }
0x181: {  	v16 =	vmax.f32 v25, $0.0e+00;
	v24 =	vmul.f32 $1.280000000e+02, v23;
	v63 =	vtrunc.f32 v15  }
0x182: {  	v15 =	vadd.f32 v3, v21;
	v21 =	vmax.f32 v20, $0.0e+00;
	v17 =	vmin.f32 v16, $4.095000000e+03  }
0x183: {  	v16 =	vld [tilespmem:s26+$0x60];
	v25 =	vtrunc.f32 v17;
	v17 =	vadd.f32 v18, v12;
	v18 =	vmul.f32 v18, v26  }
0x184: {  	v23 =	vmul.f32 v62, v27;
	v38 =	vadd.f32 v6, v19;
	v21 =	vmin.f32 v21, $4.095000000e+03;
	v12 =	vld [tilespmem:s26+$0x4030]  }
0x185: {  	v20 =	vld [tilespmem:s26+$0x0];
	v19 =	vadd.f32 v22, v29;
	v18 =	vadd.f32 v18, v9;
	v9 =	vtrunc.f32 v21  }
0x186: {  	v29 =	vcvt.f32.s32 v63;
	v21 =	vadd.f32 $2.048500000e+03, v24;
	v26 =	vcvt.f32.s32 v9;
	v9 =	vld [tilespmem:s26+$0x4000]  }
0x187: {  	v27 =	vmax.f32 v30, $0.0e+00;
	v31 =	vadd.f32 v31, v17;
	v30 =	vadd.f32 v55, v18;
	v18 =	vld [tilespmem:s26+$0x4020]  }
0x188: {  	v32 =	vadd.f32 $2.048500000e+03, v61;
	v22 =	vld.idx.msk [tilespmem:v60+s20+$0x0], $0xffff;
	v17 =	vadd.f32 v28, v38;
	v24 =	vmul.f32 $1.280000000e+02, v16  }
0x189: {  	s31 =	simm.s32 $0x800;
	s29 =	simm.s32 $0x100;
	s28 =	simm.s32 $0x40;
	v6 =	vld [tilespmem:s26+$0x4070];
	v21 =	vmax.f32 v21, $0.0e+00;
	v31 =	vadd.f32 v62, v31;
	v28 =	vmul.f32 v12, v57  }
.LBB2_8:
0x18a: {  	s30 =	smov.u32 s31  }
0x18b: {  	s0 =	sand.u32 $0x1000, s29;
	s1 =	sand.u32 $0xC00, s31;
	v33 =	vmul.f32 $1.280000000e+02, v20;
	v20 =	vmul.f32 v9, v20;
	v34 =	vmin.f32 v21, $4.095000000e+03;
	v35 =	vld [tilespmem:s26+$0x4060];
	s30 =	sadd.s32 $0x400, s31  }
0x18c: {  	p0 =	sne.s32 s31, $0xFC00;
	v23 =	vadd.f32 v23, v30;
	s0 =	sor.u32 s1, s0;
	s1 =	sand.u32 $0x380, s28;
	v21 =	vld.idx.msk [tilespmem:v29+s20+$0x0], $0xffff;
	v29 =	vmul.f32 v18, v8;
	v8 =	vmax.f32 v32, $0.0e+00  }
0x18d: {  	v25 =	vcvt.f32.s32 v25;
	v31 =	vadd.f32 v22, v31;
	v30 =	vld [tilespmem:s26+$0x4040];
	s26 =	sor.u32 s1, s0;
	v8 =	vmin.f32 v8, $4.095000000e+03  }
0x18e: {  	v37 =	vmul.f32 v22, v3;
	v13 =	vadd.f32 v28, v13;
	v32 =	vld [tilespmem:s26+$0x4010];
	v8 =	vtrunc.f32 v8  }
0x18f: {  	v4 =	vadd.f32 v4, v14;
	v22 =	vld.idx.msk [tilespmem:v26+s20+$0x0], $0xffff;
	v26 =	vtrunc.f32 v34;
	v28 =	vcvt.f32.s32 v8  }
0x190: {  	v36 =	vadd.f32 v37, v23;
	v8 =	vadd.f32 v12, v11;
	v11 =	vmul.f32 v6, v7;
	v3 =	vmovc v35;
	v34 =	vld [tilespmem:s26+$0x4050]  }
0x191: {  	v23 =	vadd.f32 v20, v4;
	v7 =	vmin.f32 v27, $4.095000000e+03;
	v4 =	vmul.f32 v3, v16;
	v14 =	vld [tilespmem:s26+$0x10]  }
0x192: {  	v10 =	vadd.f32 v10, v13;
	v20 =	vtrunc.f32 v7;
	v35 =	vmul.f32 v21, v18;
	v16 =	vld [tilespmem:s26+$0x50]  }
0x193: {  	v13 =	vadd.f32 $2.048500000e+03, v33;
	v26 =	vcvt.f32.s32 v26;
	v27 =	vcvt.f32.s32 v20;
	v7 =	vld [tilespmem:s26+$0x70]  }
0x194: {  	v38 =	vadd.f32 v1, v8;
	v10 =	vadd.f32 v11, v10;
	v37 =	vmul.f32 v30, v5;
	v33 =	vld [tilespmem:s26+$0x30]  }
0x195: {  	v11 =	vadd.f32 $2.048500000e+03, v24;
	v5 =	vmax.f32 v13, $0.0e+00;
	v39 =	vmul.f32 v22, v2;
	v2 =	vmovc v32;
	v8 =	vld [tilespmem:s26+$0x20]  }
0x196: {  	v15 =	vadd.f32 v9, v15;
	v13 =	vmin.f32 v5, $4.095000000e+03;
	v19 =	vadd.f32 v22, v19;
	v22 =	vld.idx.msk [tilespmem:v25+s20+$0x0], $0xffff  }
0x197: {  	v11 =	vmax.f32 v11, $0.0e+00;
	v13 =	vtrunc.f32 v13;
	v24 =	vmul.f32 v2, v14;
	v5 =	vld [tilespmem:s26+$0x40]  }
0x198: {  	v11 =	vmin.f32 v11, $4.095000000e+03;
	v32 =	vadd.f32 v6, v38;
	v25 =	vcvt.f32.s32 v13;
	v20 =	vld [tilespmem:s26+$0x0]  }
0x199: {  	v23 =	vadd.f32 v29, v23;
	v13 =	vadd.f32 v24, v10;
	v24 =	vld.idx.msk [tilespmem:v26+s20+$0x0], $0xffff;
	v26 =	vtrunc.f32 v11  }
0x19a: {  	v15 =	vadd.f32 v18, v15;
	v11 =	vadd.f32 v2, v32;
	v29 =	vmul.f32 $1.280000000e+02, v8;
	v32 =	vld [tilespmem:s26+$0x4070]  }
0x19b: {  	v18 =	vmul.f32 $1.280000000e+02, v14;
	v14 =	vadd.f32 v37, v23;
	v10 =	vmul.f32 v34, v16;
	v28 =	vld.idx.msk [tilespmem:v28+s20+$0x0], $0xffff  }
0x19c: {  	v19 =	vadd.f32 v22, v19;
	v12 =	vmul.f32 v22, v12;
	v23 =	vadd.f32 $2.048500000e+03, v29;
	v37 =	vld.idx.msk [tilespmem:v27+s20+$0x0], $0xffff  }
0x19d: {  	v17 =	vadd.f32 v39, v17;
	v22 =	vmul.f32 $1.280000000e+02, v33;
	v27 =	vmul.f32 $1.280000000e+02, v5  }
0x19e: {  	v15 =	vadd.f32 v30, v15;
	v26 =	vcvt.f32.s32 v26;
	v23 =	vmax.f32 v23, $0.0e+00;
	v29 =	vld.idx.msk [tilespmem:v25+s20+$0x0], $0xffff  }
0x19f: {  	v38 =	vmul.f32 $1.280000000e+02, v7;
	v22 =	vadd.f32 $2.048500000e+03, v22;
	v19 =	vadd.f32 v24, v19  }
0x1a0: {  	v18 =	vadd.f32 $2.048500000e+03, v18;
	v27 =	vadd.f32 $2.048500000e+03, v27;
	v23 =	vmin.f32 v23, $4.095000000e+03  }
0x1a1: {  	v15 =	vadd.f32 v3, v15;
	v17 =	vadd.f32 v12, v17;
	v39 =	vtrunc.f32 v23  }
0x1a2: {  	v18 =	vmax.f32 v18, $0.0e+00;
	v24 =	vmul.f32 v24, v1;
	v1 =	vmovc v34;
	v12 =	vmax.f32 v22, $0.0e+00  }
0x1a3: {  	v34 =	vmul.f32 $1.280000000e+02, v16;
	v12 =	vmin.f32 v12, $4.095000000e+03;
	v40 =	vmul.f32 v28, v6;
	v6 =	vmovc v32;
	v16 =	vld [tilespmem:s26+$0x60]  }
0x1a4: {  	v25 =	vtrunc.f32 v12;
	v31 =	vadd.f32 v29, v31;
	v32 =	vmul.f32 v29, v9;
	v22 =	vld.idx.msk [tilespmem:v26+s20+$0x0], $0xffff  }
0x1a5: {  	v17 =	vadd.f32 v24, v17;
	v19 =	vadd.f32 v28, v19;
	v23 =	vmul.f32 v37, v30;
	v12 =	vld [tilespmem:s26+$0x4030]  }
.Ltmp3:
0x1a6: {  	v18 =	vmin.f32 v18, $4.095000000e+03;
	v29 =	vcvt.f32.s32 v39;
	v28 =	vadd.f32 v32, v36;
	v9 =	vld [tilespmem:s26+$0x4000];
	(pc) =	sbr.rel @p0 .LBB2_8-.Ltmp3, $4  }
0x1a7: {  	v24 =	vtrunc.f32 v18;
	v30 =	vadd.f32 $2.048500000e+03, v34;
	v31 =	vadd.f32 v21, v31;
	v18 =	vld [tilespmem:s26+$0x4020]  }
0x1a8: {  	v27 =	vmax.f32 v27, $0.0e+00;
	v17 =	vadd.f32 v40, v17;
	v26 =	vcvt.f32.s32 v24  }
0x1a9: {  	v21 =	vmax.f32 v30, $0.0e+00;
	v30 =	vadd.f32 v35, v28;
	v24 =	vmul.f32 $1.280000000e+02, v16  }
0x1aa: {  	s29 =	sadd.s32 $0x80, s29;
	s28 =	sadd.s32 $0x20, s28;
	s31 =	smov.u32 s30;
	v32 =	vadd.f32 $2.048500000e+03, v38;
	v31 =	vadd.f32 v37, v31;
	v28 =	vmul.f32 v12, v33  }
0x1ab: {  	v33 =	vmul.f32 $1.280000000e+02, v20  }
0x1ac: {  	v21 =	vmin.f32 v21, $4.095000000e+03;
	v25 =	vcvt.f32.s32 v25;
	v24 =	vadd.f32 $2.048500000e+03, v24  }
0x1ad: {  	v27 =	vmin.f32 v27, $4.095000000e+03;
	v32 =	vmax.f32 v32, $0.0e+00;
	v21 =	vtrunc.f32 v21  }
0x1ae: {  	v27 =	vtrunc.f32 v27;
	v32 =	vmin.f32 v32, $4.095000000e+03;
	v33 =	vadd.f32 $2.048500000e+03, v33  }
0x1af: {  	v21 =	vcvt.f32.s32 v21;
	v24 =	vmax.f32 v24, $0.0e+00;
	v27 =	vcvt.f32.s32 v27  }
0x1b0: {  	v34 =	vld [tilespmem:s26+$0x4060];
	v32 =	vtrunc.f32 v32;
	v24 =	vmin.f32 v24, $4.095000000e+03;
	v33 =	vmax.f32 v33, $0.0e+00  }
0x1b1: {  	v29 =	vld.idx.msk [tilespmem:v29+s20+$0x0], $0xffff;
	v32 =	vcvt.f32.s32 v32;
	v24 =	vtrunc.f32 v24;
	v33 =	vmin.f32 v33, $4.095000000e+03  }
0x1b2: {  	v35 =	vld [tilespmem:s26+$0x4040];
	v24 =	vcvt.f32.s32 v24;
	v33 =	vtrunc.f32 v33  }
0x1b3: {  	v26 =	vld.idx.msk [tilespmem:v26+s20+$0x0], $0xffff;
	v33 =	vcvt.f32.s32 v33  }
0x1b4: {  	v25 =	vld.idx.msk [tilespmem:v25+s20+$0x0], $0xffff  }
0x1b5: {  	v21 =	vld.idx.msk [tilespmem:v21+s20+$0x0], $0xffff  }
0x1b6: {  	v27 =	vld.idx.msk [tilespmem:v27+s20+$0x0], $0xffff  }
0x1b7: {  	v32 =	vld.idx.msk [tilespmem:v32+s20+$0x0], $0xffff  }
0x1b8: {  	v24 =	vld.idx.msk [tilespmem:v24+s20+$0x0], $0xffff  }
0x1b9: {  	v33 =	vld.idx.msk [tilespmem:v33+s20+$0x0], $0xffff;
	_ =	swait.ge [sflag:s21], $0x2000  }
0x1ba: {  	[sflag:s21] =	ssyncset.done $0x0  }
0x1bb: {  	[sflag:s21] =	ssyncadd.s32 $0xFFFFE000  }
0x1bc: {  	v23 =	vadd.f32 v23, v30;
	v3 =	vmul.f32 v22, v3;
	v13 =	vadd.f32 v28, v13;
	_ =	swait.ge [sflag:s22], $0x2000  }
0x1bd: {  	v20 =	vmul.f32 v9, v20;
	v4 =	vadd.f32 v4, v14;
	v11 =	vadd.f32 v12, v11;
	[sflag:s22] =	ssyncset.done $0x0  }
0x1be: {  	s0 =	simm.s32 $0x0;
	v7 =	vmul.f32 v6, v7;
	v30 =	vadd.f32 v22, v31;
	v10 =	vadd.f32 v10, v13;
	[sflag:s22] =	ssyncadd.s32 $0xFFFFE000  }
0x1bf: {  	v8 =	vmul.f32 v18, v8;
	v3 =	vadd.f32 v3, v23;
	v4 =	vadd.f32 v20, v4;
	[tilespmem:s0], [sflag:$0x1] =	stream.linear.gather [hbm4b:s11+s0], $0x2000, $0x38;
	[tilespmem:$0x9080] =	vst v63  }
0x1c0: {  	s1 =	sand.u32 $0x1000, s0;
	s30 =	sand.u32 $0xC00, s0;
	v7 =	vadd.f32 v7, v10;
	v10 =	vadd.f32 v9, v15  }
0x1c1: {  	v4 =	vadd.f32 v8, v4;
	v5 =	vmul.f32 v35, v5;
	v13 =	vadd.f32 v26, v19;
	[tilespmem:s15], [sflag:$0x3] =	stream.linear.gather [hbm4b:s12+s0], $0x2000, $0x38;
	[tilespmem:$0x9080] =	vst v63  }
0x1c2: {  	v11 =	vadd.f32 v1, v11;
	s1 =	sor.u32 s30, s1;
	v2 =	vmul.f32 v26, v2;
	v10 =	vadd.f32 v18, v10;
	s0 =	sand.u32 $0x380, s0  }
0x1c3: {  	v4 =	vadd.f32 v5, v4;
	v5 =	vadd.f32 v25, v13;
	s26 =	sor.u32 s0, s1  }
0x1c4: {  	v8 =	vadd.f32 v6, v11;
	v2 =	vadd.f32 v2, v17;
	v11 =	vmul.f32 v25, v12;
	v12 =	vld [tilespmem:s26+$0x6010]  }
0x1c5: {  	v10 =	vadd.f32 v35, v10;
	v5 =	vadd.f32 v21, v5;
	v9 =	vmul.f32 v33, v9;
	v15 =	vld [tilespmem:s26+$0x2020]  }
0x1c6: {  	v2 =	vadd.f32 v11, v2;
	v14 =	vadd.f32 v33, v30;
	v17 =	vld [tilespmem:s26+$0x2010]  }
0x1c7: {  	v1 =	vmul.f32 v21, v1;
	v3 =	vadd.f32 v9, v3;
	v9 =	vmul.f32 v32, v6;
	v6 =	vld [tilespmem:s26+$0x6050]  }
0x1c8: {  	v13 =	vmul.f32 v29, v18;
	v10 =	vadd.f32 v34, v10;
	v11 =	vadd.f32 v29, v14;
	v19 =	vld [tilespmem:s26+$0x2040]  }
0x1c9: {  	v1 =	vadd.f32 v1, v2;
	v5 =	vadd.f32 v32, v5;
	v20 =	vld [tilespmem:s26+$0x2070]  }
0x1ca: {  	v14 =	vmul.f32 v27, v35;
	v2 =	vadd.f32 v13, v3;
	v11 =	vadd.f32 v27, v11;
	v13 =	vld [tilespmem:s26+$0x2030]  }
0x1cb: {  	v3 =	vmul.f32 v34, v16;
	v16 =	vadd.f32 v9, v1;
	v26 =	vld [tilespmem:s26+$0x6000];
	v9 =	vmul.f32 $1.280000000e+02, v15  }
0x1cc: {  	v1 =	vadd.f32 v14, v2;
	v2 =	vld [tilespmem:s26+$0x2050];
	v11 =	vadd.f32 v24, v11;
	v14 =	vmul.f32 v24, v34  }
0x1cd: {  	v4 =	vadd.f32 v3, v4;
	v18 =	vmul.f32 v12, v17;
	v3 =	vadd.f32 $2.048500000e+03, v9  }
0x1ce: {  	v22 =	vld [tilespmem:s26+$0x2060];
	v8 =	vadd.f32 v12, v8;
	v21 =	vmul.f32 $1.280000000e+02, v19;
	v23 =	vmul.f32 $1.280000000e+02, v20  }
0x1cf: {  	v24 =	vld [tilespmem:s26+$0x6030];
	v9 =	vadd.f32 v14, v1;
	v1 =	vadd.f32 v18, v7;
	v3 =	vmax.f32 v3, $0.0e+00  }
0x1d0: {  	v7 =	vmul.f32 $1.280000000e+02, v17;
	v14 =	vmul.f32 $1.280000000e+02, v13;
	v3 =	vmin.f32 v3, $4.095000000e+03  }
0x1d1: {  	v10 =	vadd.f32 v26, v10;
	v18 =	vmul.f32 v6, v2;
	v3 =	vtrunc.f32 v3  }
0x1d2: {  	v2 =	vmul.f32 $1.280000000e+02, v2;
	v7 =	vadd.f32 $2.048500000e+03, v7;
	v25 =	vcvt.f32.s32 v3  }
0x1d3: {  	v29 =	vmul.f32 $1.280000000e+02, v22;
	v23 =	vadd.f32 $2.048500000e+03, v23;
	v14 =	vadd.f32 $2.048500000e+03, v14  }
0x1d4: {  	v17 =	vld [tilespmem:s26+$0x2000];
	v13 =	vmul.f32 v24, v13;
	v2 =	vadd.f32 $2.048500000e+03, v2;
	v7 =	vmax.f32 v7, $0.0e+00  }
0x1d5: {  	v28 =	vld [tilespmem:s26+$0x6070];
	v23 =	vmax.f32 v23, $0.0e+00;
	v3 =	vmax.f32 v14, $0.0e+00;
	v7 =	vmin.f32 v7, $4.095000000e+03  }
0x1d6: {  	s30 =	simm.s32 $0x80;
	s0 =	simm.s32 $0x400;
	v14 =	vadd.f32 $2.048500000e+03, v21;
	v21 =	vld [tilespmem:s26+$0x6020];
	v3 =	vmin.f32 v3, $4.095000000e+03;
	v7 =	vtrunc.f32 v7  }
0x1d7: {  	s28 =	simm.s32 $0x20;
	s1 =	sand.u32 $0x1000, s30;
	s0 =	sand.u32 $0xC00, s0;
	v23 =	vmin.f32 v23, $4.095000000e+03;
	v27 =	vtrunc.f32 v3;
	v7 =	vcvt.f32.s32 v7;
	v3 =	vld [tilespmem:s26+$0x6060]  }
0x1d8: {  	s30 =	sand.u32 $0x380, s28;
	s0 =	sor.u32 s0, s1;
	v1 =	vadd.f32 v13, v1;
	v2 =	vmax.f32 v2, $0.0e+00;
	v13 =	vtrunc.f32 v23;
	v31 =	vld.idx.msk [tilespmem:v25+s20+$0x0], $0xffff  }
0x1d9: {  	v30 =	vmul.f32 $1.280000000e+02, v17;
	v2 =	vmin.f32 v2, $4.095000000e+03;
	v25 =	vcvt.f32.s32 v27;
	v27 =	vld [tilespmem:s26+$0x6040];
	s26 =	sor.u32 s30, s0  }
0x1da: {  	v8 =	vadd.f32 v24, v8;
	v17 =	vmul.f32 v26, v17;
	v23 =	vtrunc.f32 v2;
	v2 =	vld [tilespmem:s26+$0x6010]  }
0x1db: {  	v18 =	vadd.f32 v18, v1;
	v53 =	vcvt.f32.s32 v13;
	v13 =	vmul.f32 v28, v20;
	v20 =	vld [tilespmem:s26+$0x2010]  }
0x1dc: {  	v55 =	vadd.f32 v6, v8;
	v14 =	vmax.f32 v14, $0.0e+00;
	v17 =	vadd.f32 v17, v4;
	v8 =	vld [tilespmem:s26+$0x2020]  }
0x1dd: {  	v13 =	vadd.f32 v13, v18;
	v14 =	vmin.f32 v14, $4.095000000e+03;
	v15 =	vmul.f32 v21, v15;
	v7 =	vld.idx.msk [tilespmem:v7+s20+$0x0], $0xffff  }
0x1de: {  	v14 =	vtrunc.f32 v14;
	v4 =	vmul.f32 v3, v22;
	v1 =	vld [tilespmem:s26+$0x6050];
	v22 =	vadd.f32 $2.048500000e+03, v30  }
0x1df: {  	v30 =	vcvt.f32.s32 v14;
	v14 =	vcvt.f32.s32 v23;
	v23 =	vld [tilespmem:s26+$0x2050];
	v15 =	vadd.f32 v15, v17  }
0x1e0: {  	v18 =	vmax.f32 v22, $0.0e+00;
	v54 =	vmul.f32 v31, v21;
	v19 =	vmul.f32 v27, v19  }
0x1e1: {  	v18 =	vmin.f32 v18, $4.095000000e+03;
	v36 =	vmul.f32 v2, v20;
	v58 =	vmul.f32 $1.280000000e+02, v8  }
0x1e2: {  	v21 =	vadd.f32 v21, v10;
	v25 =	vld.idx.msk [tilespmem:v25+s20+$0x0], $0xffff;
	v20 =	vmul.f32 $1.280000000e+02, v20;
	v22 =	vmul.f32 v7, v12  }
0x1e3: {  	v12 =	vadd.f32 $2.048500000e+03, v29;
	v29 =	vld [tilespmem:s26+$0x2030];
	v56 =	vadd.f32 v7, v5;
	v7 =	vtrunc.f32 v18  }
0x1e4: {  	v34 =	vadd.f32 v28, v55;
	v10 =	vmul.f32 v1, v23;
	v5 =	vld [tilespmem:s26+$0x2040];
	v18 =	vcvt.f32.s32 v7  }
0x1e5: {  	v63 =	vmul.f32 $1.280000000e+02, v23;
	v57 =	vld.idx.msk [tilespmem:v14+s20+$0x0], $0xffff;
	v14 =	vadd.f32 v19, v15;
	v21 =	vadd.f32 v27, v21  }
0x1e6: {  	v13 =	vadd.f32 v36, v13;
	v15 =	vadd.f32 $2.048500000e+03, v58;
	v12 =	vmax.f32 v12, $0.0e+00  }
0x1e7: {  	v61 =	vld.idx.msk [tilespmem:v30+s20+$0x0], $0xffff;
	v20 =	vadd.f32 $2.048500000e+03, v20;
	v16 =	vadd.f32 v22, v16;
	v12 =	vmin.f32 v12, $4.095000000e+03  }
0x1e8: {  	v7 =	vld [tilespmem:s26+$0x2070];
	v15 =	vmax.f32 v15, $0.0e+00;
	v17 =	vtrunc.f32 v12;
	v12 =	vadd.f32 v2, v34  }
0x1e9: {  	v19 =	vadd.f32 v25, v56;
	v24 =	vmul.f32 v25, v24;
	v25 =	vmul.f32 $1.280000000e+02, v29  }
0x1ea: {  	v15 =	vmin.f32 v15, $4.095000000e+03;
	v59 =	vmul.f32 $1.280000000e+02, v5;
	v17 =	vcvt.f32.s32 v17;
	v18 =	vld.idx.msk [tilespmem:v18+s20+$0x0], $0xffff  }
0x1eb: {  	v22 =	vld.idx.msk [tilespmem:v53+s20+$0x0], $0xffff;
	v62 =	vtrunc.f32 v15;
	v15 =	vadd.f32 v3, v21;
	v21 =	vmax.f32 v20, $0.0e+00  }
0x1ec: {  	v6 =	vmul.f32 v57, v6;
	v23 =	vmul.f32 v61, v27;
	v25 =	vadd.f32 $2.048500000e+03, v25  }
0x1ed: {  	v60 =	vmul.f32 $1.280000000e+02, v7;
	v19 =	vadd.f32 v57, v19;
	v24 =	vadd.f32 v24, v16  }
0x1ee: {  	v21 =	vmin.f32 v21, $4.095000000e+03;
	v30 =	vadd.f32 $2.048500000e+03, v59;
	v16 =	vmax.f32 v25, $0.0e+00  }
0x1ef: {  	v20 =	vmin.f32 v16, $4.095000000e+03;
	v16 =	vld [tilespmem:s26+$0x2060];
	v38 =	vadd.f32 v18, v11;
	v18 =	vmul.f32 v18, v26  }
0x1f0: {  	v37 =	vmul.f32 v22, v28;
	v28 =	vcvt.f32.s32 v62;
	v24 =	vadd.f32 v6, v24;
	v11 =	vld [tilespmem:s26+$0x6030]  }
0x1f1: {  	v25 =	vtrunc.f32 v20;
	v20 =	vld [tilespmem:s26+$0x2000];
	v18 =	vadd.f32 v18, v9;
	v9 =	vtrunc.f32 v21  }
0x1f2: {  	v19 =	vadd.f32 v22, v19;
	v21 =	vadd.f32 $2.048500000e+03, v63;
	v26 =	vcvt.f32.s32 v9;
	v9 =	vld [tilespmem:s26+$0x6000]  }
0x1f3: {  	v27 =	vmax.f32 v30, $0.0e+00;
	v31 =	vadd.f32 v31, v38;
	v30 =	vadd.f32 v54, v18;
	v18 =	vld [tilespmem:s26+$0x6020]  }
0x1f4: {  	v32 =	vadd.f32 $2.048500000e+03, v60;
	v22 =	vld.idx.msk [tilespmem:v17+s20+$0x0], $0xffff;
	v17 =	vadd.f32 v37, v24;
	v24 =	vmul.f32 $1.280000000e+02, v16  }
0x1f5: {  	s31 =	simm.s32 $0x800;
	s29 =	simm.s32 $0x100;
	s28 =	simm.s32 $0x40;
	v6 =	vld [tilespmem:s26+$0x6070];
	v21 =	vmax.f32 v21, $0.0e+00;
	v31 =	vadd.f32 v61, v31;
	v29 =	vmul.f32 v11, v29  }
.LBB2_10:
0x1f6: {  	s30 =	smov.u32 s31  }
0x1f7: {  	s0 =	sand.u32 $0x1000, s29;
	s1 =	sand.u32 $0xC00, s31;
	v33 =	vmul.f32 $1.280000000e+02, v20;
	v20 =	vmul.f32 v9, v20;
	v34 =	vmin.f32 v21, $4.095000000e+03;
	v35 =	vld [tilespmem:s26+$0x6060];
	s30 =	sadd.s32 $0x400, s31  }
0x1f8: {  	p0 =	sne.s32 s31, $0xFC00;
	v23 =	vadd.f32 v23, v30;
	s0 =	sor.u32 s1, s0;
	s1 =	sand.u32 $0x380, s28;
	v21 =	vld.idx.msk [tilespmem:v28+s20+$0x0], $0xffff;
	v28 =	vmul.f32 v18, v8;
	v8 =	vmax.f32 v32, $0.0e+00  }
0x1f9: {  	v25 =	vcvt.f32.s32 v25;
	v31 =	vadd.f32 v22, v31;
	v30 =	vld [tilespmem:s26+$0x6040];
	s26 =	sor.u32 s1, s0;
	v8 =	vmin.f32 v8, $4.095000000e+03  }
0x1fa: {  	v37 =	vmul.f32 v22, v3;
	v13 =	vadd.f32 v29, v13;
	v32 =	vld [tilespmem:s26+$0x6010];
	v8 =	vtrunc.f32 v8  }
0x1fb: {  	v4 =	vadd.f32 v4, v14;
	v22 =	vld.idx.msk [tilespmem:v26+s20+$0x0], $0xffff;
	v26 =	vtrunc.f32 v34;
	v29 =	vcvt.f32.s32 v8  }
0x1fc: {  	v36 =	vadd.f32 v37, v23;
	v8 =	vadd.f32 v11, v12;
	v12 =	vmul.f32 v6, v7;
	v3 =	vmovc v35;
	v34 =	vld [tilespmem:s26+$0x6050]  }
0x1fd: {  	v23 =	vadd.f32 v20, v4;
	v7 =	vmin.f32 v27, $4.095000000e+03;
	v4 =	vmul.f32 v3, v16;
	v14 =	vld [tilespmem:s26+$0x2010]  }
0x1fe: {  	v10 =	vadd.f32 v10, v13;
	v20 =	vtrunc.f32 v7;
	v35 =	vmul.f32 v21, v18;
	v16 =	vld [tilespmem:s26+$0x2050]  }
0x1ff: {  	v13 =	vadd.f32 $2.048500000e+03, v33;
	v26 =	vcvt.f32.s32 v26;
	v27 =	vcvt.f32.s32 v20;
	v7 =	vld [tilespmem:s26+$0x2070]  }
0x200: {  	v38 =	vadd.f32 v1, v8;
	v10 =	vadd.f32 v12, v10;
	v37 =	vmul.f32 v30, v5;
	v33 =	vld [tilespmem:s26+$0x2030]  }
0x201: {  	v12 =	vadd.f32 $2.048500000e+03, v24;
	v5 =	vmax.f32 v13, $0.0e+00;
	v39 =	vmul.f32 v22, v2;
	v2 =	vmovc v32;
	v8 =	vld [tilespmem:s26+$0x2020]  }
0x202: {  	v15 =	vadd.f32 v9, v15;
	v13 =	vmin.f32 v5, $4.095000000e+03;
	v19 =	vadd.f32 v22, v19;
	v22 =	vld.idx.msk [tilespmem:v25+s20+$0x0], $0xffff  }
0x203: {  	v12 =	vmax.f32 v12, $0.0e+00;
	v13 =	vtrunc.f32 v13;
	v24 =	vmul.f32 v2, v14;
	v5 =	vld [tilespmem:s26+$0x2040]  }
0x204: {  	v12 =	vmin.f32 v12, $4.095000000e+03;
	v32 =	vadd.f32 v6, v38;
	v25 =	vcvt.f32.s32 v13;
	v20 =	vld [tilespmem:s26+$0x2000]  }
0x205: {  	v23 =	vadd.f32 v28, v23;
	v13 =	vadd.f32 v24, v10;
	v24 =	vld.idx.msk [tilespmem:v26+s20+$0x0], $0xffff;
	v26 =	vtrunc.f32 v12  }
0x206: {  	v15 =	vadd.f32 v18, v15;
	v12 =	vadd.f32 v2, v32;
	v28 =	vmul.f32 $1.280000000e+02, v8;
	v32 =	vld [tilespmem:s26+$0x6070]  }
0x207: {  	v18 =	vmul.f32 $1.280000000e+02, v14;
	v14 =	vadd.f32 v37, v23;
	v10 =	vmul.f32 v34, v16;
	v29 =	vld.idx.msk [tilespmem:v29+s20+$0x0], $0xffff  }
0x208: {  	v19 =	vadd.f32 v22, v19;
	v11 =	vmul.f32 v22, v11;
	v23 =	vadd.f32 $2.048500000e+03, v28;
	v37 =	vld.idx.msk [tilespmem:v27+s20+$0x0], $0xffff  }
0x209: {  	v17 =	vadd.f32 v39, v17;
	v22 =	vmul.f32 $1.280000000e+02, v33;
	v27 =	vmul.f32 $1.280000000e+02, v5  }
0x20a: {  	v15 =	vadd.f32 v30, v15;
	v26 =	vcvt.f32.s32 v26;
	v23 =	vmax.f32 v23, $0.0e+00;
	v28 =	vld.idx.msk [tilespmem:v25+s20+$0x0], $0xffff  }
0x20b: {  	v38 =	vmul.f32 $1.280000000e+02, v7;
	v22 =	vadd.f32 $2.048500000e+03, v22;
	v19 =	vadd.f32 v24, v19  }
0x20c: {  	v18 =	vadd.f32 $2.048500000e+03, v18;
	v27 =	vadd.f32 $2.048500000e+03, v27;
	v23 =	vmin.f32 v23, $4.095000000e+03  }
0x20d: {  	v15 =	vadd.f32 v3, v15;
	v17 =	vadd.f32 v11, v17;
	v39 =	vtrunc.f32 v23  }
0x20e: {  	v18 =	vmax.f32 v18, $0.0e+00;
	v24 =	vmul.f32 v24, v1;
	v1 =	vmovc v34;
	v11 =	vmax.f32 v22, $0.0e+00  }
0x20f: {  	v34 =	vmul.f32 $1.280000000e+02, v16;
	v11 =	vmin.f32 v11, $4.095000000e+03;
	v40 =	vmul.f32 v29, v6;
	v6 =	vmovc v32;
	v16 =	vld [tilespmem:s26+$0x2060]  }
0x210: {  	v25 =	vtrunc.f32 v11;
	v31 =	vadd.f32 v28, v31;
	v32 =	vmul.f32 v28, v9;
	v22 =	vld.idx.msk [tilespmem:v26+s20+$0x0], $0xffff  }
0x211: {  	v17 =	vadd.f32 v24, v17;
	v19 =	vadd.f32 v29, v19;
	v23 =	vmul.f32 v37, v30;
	v11 =	vld [tilespmem:s26+$0x6030]  }
.Ltmp4:
0x212: {  	v18 =	vmin.f32 v18, $4.095000000e+03;
	v28 =	vcvt.f32.s32 v39;
	v29 =	vadd.f32 v32, v36;
	v9 =	vld [tilespmem:s26+$0x6000];
	(pc) =	sbr.rel @p0 .LBB2_10-.Ltmp4, $4  }
0x213: {  	v24 =	vtrunc.f32 v18;
	v30 =	vadd.f32 $2.048500000e+03, v34;
	v31 =	vadd.f32 v21, v31;
	v18 =	vld [tilespmem:s26+$0x6020]  }
0x214: {  	v27 =	vmax.f32 v27, $0.0e+00;
	v17 =	vadd.f32 v40, v17;
	v26 =	vcvt.f32.s32 v24  }
0x215: {  	v21 =	vmax.f32 v30, $0.0e+00;
	v30 =	vadd.f32 v35, v29;
	v24 =	vmul.f32 $1.280000000e+02, v16  }
0x216: {  	s29 =	sadd.s32 $0x80, s29;
	s28 =	sadd.s32 $0x20, s28;
	s31 =	smov.u32 s30;
	v32 =	vadd.f32 $2.048500000e+03, v38;
	v31 =	vadd.f32 v37, v31;
	v29 =	vmul.f32 v11, v33  }
0x217: {  	v33 =	vmul.f32 $1.280000000e+02, v20  }
0x218: {  	v21 =	vmin.f32 v21, $4.095000000e+03;
	v25 =	vcvt.f32.s32 v25;
	v24 =	vadd.f32 $2.048500000e+03, v24  }
0x219: {  	v27 =	vmin.f32 v27, $4.095000000e+03;
	v32 =	vmax.f32 v32, $0.0e+00;
	v21 =	vtrunc.f32 v21  }
0x21a: {  	v27 =	vtrunc.f32 v27;
	v32 =	vmin.f32 v32, $4.095000000e+03;
	v33 =	vadd.f32 $2.048500000e+03, v33  }
0x21b: {  	v21 =	vcvt.f32.s32 v21;
	v24 =	vmax.f32 v24, $0.0e+00;
	v27 =	vcvt.f32.s32 v27  }
0x21c: {  	v34 =	vld [tilespmem:s26+$0x6060];
	v32 =	vtrunc.f32 v32;
	v24 =	vmin.f32 v24, $4.095000000e+03;
	v33 =	vmax.f32 v33, $0.0e+00  }
0x21d: {  	v28 =	vld.idx.msk [tilespmem:v28+s20+$0x0], $0xffff;
	v32 =	vcvt.f32.s32 v32;
	v24 =	vtrunc.f32 v24;
	v33 =	vmin.f32 v33, $4.095000000e+03  }
0x21e: {  	v35 =	vld [tilespmem:s26+$0x6040];
	v24 =	vcvt.f32.s32 v24;
	v33 =	vtrunc.f32 v33  }
0x21f: {  	v26 =	vld.idx.msk [tilespmem:v26+s20+$0x0], $0xffff;
	v33 =	vcvt.f32.s32 v33  }
0x220: {  	v25 =	vld.idx.msk [tilespmem:v25+s20+$0x0], $0xffff  }
0x221: {  	v21 =	vld.idx.msk [tilespmem:v21+s20+$0x0], $0xffff  }
0x222: {  	v27 =	vld.idx.msk [tilespmem:v27+s20+$0x0], $0xffff  }
0x223: {  	v23 =	vadd.f32 v23, v30;
	v32 =	vld.idx.msk [tilespmem:v32+s20+$0x0], $0xffff  }
0x224: {  	v3 =	vmul.f32 v22, v3;
	v4 =	vadd.f32 v4, v14;
	v13 =	vadd.f32 v29, v13;
	v14 =	vld.idx.msk [tilespmem:v24+s20+$0x0], $0xffff  }
0x225: {  	v20 =	vmul.f32 v9, v20;
	v12 =	vadd.f32 v11, v12;
	v30 =	vadd.f32 v22, v31;
	v22 =	vld.idx.msk [tilespmem:v33+s20+$0x0], $0xffff;
	_ =	swait.ge [sflag:s16], $0x2000  }
0x226: {  	v7 =	vmul.f32 v6, v7;
	v10 =	vadd.f32 v10, v13;
	[sflag:s16] =	ssyncset.done $0x0  }
0x227: {  	s0 =	simm.s32 $0x0;
	v8 =	vmul.f32 v18, v8;
	v4 =	vadd.f32 v20, v4;
	v12 =	vadd.f32 v1, v12;
	[sflag:s16] =	ssyncadd.s32 $0xFFFFE000  }
0x228: {  	s1 =	sand.u32 $0x1000, s0;
	s30 =	sand.u32 $0xC00, s0;
	v7 =	vadd.f32 v7, v10;
	v10 =	vadd.f32 v9, v15;
	_ =	swait.ge [sflag:s17], $0x2000  }
0x229: {  	s0 =	sand.u32 $0x380, s0;
	v3 =	vadd.f32 v3, v23;
	s1 =	sor.u32 s30, s1;
	v4 =	vadd.f32 v8, v4;
	v5 =	vmul.f32 v35, v5;
	[sflag:s17] =	ssyncset.done $0x0  }
0x22a: {  	s26 =	sor.u32 s0, s1;
	v8 =	vadd.f32 v6, v12;
	v2 =	vmul.f32 v26, v2;
	v10 =	vadd.f32 v18, v10;
	[sflag:s17] =	ssyncadd.s32 $0xFFFFE000  }
0x22b: {  	v13 =	vadd.f32 v26, v19;
	v4 =	vadd.f32 v5, v4;
	v12 =	vld [tilespmem:s26+$0x4010]  }
0x22c: {  	v2 =	vadd.f32 v2, v17;
	v10 =	vadd.f32 v35, v10;
	v11 =	vmul.f32 v25, v11;
	v17 =	vld [tilespmem:s26+$0x20]  }
0x22d: {  	v5 =	vadd.f32 v25, v13;
	v13 =	vmul.f32 v28, v18;
	v9 =	vmul.f32 v22, v9;
	v18 =	vld [tilespmem:s26+$0x10]  }
0x22e: {  	v2 =	vadd.f32 v11, v2;
	v1 =	vmul.f32 v21, v1;
	v15 =	vadd.f32 v22, v30;
	v19 =	vld [tilespmem:s26+$0x40]  }
0x22f: {  	v10 =	vadd.f32 v34, v10;
	v20 =	vld [tilespmem:s26+$0x70];
	v3 =	vadd.f32 v9, v3  }
0x230: {  	v1 =	vadd.f32 v1, v2;
	v22 =	vld [tilespmem:s26+$0x60];
	v11 =	vadd.f32 v28, v15  }
0x231: {  	v31 =	vld [tilespmem:s26+$0x4040];
	v9 =	vmul.f32 v32, v6;
	v15 =	vmul.f32 v27, v35;
	v2 =	vadd.f32 v13, v3  }
0x232: {  	v5 =	vadd.f32 v21, v5;
	v28 =	vld [tilespmem:s26+$0x4070];
	v3 =	vmul.f32 v34, v16;
	v11 =	vadd.f32 v27, v11  }
0x233: {  	v24 =	vld [tilespmem:s26+$0x4030];
	v16 =	vadd.f32 v9, v1;
	v1 =	vadd.f32 v15, v2;
	v9 =	vmul.f32 $1.280000000e+02, v17  }
0x234: {  	v13 =	vld [tilespmem:s26+$0x30];
	v11 =	vadd.f32 v14, v11;
	v14 =	vmul.f32 v14, v34;
	v15 =	vmul.f32 v12, v18  }
0x235: {  	v5 =	vadd.f32 v32, v5;
	v6 =	vld [tilespmem:s26+$0x4050];
	v21 =	vmul.f32 $1.280000000e+02, v19;
	v23 =	vmul.f32 $1.280000000e+02, v20  }
0x236: {  	v2 =	vld [tilespmem:s26+$0x50];
	v4 =	vadd.f32 v3, v4;
	v29 =	vmul.f32 $1.280000000e+02, v22;
	v19 =	vmul.f32 v31, v19  }
0x237: {  	v20 =	vmul.f32 v28, v20;
	v3 =	vadd.f32 $2.048500000e+03, v9;
	v9 =	vadd.f32 v14, v1  }
0x238: {  	v1 =	vadd.f32 v15, v7;
	v7 =	vmul.f32 $1.280000000e+02, v18;
	v23 =	vadd.f32 $2.048500000e+03, v23  }
0x239: {  	v8 =	vadd.f32 v12, v8;
	v14 =	vmul.f32 $1.280000000e+02, v13;
	v13 =	vmul.f32 v24, v13  }
0x23a: {  	v3 =	vmax.f32 v3, $0.0e+00;
	v7 =	vadd.f32 $2.048500000e+03, v7;
	v23 =	vmax.f32 v23, $0.0e+00  }
0x23b: {  	v18 =	vmul.f32 v6, v2;
	v3 =	vmin.f32 v3, $4.095000000e+03;
	v14 =	vadd.f32 $2.048500000e+03, v14  }
0x23c: {  	v15 =	vld [tilespmem:s26+$0x0];
	v2 =	vmul.f32 $1.280000000e+02, v2;
	v3 =	vtrunc.f32 v3;
	v7 =	vmax.f32 v7, $0.0e+00  }
0x23d: {  	s30 =	simm.s32 $0x80;
	s0 =	simm.s32 $0x400;
	v26 =	vld [tilespmem:s26+$0x4000];
	v25 =	vcvt.f32.s32 v3;
	v3 =	vmax.f32 v14, $0.0e+00;
	v7 =	vmin.f32 v7, $4.095000000e+03  }
0x23e: {  	s28 =	simm.s32 $0x20;
	s1 =	sand.u32 $0x1000, s30;
	s0 =	sand.u32 $0xC00, s0;
	v2 =	vadd.f32 $2.048500000e+03, v2;
	v3 =	vmin.f32 v3, $4.095000000e+03;
	v7 =	vtrunc.f32 v7  }
0x23f: {  	s30 =	sand.u32 $0x380, s28;
	s0 =	sor.u32 s0, s1;
	v23 =	vmin.f32 v23, $4.095000000e+03;
	v27 =	vtrunc.f32 v3;
	v7 =	vcvt.f32.s32 v7;
	v3 =	vld [tilespmem:s26+$0x4060]  }
0x240: {  	v1 =	vadd.f32 v13, v1;
	v14 =	vadd.f32 $2.048500000e+03, v21;
	v21 =	vld [tilespmem:s26+$0x4020];
	v2 =	vmax.f32 v2, $0.0e+00;
	s26 =	sor.u32 s30, s0  }
0x241: {  	v13 =	vtrunc.f32 v23;
	v30 =	vmul.f32 $1.280000000e+02, v15;
	v2 =	vmin.f32 v2, $4.095000000e+03;
	v58 =	vld [tilespmem:s26+$0x50]  }
0x242: {  	v10 =	vadd.f32 v26, v10;
	v15 =	vmul.f32 v26, v15;
	v23 =	vtrunc.f32 v2;
	v2 =	vld [tilespmem:s26+$0x4010]  }
0x243: {  	v18 =	vadd.f32 v18, v1;
	v14 =	vmax.f32 v14, $0.0e+00;
	v27 =	vcvt.f32.s32 v27;
	v25 =	vld.idx.msk [tilespmem:v25+s20+$0x0], $0xffff  }
0x244: {  	v15 =	vadd.f32 v15, v4;
	v30 =	vadd.f32 $2.048500000e+03, v30;
	v4 =	vmul.f32 v3, v22;
	v22 =	vld [tilespmem:s26+$0x10]  }
0x245: {  	v8 =	vadd.f32 v24, v8;
	v18 =	vadd.f32 v20, v18;
	v14 =	vmin.f32 v14, $4.095000000e+03;
	v7 =	vld.idx.msk [tilespmem:v7+s20+$0x0], $0xffff  }
0x246: {  	v14 =	vtrunc.f32 v14;
	v20 =	vmax.f32 v30, $0.0e+00;
	v17 =	vmul.f32 v21, v17  }
0x247: {  	v1 =	vld [tilespmem:s26+$0x4050];
	v57 =	vcvt.f32.s32 v14;
	v23 =	vcvt.f32.s32 v23;
	v14 =	vadd.f32 v6, v8  }
0x248: {  	v13 =	vcvt.f32.s32 v13;
	v8 =	vld [tilespmem:s26+$0x20];
	v20 =	vmin.f32 v20, $4.095000000e+03;
	v15 =	vadd.f32 v17, v15  }
0x249: {  	v37 =	vadd.f32 v28, v14;
	v34 =	vmul.f32 $1.280000000e+02, v58;
	v27 =	vld.idx.msk [tilespmem:v27+s20+$0x0], $0xffff;
	v56 =	vmul.f32 v25, v21  }
0x24a: {  	v15 =	vadd.f32 v19, v15;
	v36 =	vmul.f32 v2, v22;
	v30 =	vmul.f32 v7, v12  }
0x24b: {  	v12 =	vadd.f32 $2.048500000e+03, v29;
	v29 =	vld [tilespmem:s26+$0x30];
	v59 =	vadd.f32 v7, v5;
	v7 =	vtrunc.f32 v20  }
0x24c: {  	v21 =	vadd.f32 v21, v10;
	v22 =	vmul.f32 $1.280000000e+02, v22;
	v5 =	vld [tilespmem:s26+$0x40];
	v20 =	vcvt.f32.s32 v7  }
0x24d: {  	v10 =	vmul.f32 v1, v58;
	v14 =	vadd.f32 v36, v18;
	v18 =	vld.idx.msk [tilespmem:v23+s20+$0x0], $0xffff;
	v23 =	vmul.f32 $1.280000000e+02, v8  }
0x24e: {  	v24 =	vmul.f32 v27, v24;
	v22 =	vadd.f32 $2.048500000e+03, v22;
	v12 =	vmax.f32 v12, $0.0e+00  }
0x24f: {  	v7 =	vld [tilespmem:s26+$0x70];
	v16 =	vadd.f32 v30, v16;
	v12 =	vmin.f32 v12, $4.095000000e+03;
	v19 =	vadd.f32 $2.048500000e+03, v23  }
0x250: {  	v23 =	vadd.f32 v27, v59;
	v22 =	vmax.f32 v22, $0.0e+00;
	v17 =	vtrunc.f32 v12  }
0x251: {  	v30 =	vld.idx.msk [tilespmem:v13+s20+$0x0], $0xffff;
	v12 =	vadd.f32 v2, v37;
	v62 =	vadd.f32 v24, v16;
	v27 =	vmul.f32 $1.280000000e+02, v29  }
0x252: {  	v22 =	vmin.f32 v22, $4.095000000e+03;
	v60 =	vmul.f32 $1.280000000e+02, v5;
	v13 =	vmax.f32 v19, $0.0e+00;
	v20 =	vld.idx.msk [tilespmem:v20+s20+$0x0], $0xffff  }
0x253: {  	v33 =	vld.idx.msk [tilespmem:v57+s20+$0x0], $0xffff;
	v19 =	vadd.f32 v31, v21;
	v17 =	vcvt.f32.s32 v17;
	v21 =	vadd.f32 $2.048500000e+03, v27  }
0x254: {  	v61 =	vmul.f32 $1.280000000e+02, v7;
	v23 =	vadd.f32 v18, v23;
	v13 =	vmin.f32 v13, $4.095000000e+03  }
0x255: {  	v6 =	vmul.f32 v18, v6;
	v35 =	vadd.f32 $2.048500000e+03, v60;
	v16 =	vmax.f32 v21, $0.0e+00  }
0x256: {  	v27 =	vtrunc.f32 v13;
	v13 =	vadd.f32 v3, v19;
	v18 =	vmin.f32 v16, $4.095000000e+03  }
0x257: {  	v16 =	vld [tilespmem:s26+$0x60];
	v24 =	vtrunc.f32 v18;
	v18 =	vadd.f32 v20, v11;
	v20 =	vmul.f32 v20, v26  }
0x258: {  	v38 =	vmul.f32 v30, v28;
	v28 =	vmul.f32 v33, v31;
	v31 =	vadd.f32 v6, v62;
	v11 =	vld [tilespmem:s26+$0x4030]  }
0x259: {  	v19 =	vadd.f32 v30, v23;
	v21 =	vld [tilespmem:s26+$0x0];
	v30 =	vadd.f32 v20, v9;
	v9 =	vtrunc.f32 v22  }
0x25a: {  	v23 =	vcvt.f32.s32 v27;
	v20 =	vadd.f32 $2.048500000e+03, v34;
	v27 =	vcvt.f32.s32 v9;
	v9 =	vld [tilespmem:s26+$0x4000]  }
0x25b: {  	v32 =	vadd.f32 $2.048500000e+03, v61;
	v26 =	vmax.f32 v35, $0.0e+00;
	v63 =	vadd.f32 v25, v18;
	v18 =	vld [tilespmem:s26+$0x4020]  }
0x25c: {  	v25 =	vld.idx.msk [tilespmem:v17+s20+$0x0], $0xffff;
	v17 =	vadd.f32 v38, v31;
	v22 =	vmul.f32 $1.280000000e+02, v16;
	v20 =	vmax.f32 v20, $0.0e+00  }
0x25d: {  	s31 =	simm.s32 $0x800;
	s29 =	simm.s32 $0x100;
	s28 =	simm.s32 $0x40;
	v6 =	vld [tilespmem:s26+$0x4070];
	v30 =	vadd.f32 v56, v30;
	v31 =	vadd.f32 v33, v63;
	v29 =	vmul.f32 v11, v29  }
.LBB2_12:
0x25e: {  	s30 =	smov.u32 s31  }
0x25f: {  	s0 =	sand.u32 $0x1000, s29;
	s1 =	sand.u32 $0xC00, s31;
	v33 =	vmul.f32 $1.280000000e+02, v21;
	v21 =	vmul.f32 v9, v21;
	v34 =	vmin.f32 v20, $4.095000000e+03;
	v35 =	vld [tilespmem:s26+$0x4060];
	s30 =	sadd.s32 $0x400, s31  }
0x260: {  	p0 =	sne.s32 s31, $0xFC00;
	v28 =	vadd.f32 v28, v30;
	s0 =	sor.u32 s1, s0;
	s1 =	sand.u32 $0x380, s28;
	v20 =	vld.idx.msk [tilespmem:v23+s20+$0x0], $0xffff;
	v23 =	vmul.f32 v18, v8;
	v8 =	vmax.f32 v32, $0.0e+00  }
0x261: {  	v24 =	vcvt.f32.s32 v24;
	v31 =	vadd.f32 v25, v31;
	v30 =	vld [tilespmem:s26+$0x4040];
	s26 =	sor.u32 s1, s0;
	v8 =	vmin.f32 v8, $4.095000000e+03  }
0x262: {  	v37 =	vmul.f32 v25, v3;
	v14 =	vadd.f32 v29, v14;
	v32 =	vld [tilespmem:s26+$0x4010];
	v8 =	vtrunc.f32 v8  }
0x263: {  	v4 =	vadd.f32 v4, v15;
	v25 =	vld.idx.msk [tilespmem:v27+s20+$0x0], $0xffff;
	v27 =	vtrunc.f32 v34;
	v29 =	vcvt.f32.s32 v8  }
0x264: {  	v36 =	vadd.f32 v37, v28;
	v8 =	vadd.f32 v11, v12;
	v12 =	vmul.f32 v6, v7;
	v3 =	vmovc v35;
	v34 =	vld [tilespmem:s26+$0x4050]  }
0x265: {  	v28 =	vadd.f32 v21, v4;
	v7 =	vmin.f32 v26, $4.095000000e+03;
	v4 =	vmul.f32 v3, v16;
	v15 =	vld [tilespmem:s26+$0x10]  }
0x266: {  	v10 =	vadd.f32 v10, v14;
	v21 =	vtrunc.f32 v7;
	v35 =	vmul.f32 v20, v18;
	v16 =	vld [tilespmem:s26+$0x50]  }
0x267: {  	v14 =	vadd.f32 $2.048500000e+03, v33;
	v27 =	vcvt.f32.s32 v27;
	v26 =	vcvt.f32.s32 v21;
	v7 =	vld [tilespmem:s26+$0x70]  }
0x268: {  	v38 =	vadd.f32 v1, v8;
	v10 =	vadd.f32 v12, v10;
	v37 =	vmul.f32 v30, v5;
	v33 =	vld [tilespmem:s26+$0x30]  }
0x269: {  	v12 =	vadd.f32 $2.048500000e+03, v22;
	v5 =	vmax.f32 v14, $0.0e+00;
	v39 =	vmul.f32 v25, v2;
	v2 =	vmovc v32;
	v8 =	vld [tilespmem:s26+$0x20]  }
0x26a: {  	v13 =	vadd.f32 v9, v13;
	v14 =	vmin.f32 v5, $4.095000000e+03;
	v19 =	vadd.f32 v25, v19;
	v22 =	vld.idx.msk [tilespmem:v24+s20+$0x0], $0xffff  }
0x26b: {  	v12 =	vmax.f32 v12, $0.0e+00;
	v14 =	vtrunc.f32 v14;
	v24 =	vmul.f32 v2, v15;
	v5 =	vld [tilespmem:s26+$0x40]  }
0x26c: {  	v12 =	vmin.f32 v12, $4.095000000e+03;
	v32 =	vadd.f32 v6, v38;
	v25 =	vcvt.f32.s32 v14;
	v21 =	vld [tilespmem:s26+$0x0]  }
0x26d: {  	v23 =	vadd.f32 v23, v28;
	v14 =	vadd.f32 v24, v10;
	v24 =	vld.idx.msk [tilespmem:v27+s20+$0x0], $0xffff;
	v27 =	vtrunc.f32 v12  }
0x26e: {  	v13 =	vadd.f32 v18, v13;
	v12 =	vadd.f32 v2, v32;
	v28 =	vmul.f32 $1.280000000e+02, v8;
	v32 =	vld [tilespmem:s26+$0x4070]  }
0x26f: {  	v18 =	vmul.f32 $1.280000000e+02, v15;
	v15 =	vadd.f32 v37, v23;
	v10 =	vmul.f32 v34, v16;
	v23 =	vld.idx.msk [tilespmem:v29+s20+$0x0], $0xffff  }
0x270: {  	v19 =	vadd.f32 v22, v19;
	v11 =	vmul.f32 v22, v11;
	v28 =	vadd.f32 $2.048500000e+03, v28;
	v37 =	vld.idx.msk [tilespmem:v26+s20+$0x0], $0xffff  }
0x271: {  	v17 =	vadd.f32 v39, v17;
	v22 =	vmul.f32 $1.280000000e+02, v33;
	v26 =	vmul.f32 $1.280000000e+02, v5  }
0x272: {  	v13 =	vadd.f32 v30, v13;
	v27 =	vcvt.f32.s32 v27;
	v28 =	vmax.f32 v28, $0.0e+00;
	v25 =	vld.idx.msk [tilespmem:v25+s20+$0x0], $0xffff  }
0x273: {  	v38 =	vmul.f32 $1.280000000e+02, v7;
	v22 =	vadd.f32 $2.048500000e+03, v22;
	v19 =	vadd.f32 v24, v19  }
0x274: {  	v18 =	vadd.f32 $2.048500000e+03, v18;
	v26 =	vadd.f32 $2.048500000e+03, v26;
	v28 =	vmin.f32 v28, $4.095000000e+03  }
0x275: {  	v13 =	vadd.f32 v3, v13;
	v17 =	vadd.f32 v11, v17;
	v29 =	vtrunc.f32 v28  }
0x276: {  	v18 =	vmax.f32 v18, $0.0e+00;
	v11 =	vmax.f32 v22, $0.0e+00;
	v22 =	vmul.f32 v24, v1;
	v1 =	vmovc v34  }
0x277: {  	v34 =	vmul.f32 $1.280000000e+02, v16;
	v11 =	vmin.f32 v11, $4.095000000e+03;
	v39 =	vmul.f32 v23, v6;
	v6 =	vmovc v32;
	v16 =	vld [tilespmem:s26+$0x60]  }
0x278: {  	v24 =	vtrunc.f32 v11;
	v31 =	vadd.f32 v25, v31;
	v32 =	vmul.f32 v25, v9;
	v25 =	vld.idx.msk [tilespmem:v27+s20+$0x0], $0xffff  }
0x279: {  	v19 =	vadd.f32 v23, v19;
	v28 =	vmul.f32 v37, v30;
	v17 =	vadd.f32 v22, v17;
	v11 =	vld [tilespmem:s26+$0x4030]  }
.Ltmp5:
0x27a: {  	v18 =	vmin.f32 v18, $4.095000000e+03;
	v23 =	vcvt.f32.s32 v29;
	v29 =	vadd.f32 v32, v36;
	v9 =	vld [tilespmem:s26+$0x4000];
	(pc) =	sbr.rel @p0 .LBB2_12-.Ltmp5, $4  }
0x27b: {  	v22 =	vtrunc.f32 v18;
	v30 =	vadd.f32 $2.048500000e+03, v34;
	v31 =	vadd.f32 v20, v31;
	v18 =	vld [tilespmem:s26+$0x4020]  }
0x27c: {  	v26 =	vmax.f32 v26, $0.0e+00;
	v17 =	vadd.f32 v39, v17;
	v27 =	vcvt.f32.s32 v22  }
0x27d: {  	v20 =	vmax.f32 v30, $0.0e+00;
	v30 =	vadd.f32 v35, v29;
	v22 =	vmul.f32 $1.280000000e+02, v16  }
0x27e: {  	s29 =	sadd.s32 $0x80, s29;
	s28 =	sadd.s32 $0x20, s28;
	s31 =	smov.u32 s30;
	v32 =	vadd.f32 $2.048500000e+03, v38;
	v31 =	vadd.f32 v37, v31;
	v29 =	vmul.f32 v11, v33  }
0x27f: {  	v33 =	vmul.f32 $1.280000000e+02, v21;
	_ =	sdelay $0x1  }
0x280: {  	v33 =	vadd.f32 $2.048500000e+03, v33  }
0x281: {  	v39 =	vmul.f32 v9, v21  }
0x282: {  	v20 =	vmin.f32 v20, $4.095000000e+03;
	v28 =	vadd.f32 v28, v30;
	v33 =	vmax.f32 v33, $0.0e+00  }
0x283: {  	v24 =	vcvt.f32.s32 v24;
	v3 =	vmul.f32 v25, v3;
	v40 =	vmin.f32 v33, $4.095000000e+03  }
0x284: {  	v22 =	vadd.f32 $2.048500000e+03, v22;
	v26 =	vmin.f32 v26, $4.095000000e+03;
	v30 =	vtrunc.f32 v40  }
0x285: {  	v4 =	vadd.f32 v4, v15;
	v12 =	vadd.f32 v11, v12;
	v41 =	vcvt.f32.s32 v30  }
0x286: {  	v49 =	vadd.f32 v9, v13;
	v32 =	vmax.f32 v32, $0.0e+00;
	v20 =	vtrunc.f32 v20  }
0x287: {  	v31 =	vadd.f32 v25, v31;
	v26 =	vtrunc.f32 v26;
	v8 =	vmul.f32 v18, v8  }
0x288: {  	v44 =	vld [tilespmem:s26+$0x4040];
	v32 =	vmin.f32 v32, $4.095000000e+03;
	v20 =	vcvt.f32.s32 v20;
	v22 =	vmax.f32 v22, $0.0e+00  }
0x289: {  	v27 =	vld.idx.msk [tilespmem:v27+s20+$0x0], $0xffff;
	v45 =	vcvt.f32.s32 v26;
	v42 =	vtrunc.f32 v32;
	v22 =	vmin.f32 v22, $4.095000000e+03  }
0x28a: {  	v47 =	vld [tilespmem:s26+$0x4060];
	v14 =	vadd.f32 v29, v14;
	v43 =	vcvt.f32.s32 v42;
	v22 =	vtrunc.f32 v22  }
0x28b: {  	v4 =	vadd.f32 v39, v4;
	v12 =	vadd.f32 v1, v12;
	v22 =	vcvt.f32.s32 v22;
	v46 =	vld.idx.msk [tilespmem:v41+s20+$0x0], $0xffff  }
0x28c: {  	v7 =	vmul.f32 v6, v7;
	v3 =	vadd.f32 v3, v28;
	v10 =	vadd.f32 v10, v14;
	v24 =	vld.idx.msk [tilespmem:v24+s20+$0x0], $0xffff  }
0x28d: {  	v48 =	vld.idx.msk [tilespmem:v23+s20+$0x0], $0xffff;
	v4 =	vadd.f32 v8, v4;
	v12 =	vadd.f32 v6, v12  }
0x28e: {  	v7 =	vadd.f32 v7, v10;
	v5 =	vmul.f32 v44, v5;
	v2 =	vmul.f32 v27, v2;
	v51 =	vld.idx.msk [tilespmem:v20+s20+$0x0], $0xffff  }
0x28f: {  	v50 =	vadd.f32 v27, v19;
	v10 =	vadd.f32 v18, v49;
	v15 =	vld.idx.msk [tilespmem:v45+s20+$0x0], $0xffff  }
0x290: {  	v4 =	vadd.f32 v5, v4;
	v2 =	vadd.f32 v2, v17;
	v52 =	vld.idx.msk [tilespmem:v43+s20+$0x0], $0xffff;
	v53 =	vmul.f32 v46, v9  }
0x291: {  	v10 =	vadd.f32 v44, v10;
	v54 =	vmul.f32 v24, v11;
	v55 =	vld.idx.msk [tilespmem:v22+s20+$0x0], $0xffff;
	v14 =	vadd.f32 v46, v31  }
0x292: {  	v56 =	vmul.f32 v48, v18;
	v13 =	vadd.f32 v24, v50;
	v3 =	vadd.f32 v53, v3  }
0x293: {  	v2 =	vadd.f32 v54, v2;
	v57 =	vadd.f32 v48, v14  }
0x294: {  	v1 =	vmul.f32 v51, v1;
	v58 =	vmul.f32 v15, v44;
	v3 =	vadd.f32 v56, v3  }
0x295: {  	v8 =	vadd.f32 v51, v13;
	v59 =	vmul.f32 v52, v6;
	v9 =	vadd.f32 v15, v57  }
0x296: {  	v1 =	vadd.f32 v1, v2;
	v2 =	vadd.f32 v58, v3;
	v3 =	vmul.f32 v55, v47  }
0x297: {  	v60 =	vmul.f32 v47, v16;
	v5 =	vadd.f32 v52, v8;
	v61 =	vadd.f32 v55, v9  }
0x298: {  	v1 =	vadd.f32 v59, v1;
	v2 =	vadd.f32 v3, v2  }
0x299: {  	v3 =	vadd.f32 v60, v4;
	v62 =	vadd.f32 v5, v61  }
0x29a: {  	v63 =	vadd.f32 v47, v10;
	v1 =	vadd.f32 v1, v2  }
0x29b: {  	[tilespmem:$0x9000] =	vst v62;
	v2 =	vadd.f32 v7, v3  }
0x29c: {  	s25 =	sadd.s32 $0x1, s25;
	[tilespmem:$0x9010] =	vst v1;
	v1 =	vadd.f32 v12, v63  }
0x29d: {  	p0 =	sne.s32 s25, s14;
	[tilespmem:$0x9020] =	vst v2  }
.Ltmp6:
0x29e: {  	[tilespmem:$0x9030] =	vst v1;
	(pc) =	sbr.rel @p0 .LBB2_1-.Ltmp6, $4  }
0x29f: {  	[hbm4b:s13+s2] =	stream.linear.scatter [tilespmem:s23], [sflag:$0x5], $0x80, $0x38;
	[tilespmem:$0x9080] =	vst v63  }
0x2a0: {  	_ =	swait.ge [sflag:s24], $0x80  }
0x2a1: {  	[sflag:s24] =	ssyncset.done $0x0  }
0x2a2: {  	[sflag:s24] =	ssyncadd.s32 $0xFFFFFF80  }
0x2a3: {  	_ =	sfence.sel $0x180000  }
0x2a4: {  	[bflag:$0x0] =	sbarrier.arrive $0xFFFF  }
0x2a5: {  	_ =	strace $0x90000047  }
0x2a6: {  	s0 =	stileid.u32;
	[bflag:$0x2] =	sbarrier.arrive $0xFFFF  }
0x2a7: {  	p0 =	sne.s32 s0, $0x0;
	s0 =	rddreg [dreg:$0x3]  }
0x2a8: {  	s0 =	sadd.s32 @!p0 $0x100000, s0  }
0x2a9: {  	[sflag:s0] =	ssyncadd.tile.s32 @!p0 $0x1;
	_ =	shalt  }
.Lfunc_end2:
_tile_overlayer_lowered:
.L_overlay_start_2:
0x2aa: {  	(tag) =	ssettag $0x2  }
0x2ab: {  	s0 =	rddreg [dreg:$0x0];
	s2 =	stileid.u32  }
0x2ac: {  	s1 =	rddreg [dreg:$0x1];
	p0 =	sne.s32 s2, $0x0  }
0x2ad: {  	s3 =	rddreg [dreg:$0x2];
	[bflag:$0x3] =	sbarrier.arrive $0xFFFF;
	s2 =	simm.s32 @!p0 $0x1C05  }
0x2ae: {  	[timem:s3], [sflag:s2] =	dma.local @!p0 [hbm:s0], s1  }
0x2af: {  	s0 =	simm.s32 @!p0 $0x5  }
0x2b0: {  	_ =	swait.ge @!p0 [sflag:s0], s1  }
0x2b1: {  	s1 =	ssub.s32 @!p0 $0x0, s1;
	[sflag:s0] =	ssyncset.done @!p0 $0x0  }
0x2b2: {  	[sflag:s0] =	ssyncadd.s32 @!p0 s1  }
0x2b3: {  	[bflag:$0x3] =	sbarrier.arrive $0xFFFF  }
0x2b4: {  	_ =	shalt  }

</sc_bundles>
